<compile_context>
chip_gen: v7x
topology: tpu7x:2x2x1
jax: 0.10.2.dev20260603
libtpu: 0.0.44.dev20260713+nightly
codegen_flags: <defaults>
</compile_context>

<pallas_src>
import functools

import jax
import jax.numpy as jnp
from jax import lax
from jax.experimental import pallas as pl
from jax.experimental.pallas import tpu as pltpu
from jax.experimental.pallas import tpu_sc as plsc


def _sc_gather(table, flat_idx):
    info = plsc.get_sparse_core_info()
    NC, NS = info.num_cores, info.num_subcores
    NW = NC * NS
    N = flat_idx.shape[0]
    E = table.shape[1]
    b_per_w = N // NW
    CH = next(
        c for c in range(128, 7, -8)
        if b_per_w % c == 0 and (b_per_w // c) % 2 == 0
    )
    n_ch = b_per_w // CH
    assert b_per_w * NW == N and n_ch * CH == b_per_w

    mesh = plsc.VectorSubcoreMesh(core_axis_name="c", subcore_axis_name="s")

    @functools.partial(
        pl.kernel,
        out_type=jax.ShapeDtypeStruct((N, E), table.dtype),
        mesh=mesh,
        scratch_types=[
            pltpu.VMEM((b_per_w,), jnp.int32),
            pltpu.VMEM((2, CH, E), table.dtype),
            pltpu.SemaphoreType.DMA,
            pltpu.SemaphoreType.DMA,
        ],
        compiler_params=pltpu.CompilerParams(use_tc_tiling_on_sc=False),
    )
    def k(tab_hbm, idx_hbm, out_hbm, idx_v, rows_v, sem0, sem1):
        wid = lax.axis_index("s") * NC + lax.axis_index("c")
        base = wid * b_per_w
        pltpu.sync_copy(idx_hbm.at[pl.ds(base, b_per_w)], idx_v)
        sems = (sem0, sem1)

        def start(c, slot):
            pltpu.async_copy(
                tab_hbm.at[idx_v.at[pl.ds(c * CH, CH)]],
                rows_v.at[slot],
                sems[slot],
            )

        def finish(c, slot):
            pltpu.make_async_copy(
                tab_hbm.at[idx_v.at[pl.ds(c * CH, CH)]],
                rows_v.at[slot],
                sems[slot],
            ).wait()
            pltpu.sync_copy(
                rows_v.at[slot], out_hbm.at[pl.ds(base + c * CH, CH)]
            )

        start(0, 0)
        start(1, 1)

        def body(g, carry):
            for j in range(2):
                c = 2 * g + j
                finish(c, j)

                @pl.when(c + 2 < n_ch)
                def _():
                    start(c + 2, j)

            return carry

        lax.fori_loop(0, n_ch // 2, body, 0)

    return k(table, flat_idx)


def _proj_body(w_ref, g_ref, b_ref, out_ref):
    for i in range(g_ref.shape[0]):
        g = g_ref[i]
        acc = lax.dot_general(
            w_ref[...], g,
            dimension_numbers=(((1,), (1,)), ((), ())),
            preferred_element_type=jnp.float32,
        )
        out_ref[i] = acc + b_ref[...]


def _proj_body_alias(w_ref, g_ref, b_ref, alias_ref, out_ref):
    del alias_ref
    _proj_body(w_ref, g_ref, b_ref, out_ref)


def _tc_proj_chunk(Wb, Gk, b2, S, off, out_prev=None, sb=1):
    S_CH, Bb, E = Gk.shape
    V = Wb.shape[0]
    in_specs = [
        pl.BlockSpec((V, E), lambda s: (0, 0)),
        pl.BlockSpec((sb, Bb, E), lambda s: (s, 0, 0)),
        pl.BlockSpec((V, 1), lambda s: (0, 0)),
    ]
    args = [Wb, Gk, b2]
    body = _proj_body
    aliases = {}
    if out_prev is not None:
        in_specs.append(pl.BlockSpec(memory_space=pl.ANY))
        args.append(out_prev)
        body = _proj_body_alias
        aliases = {3: 0}
    noff = off // sb
    return pl.pallas_call(
        body,
        grid=(S_CH // sb,),
        in_specs=in_specs,
        out_specs=pl.BlockSpec((sb, V, Bb), lambda s, noff=noff: (s + noff, 0, 0)),
        out_shape=jax.ShapeDtypeStruct((S, V, Bb), jnp.float32),
        input_output_aliases=aliases,
    )(*args)


def kernel(x, tkn_emb_table, W, b):
    Bb, S = x.shape
    V, E = tkn_emb_table.shape
    tb = tkn_emb_table.astype(jnp.bfloat16)
    Wb = W.astype(jnp.bfloat16)
    b2 = b.reshape(V, 1)
    idx_t = x.T.reshape(-1)
    chunks = (10,) * 5
    assert sum(chunks) == S
    offs, gathers, off = [], [], 0
    for ch in chunks:
        offs.append(off)
        gathers.append(
            _sc_gather(tb, lax.slice(idx_t, (off * Bb,), ((off + ch) * Bb,)))
            .reshape(ch, Bb, E)
        )
        off += ch
    out_t = None
    for off_k, Gk in zip(offs, gathers):
        out_t = _tc_proj_chunk(Wb, Gk, b2, S, off_k, out_t, sb=2)
    return jnp.transpose(out_t, (2, 0, 1))

# --- scband reference (transcript-rebuilt; emitter-appended) ---
"""Pipeline reference for scband-char-v2-62311385530568 (READ-ONLY COPY).

The authoritative reference and input builder live on the scoring server;
editing this copy changes nothing except your own understanding.
"""

import jax, jax.numpy as jnp
import numpy as np

B, S = 1024, 50
VOCAB = 1000
EMB = 128


def setup_inputs(seed: int = 0) -> dict:
    key = jax.random.key(seed)
    k1, k2, k3, k4 = jax.random.split(key, 4)
    x = jax.random.randint(k1, (B, S), 0, VOCAB, dtype=jnp.int32)
    tkn_emb_table = jax.random.normal(k2, (VOCAB, EMB), dtype=jnp.float32)
    # nn.Linear(emb_dim, vocab_size): weight [vocab, emb], bias [vocab]
    W = jax.random.normal(k3, (VOCAB, EMB), dtype=jnp.float32) * 0.02
    b = jax.random.normal(k4, (VOCAB,), dtype=jnp.float32) * 0.01
    return {"x": x, "tkn_emb_table": tkn_emb_table, "W": W, "b": b}


def reference(x, tkn_emb_table, W, b):
    # tkn_emb = self.tkn_emb_table(x)  -> embedding gather
    tkn_emb = jnp.take(tkn_emb_table, x, axis=0)  # [B, S, EMB]
    # logits = self.linear(tkn_emb)
    logits = jnp.einsum('bse,ve->bsv', tkn_emb, W) + b  # [B, S, VOCAB]
    # targets is None -> loss is None; return logits only
    return logits

if __name__ == "__main__":
    import jax
    _d = setup_inputs()
    print(jax.jit(kernel)(*tuple(_d.values())))

</pallas_src>

<mosaic_0001>
#map = affine_map<(d0, d1) -> (0, 0)>
#map1 = affine_map<(d0, d1) -> (0)>
module attributes {stable_mosaic.version = 14 : i64} {
  func.func @k(%arg0: i32, %arg1: i32, %arg2: memref<1000x128xbf16, #tpu.memory_space<hbm>>, %arg3: memref<10240xi32, #tpu.memory_space<hbm>>, %arg4: memref<10240x128xbf16, #tpu.memory_space<hbm>>, %arg5: memref<320xi32, #tpu.memory_space<vmem>>, %arg6: memref<2x80x128xbf16, #tpu.memory_space<vmem>>, %arg7: memref<!tpu.dma_semaphore, #tpu.memory_space<semaphore_mem>>, %arg8: memref<!tpu.dma_semaphore, #tpu.memory_space<semaphore_mem>>) attributes {dimension_semantics = [#tpu.dimension_semantics<core_parallel>, #tpu.dimension_semantics<subcore_parallel>], iteration_bounds = array<i64: 2, 16>, scalar_prefetch = 0 : i64, scratch_operands = 4 : i64, tpu.core_type = #tpu.core_type<sc_vector_subcore>, window_params = [{transform_indices = #map}, {transform_indices = #map1}, {transform_indices = #map}]} {
    %mul3A = arith.constant 2 : i32
    %mul3A_0 = arith.muli %arg1, %mul3A : i32
    %add3A = arith.addi %mul3A_0, %arg0 : i32
    %mul3A_1 = arith.constant 320 : i32
    %mul3A_2 = arith.muli %add3A, %mul3A_1 : i32
    "tpu.region"() ({
      %run_scoped3A = tpu.sem_alloc : memref<!tpu.dma_semaphore, #tpu.memory_space<semaphore_mem>>
      %dma_start3A_27 = tpu.memref_slice %arg3[%mul3A_2] : memref<10240xi32, #tpu.memory_space<hbm>> -> memref<320xi32, #tpu.memory_space<hbm>>
      %dma_start3A_28 = tpu.memref_slice %arg3[%mul3A_2] : memref<10240xi32, #tpu.memory_space<hbm>> -> memref<320xi32, #tpu.memory_space<hbm>>
      tpu.enqueue_dma source(%dma_start3A_28 : memref<320xi32, #tpu.memory_space<hbm>>) target(%arg5 : memref<320xi32, #tpu.memory_space<vmem>>) target_semaphore(%run_scoped3A : memref<!tpu.dma_semaphore, #tpu.memory_space<semaphore_mem>>)
      %dma_wait3A = tpu.memref_slice %arg3[%mul3A_2] : memref<10240xi32, #tpu.memory_space<hbm>> -> memref<320xi32, #tpu.memory_space<hbm>>
      %dma_wait3A_29 = tpu.memref_slice %arg3[%mul3A_2] : memref<10240xi32, #tpu.memory_space<hbm>> -> memref<320xi32, #tpu.memory_space<hbm>>
      tpu.wait_dma2 semaphore(%run_scoped3A : memref<!tpu.dma_semaphore, #tpu.memory_space<semaphore_mem>>) src(%dma_wait3A_29 : memref<320xi32, #tpu.memory_space<hbm>>) dst(%arg5 : memref<320xi32, #tpu.memory_space<vmem>>)
      tpu.yield
    }) : () -> ()
    %dma_start3A = arith.constant 0 : i32
    %dma_start3A_3 = arith.constant 0 : i32
    %dma_start3A_4 = arith.constant 0 : i32
    %dma_start3A_5 = tpu.memref_slice %arg6[%dma_start3A, %dma_start3A_3, %dma_start3A_4] : memref<2x80x128xbf16, #tpu.memory_space<vmem>> -> memref<1x80x128xbf16, #tpu.memory_space<vmem>>
    %dma_start3A_6 = tpu.memref_squeeze %dma_start3A_5 : memref<1x80x128xbf16, #tpu.memory_space<vmem>> -> memref<80x128xbf16, #tpu.memory_space<vmem>>
    %dma_start3A_7 = arith.constant 0 : i32
    %dma_start3A_8 = tpu.memref_slice %arg5[%dma_start3A_7] : memref<320xi32, #tpu.memory_space<vmem>> -> memref<80xi32, #tpu.memory_space<vmem>>
    %dma_start3A_9 = arith.constant 0 : i32
    %dma_start3A_10 = arith.constant 0 : i32
    %dma_start3A_11 = tpu.memref_slice %arg2[%dma_start3A_9, %dma_start3A_10] : memref<1000x128xbf16, #tpu.memory_space<hbm>> -> memref<1000x128xbf16, #tpu.memory_space<hbm>>
    tpu.enqueue_indirect_dma source(%dma_start3A_11 : memref<1000x128xbf16, #tpu.memory_space<hbm>>) target(%dma_start3A_6 : memref<80x128xbf16, #tpu.memory_space<vmem>>) offsets(%dma_start3A_8 : memref<80xi32, #tpu.memory_space<vmem>>) semaphore(%arg7 : memref<!tpu.dma_semaphore, #tpu.memory_space<semaphore_mem>>)
    %dma_start3A_12 = arith.constant 1 : i32
    %dma_start3A_13 = arith.constant 0 : i32
    %dma_start3A_14 = arith.constant 0 : i32
    %dma_start3A_15 = tpu.memref_slice %arg6[%dma_start3A_12, %dma_start3A_13, %dma_start3A_14] : memref<2x80x128xbf16, #tpu.memory_space<vmem>> -> memref<1x80x128xbf16, #tpu.memory_space<vmem>>
    %dma_start3A_16 = tpu.memref_squeeze %dma_start3A_15 : memref<1x80x128xbf16, #tpu.memory_space<vmem>> -> memref<80x128xbf16, #tpu.memory_space<vmem>>
    %dma_start3A_17 = arith.constant 80 : i32
    %dma_start3A_18 = tpu.memref_slice %arg5[%dma_start3A_17] : memref<320xi32, #tpu.memory_space<vmem>> -> memref<80xi32, #tpu.memory_space<vmem>>
    %dma_start3A_19 = arith.constant 0 : i32
    %dma_start3A_20 = arith.constant 0 : i32
    %dma_start3A_21 = tpu.memref_slice %arg2[%dma_start3A_19, %dma_start3A_20] : memref<1000x128xbf16, #tpu.memory_space<hbm>> -> memref<1000x128xbf16, #tpu.memory_space<hbm>>
    tpu.enqueue_indirect_dma source(%dma_start3A_21 : memref<1000x128xbf16, #tpu.memory_space<hbm>>) target(%dma_start3A_16 : memref<80x128xbf16, #tpu.memory_space<vmem>>) offsets(%dma_start3A_18 : memref<80xi32, #tpu.memory_space<vmem>>) semaphore(%arg8 : memref<!tpu.dma_semaphore, #tpu.memory_space<semaphore_mem>>)
    %scan3A = arith.constant 0 : i32
    %scan3A_22 = arith.constant 0 : i32
    %scan3A_23 = arith.constant 2 : i32
    %scan3A_24 = arith.addi %scan3A_22, %scan3A_23 : i32
    %scan3A_25 = arith.constant 1 : i32
    scf.for %scan3A_27 = %scan3A_22 to %scan3A_24 step %scan3A_25  : i32 {
      %mul3A_28 = arith.constant 2 : i32
      %mul3A_29 = arith.muli %mul3A_28, %scan3A_27 : i32
      %add3A_30 = arith.constant 0 : i32
      %add3A_31 = arith.addi %mul3A_29, %add3A_30 : i32
      %mul3A_32 = arith.constant 80 : i32
      %mul3A_33 = arith.muli %add3A_31, %mul3A_32 : i32
      %dma_wait3A = arith.constant 0 : i32
      %dma_wait3A_34 = arith.constant 0 : i32
      %dma_wait3A_35 = arith.constant 0 : i32
      %dma_wait3A_36 = tpu.memref_slice %arg6[%dma_wait3A, %dma_wait3A_34, %dma_wait3A_35] : memref<2x80x128xbf16, #tpu.memory_space<vmem>> -> memref<1x80x128xbf16, #tpu.memory_space<vmem>>
      %dma_wait3A_37 = tpu.memref_squeeze %dma_wait3A_36 : memref<1x80x128xbf16, #tpu.memory_space<vmem>> -> memref<80x128xbf16, #tpu.memory_space<vmem>>
      %dma_wait3A_38 = tpu.memref_slice %arg5[%mul3A_33] : memref<320xi32, #tpu.memory_space<vmem>> -> memref<80xi32, #tpu.memory_space<vmem>>
      %dma_wait3A_39 = arith.constant 0 : i32
      %dma_wait3A_40 = arith.constant 0 : i32
      %dma_wait3A_41 = tpu.memref_slice %arg2[%dma_wait3A_39, %dma_wait3A_40] : memref<1000x128xbf16, #tpu.memory_space<hbm>> -> memref<1000x128xbf16, #tpu.memory_space<hbm>>
      tpu.wait_indirect_dma semaphore(%arg7 : memref<!tpu.dma_semaphore, #tpu.memory_space<semaphore_mem>>) src(%dma_wait3A_41 : memref<1000x128xbf16, #tpu.memory_space<hbm>>) dst(%dma_wait3A_37 : memref<80x128xbf16, #tpu.memory_space<vmem>>)
      %mul3A_42 = arith.constant 80 : i32
      %mul3A_43 = arith.muli %add3A_31, %mul3A_42 : i32
      %add3A_44 = arith.addi %mul3A_2, %mul3A_43 : i32
      %run_scoped3A = arith.constant 0 : i32
      "tpu.region"() ({
        %run_scoped3A_75 = tpu.sem_alloc : memref<!tpu.dma_semaphore, #tpu.memory_space<semaphore_mem>>
        %dma_start3A_76 = arith.constant 0 : i32
        %dma_start3A_77 = arith.constant 0 : i32
        %dma_start3A_78 = tpu.memref_slice %arg6[%run_scoped3A, %dma_start3A_76, %dma_start3A_77] : memref<2x80x128xbf16, #tpu.memory_space<vmem>> -> memref<1x80x128xbf16, #tpu.memory_space<vmem>>
        %dma_start3A_79 = tpu.memref_squeeze %dma_start3A_78 : memref<1x80x128xbf16, #tpu.memory_space<vmem>> -> memref<80x128xbf16, #tpu.memory_space<vmem>>
        %dma_start3A_80 = arith.constant 0 : i32
        %dma_start3A_81 = tpu.memref_slice %arg4[%add3A_44, %dma_start3A_80] : memref<10240x128xbf16, #tpu.memory_space<hbm>> -> memref<80x128xbf16, #tpu.memory_space<hbm>>
        %dma_start3A_82 = arith.constant 0 : i32
        %dma_start3A_83 = tpu.memref_slice %arg4[%add3A_44, %dma_start3A_82] : memref<10240x128xbf16, #tpu.memory_space<hbm>> -> memref<80x128xbf16, #tpu.memory_space<hbm>>
        %dma_start3A_84 = arith.constant 0 : i32
        %dma_start3A_85 = arith.constant 0 : i32
        %dma_start3A_86 = tpu.memref_slice %arg6[%run_scoped3A, %dma_start3A_84, %dma_start3A_85] : memref<2x80x128xbf16, #tpu.memory_space<vmem>> -> memref<1x80x128xbf16, #tpu.memory_space<vmem>>
        %dma_start3A_87 = tpu.memref_squeeze %dma_start3A_86 : memref<1x80x128xbf16, #tpu.memory_space<vmem>> -> memref<80x128xbf16, #tpu.memory_space<vmem>>
        tpu.enqueue_dma source(%dma_start3A_87 : memref<80x128xbf16, #tpu.memory_space<vmem>>) target(%dma_start3A_83 : memref<80x128xbf16, #tpu.memory_space<hbm>>) target_semaphore(%run_scoped3A_75 : memref<!tpu.dma_semaphore, #tpu.memory_space<semaphore_mem>>)
        %dma_wait3A_88 = arith.constant 0 : i32
        %dma_wait3A_89 = arith.constant 0 : i32
        %dma_wait3A_90 = tpu.memref_slice %arg6[%run_scoped3A, %dma_wait3A_88, %dma_wait3A_89] : memref<2x80x128xbf16, #tpu.memory_space<vmem>> -> memref<1x80x128xbf16, #tpu.memory_space<vmem>>
        %dma_wait3A_91 = tpu.memref_squeeze %dma_wait3A_90 : memref<1x80x128xbf16, #tpu.memory_space<vmem>> -> memref<80x128xbf16, #tpu.memory_space<vmem>>
        %dma_wait3A_92 = arith.constant 0 : i32
        %dma_wait3A_93 = tpu.memref_slice %arg4[%add3A_44, %dma_wait3A_92] : memref<10240x128xbf16, #tpu.memory_space<hbm>> -> memref<80x128xbf16, #tpu.memory_space<hbm>>
        %dma_wait3A_94 = arith.constant 0 : i32
        %dma_wait3A_95 = tpu.memref_slice %arg4[%add3A_44, %dma_wait3A_94] : memref<10240x128xbf16, #tpu.memory_space<hbm>> -> memref<80x128xbf16, #tpu.memory_space<hbm>>
        %dma_wait3A_96 = arith.constant 0 : i32
        %dma_wait3A_97 = arith.constant 0 : i32
        %dma_wait3A_98 = tpu.memref_slice %arg6[%run_scoped3A, %dma_wait3A_96, %dma_wait3A_97] : memref<2x80x128xbf16, #tpu.memory_space<vmem>> -> memref<1x80x128xbf16, #tpu.memory_space<vmem>>
        %dma_wait3A_99 = tpu.memref_squeeze %dma_wait3A_98 : memref<1x80x128xbf16, #tpu.memory_space<vmem>> -> memref<80x128xbf16, #tpu.memory_space<vmem>>
        tpu.wait_dma2 semaphore(%run_scoped3A_75 : memref<!tpu.dma_semaphore, #tpu.memory_space<semaphore_mem>>) src(%dma_wait3A_99 : memref<80x128xbf16, #tpu.memory_space<vmem>>) dst(%dma_wait3A_95 : memref<80x128xbf16, #tpu.memory_space<hbm>>)
        tpu.yield
      }) : () -> ()
      %add3A_45 = arith.constant 2 : i32
      %add3A_46 = arith.addi %add3A_31, %add3A_45 : i32
      %lt3A = arith.constant 4 : i32
      %lt3A_47 = arith.cmpi slt, %add3A_46, %lt3A : i32
      %convert_element_type3A = arith.extui %lt3A_47 : i1 to i32
      %cond3A = arith.constant 0 : i32
      %cond3A_48 = arith.cmpi ne, %convert_element_type3A, %cond3A : i32
      scf.if %cond3A_48 {
        %add3A_75 = arith.constant 2 : i32
        %add3A_76 = arith.addi %add3A_31, %add3A_75 : i32
        %mul3A_77 = arith.constant 80 : i32
        %mul3A_78 = arith.muli %add3A_76, %mul3A_77 : i32
        %dma_start3A_79 = arith.constant 0 : i32
        %dma_start3A_80 = arith.constant 0 : i32
        %dma_start3A_81 = arith.constant 0 : i32
        %dma_start3A_82 = tpu.memref_slice %arg6[%dma_start3A_79, %dma_start3A_80, %dma_start3A_81] : memref<2x80x128xbf16, #tpu.memory_space<vmem>> -> memref<1x80x128xbf16, #tpu.memory_space<vmem>>
        %dma_start3A_83 = tpu.memref_squeeze %dma_start3A_82 : memref<1x80x128xbf16, #tpu.memory_space<vmem>> -> memref<80x128xbf16, #tpu.memory_space<vmem>>
        %dma_start3A_84 = tpu.memref_slice %arg5[%mul3A_78] : memref<320xi32, #tpu.memory_space<vmem>> -> memref<80xi32, #tpu.memory_space<vmem>>
        %dma_start3A_85 = arith.constant 0 : i32
        %dma_start3A_86 = arith.constant 0 : i32
        %dma_start3A_87 = tpu.memref_slice %arg2[%dma_start3A_85, %dma_start3A_86] : memref<1000x128xbf16, #tpu.memory_space<hbm>> -> memref<1000x128xbf16, #tpu.memory_space<hbm>>
        tpu.enqueue_indirect_dma source(%dma_start3A_87 : memref<1000x128xbf16, #tpu.memory_space<hbm>>) target(%dma_start3A_83 : memref<80x128xbf16, #tpu.memory_space<vmem>>) offsets(%dma_start3A_84 : memref<80xi32, #tpu.memory_space<vmem>>) semaphore(%arg7 : memref<!tpu.dma_semaphore, #tpu.memory_space<semaphore_mem>>)
      } else {
      }
      %mul3A_49 = arith.constant 2 : i32
      %mul3A_50 = arith.muli %mul3A_49, %scan3A_27 : i32
      %add3A_51 = arith.constant 1 : i32
      %add3A_52 = arith.addi %mul3A_50, %add3A_51 : i32
      %mul3A_53 = arith.constant 80 : i32
      %mul3A_54 = arith.muli %add3A_52, %mul3A_53 : i32
      %dma_wait3A_55 = arith.constant 1 : i32
      %dma_wait3A_56 = arith.constant 0 : i32
      %dma_wait3A_57 = arith.constant 0 : i32
      %dma_wait3A_58 = tpu.memref_slice %arg6[%dma_wait3A_55, %dma_wait3A_56, %dma_wait3A_57] : memref<2x80x128xbf16, #tpu.memory_space<vmem>> -> memref<1x80x128xbf16, #tpu.memory_space<vmem>>
      %dma_wait3A_59 = tpu.memref_squeeze %dma_wait3A_58 : memref<1x80x128xbf16, #tpu.memory_space<vmem>> -> memref<80x128xbf16, #tpu.memory_space<vmem>>
      %dma_wait3A_60 = tpu.memref_slice %arg5[%mul3A_54] : memref<320xi32, #tpu.memory_space<vmem>> -> memref<80xi32, #tpu.memory_space<vmem>>
      %dma_wait3A_61 = arith.constant 0 : i32
      %dma_wait3A_62 = arith.constant 0 : i32
      %dma_wait3A_63 = tpu.memref_slice %arg2[%dma_wait3A_61, %dma_wait3A_62] : memref<1000x128xbf16, #tpu.memory_space<hbm>> -> memref<1000x128xbf16, #tpu.memory_space<hbm>>
      tpu.wait_indirect_dma semaphore(%arg8 : memref<!tpu.dma_semaphore, #tpu.memory_space<semaphore_mem>>) src(%dma_wait3A_63 : memref<1000x128xbf16, #tpu.memory_space<hbm>>) dst(%dma_wait3A_59 : memref<80x128xbf16, #tpu.memory_space<vmem>>)
      %mul3A_64 = arith.constant 80 : i32
      %mul3A_65 = arith.muli %add3A_52, %mul3A_64 : i32
      %add3A_66 = arith.addi %mul3A_2, %mul3A_65 : i32
      %run_scoped3A_67 = arith.constant 1 : i32
      "tpu.region"() ({
        %run_scoped3A_75 = tpu.sem_alloc : memref<!tpu.dma_semaphore, #tpu.memory_space<semaphore_mem>>
        %dma_start3A_76 = arith.constant 0 : i32
        %dma_start3A_77 = arith.constant 0 : i32
        %dma_start3A_78 = tpu.memref_slice %arg6[%run_scoped3A_67, %dma_start3A_76, %dma_start3A_77] : memref<2x80x128xbf16, #tpu.memory_space<vmem>> -> memref<1x80x128xbf16, #tpu.memory_space<vmem>>
        %dma_start3A_79 = tpu.memref_squeeze %dma_start3A_78 : memref<1x80x128xbf16, #tpu.memory_space<vmem>> -> memref<80x128xbf16, #tpu.memory_space<vmem>>
        %dma_start3A_80 = arith.constant 0 : i32
        %dma_start3A_81 = tpu.memref_slice %arg4[%add3A_66, %dma_start3A_80] : memref<10240x128xbf16, #tpu.memory_space<hbm>> -> memref<80x128xbf16, #tpu.memory_space<hbm>>
        %dma_start3A_82 = arith.constant 0 : i32
        %dma_start3A_83 = tpu.memref_slice %arg4[%add3A_66, %dma_start3A_82] : memref<10240x128xbf16, #tpu.memory_space<hbm>> -> memref<80x128xbf16, #tpu.memory_space<hbm>>
        %dma_start3A_84 = arith.constant 0 : i32
        %dma_start3A_85 = arith.constant 0 : i32
        %dma_start3A_86 = tpu.memref_slice %arg6[%run_scoped3A_67, %dma_start3A_84, %dma_start3A_85] : memref<2x80x128xbf16, #tpu.memory_space<vmem>> -> memref<1x80x128xbf16, #tpu.memory_space<vmem>>
        %dma_start3A_87 = tpu.memref_squeeze %dma_start3A_86 : memref<1x80x128xbf16, #tpu.memory_space<vmem>> -> memref<80x128xbf16, #tpu.memory_space<vmem>>
        tpu.enqueue_dma source(%dma_start3A_87 : memref<80x128xbf16, #tpu.memory_space<vmem>>) target(%dma_start3A_83 : memref<80x128xbf16, #tpu.memory_space<hbm>>) target_semaphore(%run_scoped3A_75 : memref<!tpu.dma_semaphore, #tpu.memory_space<semaphore_mem>>)
        %dma_wait3A_88 = arith.constant 0 : i32
        %dma_wait3A_89 = arith.constant 0 : i32
        %dma_wait3A_90 = tpu.memref_slice %arg6[%run_scoped3A_67, %dma_wait3A_88, %dma_wait3A_89] : memref<2x80x128xbf16, #tpu.memory_space<vmem>> -> memref<1x80x128xbf16, #tpu.memory_space<vmem>>
        %dma_wait3A_91 = tpu.memref_squeeze %dma_wait3A_90 : memref<1x80x128xbf16, #tpu.memory_space<vmem>> -> memref<80x128xbf16, #tpu.memory_space<vmem>>
        %dma_wait3A_92 = arith.constant 0 : i32
        %dma_wait3A_93 = tpu.memref_slice %arg4[%add3A_66, %dma_wait3A_92] : memref<10240x128xbf16, #tpu.memory_space<hbm>> -> memref<80x128xbf16, #tpu.memory_space<hbm>>
        %dma_wait3A_94 = arith.constant 0 : i32
        %dma_wait3A_95 = tpu.memref_slice %arg4[%add3A_66, %dma_wait3A_94] : memref<10240x128xbf16, #tpu.memory_space<hbm>> -> memref<80x128xbf16, #tpu.memory_space<hbm>>
        %dma_wait3A_96 = arith.constant 0 : i32
        %dma_wait3A_97 = arith.constant 0 : i32
        %dma_wait3A_98 = tpu.memref_slice %arg6[%run_scoped3A_67, %dma_wait3A_96, %dma_wait3A_97] : memref<2x80x128xbf16, #tpu.memory_space<vmem>> -> memref<1x80x128xbf16, #tpu.memory_space<vmem>>
        %dma_wait3A_99 = tpu.memref_squeeze %dma_wait3A_98 : memref<1x80x128xbf16, #tpu.memory_space<vmem>> -> memref<80x128xbf16, #tpu.memory_space<vmem>>
        tpu.wait_dma2 semaphore(%run_scoped3A_75 : memref<!tpu.dma_semaphore, #tpu.memory_space<semaphore_mem>>) src(%dma_wait3A_99 : memref<80x128xbf16, #tpu.memory_space<vmem>>) dst(%dma_wait3A_95 : memref<80x128xbf16, #tpu.memory_space<hbm>>)
        tpu.yield
      }) : () -> ()
      %add3A_68 = arith.constant 2 : i32
      %add3A_69 = arith.addi %add3A_52, %add3A_68 : i32
      %lt3A_70 = arith.constant 4 : i32
      %lt3A_71 = arith.cmpi slt, %add3A_69, %lt3A_70 : i32
      %convert_element_type3A_72 = arith.extui %lt3A_71 : i1 to i32
      %cond3A_73 = arith.constant 0 : i32
      %cond3A_74 = arith.cmpi ne, %convert_element_type3A_72, %cond3A_73 : i32
      scf.if %cond3A_74 {
        %add3A_75 = arith.constant 2 : i32
        %add3A_76 = arith.addi %add3A_52, %add3A_75 : i32
        %mul3A_77 = arith.constant 80 : i32
        %mul3A_78 = arith.muli %add3A_76, %mul3A_77 : i32
        %dma_start3A_79 = arith.constant 1 : i32
        %dma_start3A_80 = arith.constant 0 : i32
        %dma_start3A_81 = arith.constant 0 : i32
        %dma_start3A_82 = tpu.memref_slice %arg6[%dma_start3A_79, %dma_start3A_80, %dma_start3A_81] : memref<2x80x128xbf16, #tpu.memory_space<vmem>> -> memref<1x80x128xbf16, #tpu.memory_space<vmem>>
        %dma_start3A_83 = tpu.memref_squeeze %dma_start3A_82 : memref<1x80x128xbf16, #tpu.memory_space<vmem>> -> memref<80x128xbf16, #tpu.memory_space<vmem>>
        %dma_start3A_84 = tpu.memref_slice %arg5[%mul3A_78] : memref<320xi32, #tpu.memory_space<vmem>> -> memref<80xi32, #tpu.memory_space<vmem>>
        %dma_start3A_85 = arith.constant 0 : i32
        %dma_start3A_86 = arith.constant 0 : i32
        %dma_start3A_87 = tpu.memref_slice %arg2[%dma_start3A_85, %dma_start3A_86] : memref<1000x128xbf16, #tpu.memory_space<hbm>> -> memref<1000x128xbf16, #tpu.memory_space<hbm>>
        tpu.enqueue_indirect_dma source(%dma_start3A_87 : memref<1000x128xbf16, #tpu.memory_space<hbm>>) target(%dma_start3A_83 : memref<80x128xbf16, #tpu.memory_space<vmem>>) offsets(%dma_start3A_84 : memref<80xi32, #tpu.memory_space<vmem>>) semaphore(%arg8 : memref<!tpu.dma_semaphore, #tpu.memory_space<semaphore_mem>>)
      } else {
      }
    }
    %scan3A_26 = arith.constant 2 : i32
    return
  }
}

#map = affine_map<(d0, d1) -> (0, 0)>
#map1 = affine_map<(d0, d1) -> (0)>
module attributes {stable_mosaic.version = 14 : i64} {
  func.func @k(%arg0: i32, %arg1: i32, %arg2: memref<1000x128xbf16, #tpu.memory_space<hbm>>, %arg3: memref<10240xi32, #tpu.memory_space<hbm>>, %arg4: memref<10240x128xbf16, #tpu.memory_space<hbm>>, %arg5: memref<320xi32, #tpu.memory_space<vmem>>, %arg6: memref<2x80x128xbf16, #tpu.memory_space<vmem>>, %arg7: memref<!tpu.dma_semaphore, #tpu.memory_space<semaphore_mem>>, %arg8: memref<!tpu.dma_semaphore, #tpu.memory_space<semaphore_mem>>) attributes {dimension_semantics = [#tpu.dimension_semantics<core_parallel>, #tpu.dimension_semantics<subcore_parallel>], iteration_bounds = array<i64: 2, 16>, scalar_prefetch = 0 : i64, scratch_operands = 4 : i64, tpu.core_type = #tpu.core_type<sc_vector_subcore>, window_params = [{transform_indices = #map}, {transform_indices = #map1}, {transform_indices = #map}]} {
    %mul3A = arith.constant 2 : i32
    %mul3A_0 = arith.muli %arg1, %mul3A : i32
    %add3A = arith.addi %mul3A_0, %arg0 : i32
    %mul3A_1 = arith.constant 320 : i32
    %mul3A_2 = arith.muli %add3A, %mul3A_1 : i32
    "tpu.region"() ({
      %run_scoped3A = tpu.sem_alloc : memref<!tpu.dma_semaphore, #tpu.memory_space<semaphore_mem>>
      %dma_start3A_27 = tpu.memref_slice %arg3[%mul3A_2] : memref<10240xi32, #tpu.memory_space<hbm>> -> memref<320xi32, #tpu.memory_space<hbm>>
      %dma_start3A_28 = tpu.memref_slice %arg3[%mul3A_2] : memref<10240xi32, #tpu.memory_space<hbm>> -> memref<320xi32, #tpu.memory_space<hbm>>
      tpu.enqueue_dma source(%dma_start3A_28 : memref<320xi32, #tpu.memory_space<hbm>>) target(%arg5 : memref<320xi32, #tpu.memory_space<vmem>>) target_semaphore(%run_scoped3A : memref<!tpu.dma_semaphore, #tpu.memory_space<semaphore_mem>>)
      %dma_wait3A = tpu.memref_slice %arg3[%mul3A_2] : memref<10240xi32, #tpu.memory_space<hbm>> -> memref<320xi32, #tpu.memory_space<hbm>>
      %dma_wait3A_29 = tpu.memref_slice %arg3[%mul3A_2] : memref<10240xi32, #tpu.memory_space<hbm>> -> memref<320xi32, #tpu.memory_space<hbm>>
      tpu.wait_dma2 semaphore(%run_scoped3A : memref<!tpu.dma_semaphore, #tpu.memory_space<semaphore_mem>>) src(%dma_wait3A_29 : memref<320xi32, #tpu.memory_space<hbm>>) dst(%arg5 : memref<320xi32, #tpu.memory_space<vmem>>)
      tpu.yield
    }) : () -> ()
    %dma_start3A = arith.constant 0 : i32
    %dma_start3A_3 = arith.constant 0 : i32
    %dma_start3A_4 = arith.constant 0 : i32
    %dma_start3A_5 = tpu.memref_slice %arg6[%dma_start3A, %dma_start3A_3, %dma_start3A_4] : memref<2x80x128xbf16, #tpu.memory_space<vmem>> -> memref<1x80x128xbf16, #tpu.memory_space<vmem>>
    %dma_start3A_6 = tpu.memref_squeeze %dma_start3A_5 : memref<1x80x128xbf16, #tpu.memory_space<vmem>> -> memref<80x128xbf16, #tpu.memory_space<vmem>>
    %dma_start3A_7 = arith.constant 0 : i32
    %dma_start3A_8 = tpu.memref_slice %arg5[%dma_start3A_7] : memref<320xi32, #tpu.memory_space<vmem>> -> memref<80xi32, #tpu.memory_space<vmem>>
    %dma_start3A_9 = arith.constant 0 : i32
    %dma_start3A_10 = arith.constant 0 : i32
    %dma_start3A_11 = tpu.memref_slice %arg2[%dma_start3A_9, %dma_start3A_10] : memref<1000x128xbf16, #tpu.memory_space<hbm>> -> memref<1000x128xbf16, #tpu.memory_space<hbm>>
    tpu.enqueue_indirect_dma source(%dma_start3A_11 : memref<1000x128xbf16, #tpu.memory_space<hbm>>) target(%dma_start3A_6 : memref<80x128xbf16, #tpu.memory_space<vmem>>) offsets(%dma_start3A_8 : memref<80xi32, #tpu.memory_space<vmem>>) semaphore(%arg7 : memref<!tpu.dma_semaphore, #tpu.memory_space<semaphore_mem>>)
    %dma_start3A_12 = arith.constant 1 : i32
    %dma_start3A_13 = arith.constant 0 : i32
    %dma_start3A_14 = arith.constant 0 : i32
    %dma_start3A_15 = tpu.memref_slice %arg6[%dma_start3A_12, %dma_start3A_13, %dma_start3A_14] : memref<2x80x128xbf16, #tpu.memory_space<vmem>> -> memref<1x80x128xbf16, #tpu.memory_space<vmem>>
    %dma_start3A_16 = tpu.memref_squeeze %dma_start3A_15 : memref<1x80x128xbf16, #tpu.memory_space<vmem>> -> memref<80x128xbf16, #tpu.memory_space<vmem>>
    %dma_start3A_17 = arith.constant 80 : i32
    %dma_start3A_18 = tpu.memref_slice %arg5[%dma_start3A_17] : memref<320xi32, #tpu.memory_space<vmem>> -> memref<80xi32, #tpu.memory_space<vmem>>
    %dma_start3A_19 = arith.constant 0 : i32
    %dma_start3A_20 = arith.constant 0 : i32
    %dma_start3A_21 = tpu.memref_slice %arg2[%dma_start3A_19, %dma_start3A_20] : memref<1000x128xbf16, #tpu.memory_space<hbm>> -> memref<1000x128xbf16, #tpu.memory_space<hbm>>
    tpu.enqueue_indirect_dma source(%dma_start3A_21 : memref<1000x128xbf16, #tpu.memory_space<hbm>>) target(%dma_start3A_16 : memref<80x128xbf16, #tpu.memory_space<vmem>>) offsets(%dma_start3A_18 : memref<80xi32, #tpu.memory_space<vmem>>) semaphore(%arg8 : memref<!tpu.dma_semaphore, #tpu.memory_space<semaphore_mem>>)
    %scan3A = arith.constant 0 : i32
    %scan3A_22 = arith.constant 0 : i32
    %scan3A_23 = arith.constant 2 : i32
    %scan3A_24 = arith.addi %scan3A_22, %scan3A_23 : i32
    %scan3A_25 = arith.constant 1 : i32
    scf.for %scan3A_27 = %scan3A_22 to %scan3A_24 step %scan3A_25  : i32 {
      %mul3A_28 = arith.constant 2 : i32
      %mul3A_29 = arith.muli %mul3A_28, %scan3A_27 : i32
      %add3A_30 = arith.constant 0 : i32
      %add3A_31 = arith.addi %mul3A_29, %add3A_30 : i32
      %mul3A_32 = arith.constant 80 : i32
      %mul3A_33 = arith.muli %add3A_31, %mul3A_32 : i32
      %dma_wait3A = arith.constant 0 : i32
      %dma_wait3A_34 = arith.constant 0 : i32
      %dma_wait3A_35 = arith.constant 0 : i32
      %dma_wait3A_36 = tpu.memref_slice %arg6[%dma_wait3A, %dma_wait3A_34, %dma_wait3A_35] : memref<2x80x128xbf16, #tpu.memory_space<vmem>> -> memref<1x80x128xbf16, #tpu.memory_space<vmem>>
      %dma_wait3A_37 = tpu.memref_squeeze %dma_wait3A_36 : memref<1x80x128xbf16, #tpu.memory_space<vmem>> -> memref<80x128xbf16, #tpu.memory_space<vmem>>
      %dma_wait3A_38 = tpu.memref_slice %arg5[%mul3A_33] : memref<320xi32, #tpu.memory_space<vmem>> -> memref<80xi32, #tpu.memory_space<vmem>>
      %dma_wait3A_39 = arith.constant 0 : i32
      %dma_wait3A_40 = arith.constant 0 : i32
      %dma_wait3A_41 = tpu.memref_slice %arg2[%dma_wait3A_39, %dma_wait3A_40] : memref<1000x128xbf16, #tpu.memory_space<hbm>> -> memref<1000x128xbf16, #tpu.memory_space<hbm>>
      tpu.wait_indirect_dma semaphore(%arg7 : memref<!tpu.dma_semaphore, #tpu.memory_space<semaphore_mem>>) src(%dma_wait3A_41 : memref<1000x128xbf16, #tpu.memory_space<hbm>>) dst(%dma_wait3A_37 : memref<80x128xbf16, #tpu.memory_space<vmem>>)
      %mul3A_42 = arith.constant 80 : i32
      %mul3A_43 = arith.muli %add3A_31, %mul3A_42 : i32
      %add3A_44 = arith.addi %mul3A_2, %mul3A_43 : i32
      %run_scoped3A = arith.constant 0 : i32
      "tpu.region"() ({
        %run_scoped3A_75 = tpu.sem_alloc : memref<!tpu.dma_semaphore, #tpu.memory_space<semaphore_mem>>
        %dma_start3A_76 = arith.constant 0 : i32
        %dma_start3A_77 = arith.constant 0 : i32
        %dma_start3A_78 = tpu.memref_slice %arg6[%run_scoped3A, %dma_start3A_76, %dma_start3A_77] : memref<2x80x128xbf16, #tpu.memory_space<vmem>> -> memref<1x80x128xbf16, #tpu.memory_space<vmem>>
        %dma_start3A_79 = tpu.memref_squeeze %dma_start3A_78 : memref<1x80x128xbf16, #tpu.memory_space<vmem>> -> memref<80x128xbf16, #tpu.memory_space<vmem>>
        %dma_start3A_80 = arith.constant 0 : i32
        %dma_start3A_81 = tpu.memref_slice %arg4[%add3A_44, %dma_start3A_80] : memref<10240x128xbf16, #tpu.memory_space<hbm>> -> memref<80x128xbf16, #tpu.memory_space<hbm>>
        %dma_start3A_82 = arith.constant 0 : i32
        %dma_start3A_83 = tpu.memref_slice %arg4[%add3A_44, %dma_start3A_82] : memref<10240x128xbf16, #tpu.memory_space<hbm>> -> memref<80x128xbf16, #tpu.memory_space<hbm>>
        %dma_start3A_84 = arith.constant 0 : i32
        %dma_start3A_85 = arith.constant 0 : i32
        %dma_start3A_86 = tpu.memref_slice %arg6[%run_scoped3A, %dma_start3A_84, %dma_start3A_85] : memref<2x80x128xbf16, #tpu.memory_space<vmem>> -> memref<1x80x128xbf16, #tpu.memory_space<vmem>>
        %dma_start3A_87 = tpu.memref_squeeze %dma_start3A_86 : memref<1x80x128xbf16, #tpu.memory_space<vmem>> -> memref<80x128xbf16, #tpu.memory_space<vmem>>
        tpu.enqueue_dma source(%dma_start3A_87 : memref<80x128xbf16, #tpu.memory_space<vmem>>) target(%dma_start3A_83 : memref<80x128xbf16, #tpu.memory_space<hbm>>) target_semaphore(%run_scoped3A_75 : memref<!tpu.dma_semaphore, #tpu.memory_space<semaphore_mem>>)
        %dma_wait3A_88 = arith.constant 0 : i32
        %dma_wait3A_89 = arith.constant 0 : i32
        %dma_wait3A_90 = tpu.memref_slice %arg6[%run_scoped3A, %dma_wait3A_88, %dma_wait3A_89] : memref<2x80x128xbf16, #tpu.memory_space<vmem>> -> memref<1x80x128xbf16, #tpu.memory_space<vmem>>
        %dma_wait3A_91 = tpu.memref_squeeze %dma_wait3A_90 : memref<1x80x128xbf16, #tpu.memory_space<vmem>> -> memref<80x128xbf16, #tpu.memory_space<vmem>>
        %dma_wait3A_92 = arith.constant 0 : i32
        %dma_wait3A_93 = tpu.memref_slice %arg4[%add3A_44, %dma_wait3A_92] : memref<10240x128xbf16, #tpu.memory_space<hbm>> -> memref<80x128xbf16, #tpu.memory_space<hbm>>
        %dma_wait3A_94 = arith.constant 0 : i32
        %dma_wait3A_95 = tpu.memref_slice %arg4[%add3A_44, %dma_wait3A_94] : memref<10240x128xbf16, #tpu.memory_space<hbm>> -> memref<80x128xbf16, #tpu.memory_space<hbm>>
        %dma_wait3A_96 = arith.constant 0 : i32
        %dma_wait3A_97 = arith.constant 0 : i32
        %dma_wait3A_98 = tpu.memref_slice %arg6[%run_scoped3A, %dma_wait3A_96, %dma_wait3A_97] : memref<2x80x128xbf16, #tpu.memory_space<vmem>> -> memref<1x80x128xbf16, #tpu.memory_space<vmem>>
        %dma_wait3A_99 = tpu.memref_squeeze %dma_wait3A_98 : memref<1x80x128xbf16, #tpu.memory_space<vmem>> -> memref<80x128xbf16, #tpu.memory_space<vmem>>
        tpu.wait_dma2 semaphore(%run_scoped3A_75 : memref<!tpu.dma_semaphore, #tpu.memory_space<semaphore_mem>>) src(%dma_wait3A_99 : memref<80x128xbf16, #tpu.memory_space<vmem>>) dst(%dma_wait3A_95 : memref<80x128xbf16, #tpu.memory_space<hbm>>)
        tpu.yield
      }) : () -> ()
      %add3A_45 = arith.constant 2 : i32
      %add3A_46 = arith.addi %add3A_31, %add3A_45 : i32
      %lt3A = arith.constant 4 : i32
      %lt3A_47 = arith.cmpi slt, %add3A_46, %lt3A : i32
      %convert_element_type3A = arith.extui %lt3A_47 : i1 to i32
      %cond3A = arith.constant 0 : i32
      %cond3A_48 = arith.cmpi ne, %convert_element_type3A, %cond3A : i32
      scf.if %cond3A_48 {
        %add3A_75 = arith.constant 2 : i32
        %add3A_76 = arith.addi %add3A_31, %add3A_75 : i32
        %mul3A_77 = arith.constant 80 : i32
        %mul3A_78 = arith.muli %add3A_76, %mul3A_77 : i32
        %dma_start3A_79 = arith.constant 0 : i32
        %dma_start3A_80 = arith.constant 0 : i32
        %dma_start3A_81 = arith.constant 0 : i32
        %dma_start3A_82 = tpu.memref_slice %arg6[%dma_start3A_79, %dma_start3A_80, %dma_start3A_81] : memref<2x80x128xbf16, #tpu.memory_space<vmem>> -> memref<1x80x128xbf16, #tpu.memory_space<vmem>>
        %dma_start3A_83 = tpu.memref_squeeze %dma_start3A_82 : memref<1x80x128xbf16, #tpu.memory_space<vmem>> -> memref<80x128xbf16, #tpu.memory_space<vmem>>
        %dma_start3A_84 = tpu.memref_slice %arg5[%mul3A_78] : memref<320xi32, #tpu.memory_space<vmem>> -> memref<80xi32, #tpu.memory_space<vmem>>
        %dma_start3A_85 = arith.constant 0 : i32
        %dma_start3A_86 = arith.constant 0 : i32
        %dma_start3A_87 = tpu.memref_slice %arg2[%dma_start3A_85, %dma_start3A_86] : memref<1000x128xbf16, #tpu.memory_space<hbm>> -> memref<1000x128xbf16, #tpu.memory_space<hbm>>
        tpu.enqueue_indirect_dma source(%dma_start3A_87 : memref<1000x128xbf16, #tpu.memory_space<hbm>>) target(%dma_start3A_83 : memref<80x128xbf16, #tpu.memory_space<vmem>>) offsets(%dma_start3A_84 : memref<80xi32, #tpu.memory_space<vmem>>) semaphore(%arg7 : memref<!tpu.dma_semaphore, #tpu.memory_space<semaphore_mem>>)
      } else {
      }
      %mul3A_49 = arith.constant 2 : i32
      %mul3A_50 = arith.muli %mul3A_49, %scan3A_27 : i32
      %add3A_51 = arith.constant 1 : i32
      %add3A_52 = arith.addi %mul3A_50, %add3A_51 : i32
      %mul3A_53 = arith.constant 80 : i32
      %mul3A_54 = arith.muli %add3A_52, %mul3A_53 : i32
      %dma_wait3A_55 = arith.constant 1 : i32
      %dma_wait3A_56 = arith.constant 0 : i32
      %dma_wait3A_57 = arith.constant 0 : i32
      %dma_wait3A_58 = tpu.memref_slice %arg6[%dma_wait3A_55, %dma_wait3A_56, %dma_wait3A_57] : memref<2x80x128xbf16, #tpu.memory_space<vmem>> -> memref<1x80x128xbf16, #tpu.memory_space<vmem>>
      %dma_wait3A_59 = tpu.memref_squeeze %dma_wait3A_58 : memref<1x80x128xbf16, #tpu.memory_space<vmem>> -> memref<80x128xbf16, #tpu.memory_space<vmem>>
      %dma_wait3A_60 = tpu.memref_slice %arg5[%mul3A_54] : memref<320xi32, #tpu.memory_space<vmem>> -> memref<80xi32, #tpu.memory_space<vmem>>
      %dma_wait3A_61 = arith.constant 0 : i32
      %dma_wait3A_62 = arith.constant 0 : i32
      %dma_wait3A_63 = tpu.memref_slice %arg2[%dma_wait3A_61, %dma_wait3A_62] : memref<1000x128xbf16, #tpu.memory_space<hbm>> -> memref<1000x128xbf16, #tpu.memory_space<hbm>>
      tpu.wait_indirect_dma semaphore(%arg8 : memref<!tpu.dma_semaphore, #tpu.memory_space<semaphore_mem>>) src(%dma_wait3A_63 : memref<1000x128xbf16, #tpu.memory_space<hbm>>) dst(%dma_wait3A_59 : memref<80x128xbf16, #tpu.memory_space<vmem>>)
      %mul3A_64 = arith.constant 80 : i32
      %mul3A_65 = arith.muli %add3A_52, %mul3A_64 : i32
      %add3A_66 = arith.addi %mul3A_2, %mul3A_65 : i32
      %run_scoped3A_67 = arith.constant 1 : i32
      "tpu.region"() ({
        %run_scoped3A_75 = tpu.sem_alloc : memref<!tpu.dma_semaphore, #tpu.memory_space<semaphore_mem>>
        %dma_start3A_76 = arith.constant 0 : i32
        %dma_start3A_77 = arith.constant 0 : i32
        %dma_start3A_78 = tpu.memref_slice %arg6[%run_scoped3A_67, %dma_start3A_76, %dma_start3A_77] : memref<2x80x128xbf16, #tpu.memory_space<vmem>> -> memref<1x80x128xbf16, #tpu.memory_space<vmem>>
        %dma_start3A_79 = tpu.memref_squeeze %dma_start3A_78 : memref<1x80x128xbf16, #tpu.memory_space<vmem>> -> memref<80x128xbf16, #tpu.memory_space<vmem>>
        %dma_start3A_80 = arith.constant 0 : i32
        %dma_start3A_81 = tpu.memref_slice %arg4[%add3A_66, %dma_start3A_80] : memref<10240x128xbf16, #tpu.memory_space<hbm>> -> memref<80x128xbf16, #tpu.memory_space<hbm>>
        %dma_start3A_82 = arith.constant 0 : i32
        %dma_start3A_83 = tpu.memref_slice %arg4[%add3A_66, %dma_start3A_82] : memref<10240x128xbf16, #tpu.memory_space<hbm>> -> memref<80x128xbf16, #tpu.memory_space<hbm>>
        %dma_start3A_84 = arith.constant 0 : i32
        %dma_start3A_85 = arith.constant 0 : i32
        %dma_start3A_86 = tpu.memref_slice %arg6[%run_scoped3A_67, %dma_start3A_84, %dma_start3A_85] : memref<2x80x128xbf16, #tpu.memory_space<vmem>> -> memref<1x80x128xbf16, #tpu.memory_space<vmem>>
        %dma_start3A_87 = tpu.memref_squeeze %dma_start3A_86 : memref<1x80x128xbf16, #tpu.memory_space<vmem>> -> memref<80x128xbf16, #tpu.memory_space<vmem>>
        tpu.enqueue_dma source(%dma_start3A_87 : memref<80x128xbf16, #tpu.memory_space<vmem>>) target(%dma_start3A_83 : memref<80x128xbf16, #tpu.memory_space<hbm>>) target_semaphore(%run_scoped3A_75 : memref<!tpu.dma_semaphore, #tpu.memory_space<semaphore_mem>>)
        %dma_wait3A_88 = arith.constant 0 : i32
        %dma_wait3A_89 = arith.constant 0 : i32
        %dma_wait3A_90 = tpu.memref_slice %arg6[%run_scoped3A_67, %dma_wait3A_88, %dma_wait3A_89] : memref<2x80x128xbf16, #tpu.memory_space<vmem>> -> memref<1x80x128xbf16, #tpu.memory_space<vmem>>
        %dma_wait3A_91 = tpu.memref_squeeze %dma_wait3A_90 : memref<1x80x128xbf16, #tpu.memory_space<vmem>> -> memref<80x128xbf16, #tpu.memory_space<vmem>>
        %dma_wait3A_92 = arith.constant 0 : i32
        %dma_wait3A_93 = tpu.memref_slice %arg4[%add3A_66, %dma_wait3A_92] : memref<10240x128xbf16, #tpu.memory_space<hbm>> -> memref<80x128xbf16, #tpu.memory_space<hbm>>
        %dma_wait3A_94 = arith.constant 0 : i32
        %dma_wait3A_95 = tpu.memref_slice %arg4[%add3A_66, %dma_wait3A_94] : memref<10240x128xbf16, #tpu.memory_space<hbm>> -> memref<80x128xbf16, #tpu.memory_space<hbm>>
        %dma_wait3A_96 = arith.constant 0 : i32
        %dma_wait3A_97 = arith.constant 0 : i32
        %dma_wait3A_98 = tpu.memref_slice %arg6[%run_scoped3A_67, %dma_wait3A_96, %dma_wait3A_97] : memref<2x80x128xbf16, #tpu.memory_space<vmem>> -> memref<1x80x128xbf16, #tpu.memory_space<vmem>>
        %dma_wait3A_99 = tpu.memref_squeeze %dma_wait3A_98 : memref<1x80x128xbf16, #tpu.memory_space<vmem>> -> memref<80x128xbf16, #tpu.memory_space<vmem>>
        tpu.wait_dma2 semaphore(%run_scoped3A_75 : memref<!tpu.dma_semaphore, #tpu.memory_space<semaphore_mem>>) src(%dma_wait3A_99 : memref<80x128xbf16, #tpu.memory_space<vmem>>) dst(%dma_wait3A_95 : memref<80x128xbf16, #tpu.memory_space<hbm>>)
        tpu.yield
      }) : () -> ()
      %add3A_68 = arith.constant 2 : i32
      %add3A_69 = arith.addi %add3A_52, %add3A_68 : i32
      %lt3A_70 = arith.constant 4 : i32
      %lt3A_71 = arith.cmpi slt, %add3A_69, %lt3A_70 : i32
      %convert_element_type3A_72 = arith.extui %lt3A_71 : i1 to i32
      %cond3A_73 = arith.constant 0 : i32
      %cond3A_74 = arith.cmpi ne, %convert_element_type3A_72, %cond3A_73 : i32
      scf.if %cond3A_74 {
        %add3A_75 = arith.constant 2 : i32
        %add3A_76 = arith.addi %add3A_52, %add3A_75 : i32
        %mul3A_77 = arith.constant 80 : i32
        %mul3A_78 = arith.muli %add3A_76, %mul3A_77 : i32
        %dma_start3A_79 = arith.constant 1 : i32
        %dma_start3A_80 = arith.constant 0 : i32
        %dma_start3A_81 = arith.constant 0 : i32
        %dma_start3A_82 = tpu.memref_slice %arg6[%dma_start3A_79, %dma_start3A_80, %dma_start3A_81] : memref<2x80x128xbf16, #tpu.memory_space<vmem>> -> memref<1x80x128xbf16, #tpu.memory_space<vmem>>
        %dma_start3A_83 = tpu.memref_squeeze %dma_start3A_82 : memref<1x80x128xbf16, #tpu.memory_space<vmem>> -> memref<80x128xbf16, #tpu.memory_space<vmem>>
        %dma_start3A_84 = tpu.memref_slice %arg5[%mul3A_78] : memref<320xi32, #tpu.memory_space<vmem>> -> memref<80xi32, #tpu.memory_space<vmem>>
        %dma_start3A_85 = arith.constant 0 : i32
        %dma_start3A_86 = arith.constant 0 : i32
        %dma_start3A_87 = tpu.memref_slice %arg2[%dma_start3A_85, %dma_start3A_86] : memref<1000x128xbf16, #tpu.memory_space<hbm>> -> memref<1000x128xbf16, #tpu.memory_space<hbm>>
        tpu.enqueue_indirect_dma source(%dma_start3A_87 : memref<1000x128xbf16, #tpu.memory_space<hbm>>) target(%dma_start3A_83 : memref<80x128xbf16, #tpu.memory_space<vmem>>) offsets(%dma_start3A_84 : memref<80xi32, #tpu.memory_space<vmem>>) semaphore(%arg8 : memref<!tpu.dma_semaphore, #tpu.memory_space<semaphore_mem>>)
      } else {
      }
    }
    %scan3A_26 = arith.constant 2 : i32
    return
  }
}

#map = affine_map<(d0, d1) -> (0, 0)>
#map1 = affine_map<(d0, d1) -> (0)>
module attributes {stable_mosaic.version = 14 : i64} {
  func.func @k(%arg0: i32, %arg1: i32, %arg2: memref<1000x128xbf16, #tpu.memory_space<hbm>>, %arg3: memref<10240xi32, #tpu.memory_space<hbm>>, %arg4: memref<10240x128xbf16, #tpu.memory_space<hbm>>, %arg5: memref<320xi32, #tpu.memory_space<vmem>>, %arg6: memref<2x80x128xbf16, #tpu.memory_space<vmem>>, %arg7: memref<!tpu.dma_semaphore, #tpu.memory_space<semaphore_mem>>, %arg8: memref<!tpu.dma_semaphore, #tpu.memory_space<semaphore_mem>>) attributes {dimension_semantics = [#tpu.dimension_semantics<core_parallel>, #tpu.dimension_semantics<subcore_parallel>], iteration_bounds = array<i64: 2, 16>, scalar_prefetch = 0 : i64, scratch_operands = 4 : i64, tpu.core_type = #tpu.core_type<sc_vector_subcore>, window_params = [{transform_indices = #map}, {transform_indices = #map1}, {transform_indices = #map}]} {
    %mul3A = arith.constant 2 : i32
    %mul3A_0 = arith.muli %arg1, %mul3A : i32
    %add3A = arith.addi %mul3A_0, %arg0 : i32
    %mul3A_1 = arith.constant 320 : i32
    %mul3A_2 = arith.muli %add3A, %mul3A_1 : i32
    "tpu.region"() ({
      %run_scoped3A = tpu.sem_alloc : memref<!tpu.dma_semaphore, #tpu.memory_space<semaphore_mem>>
      %dma_start3A_27 = tpu.memref_slice %arg3[%mul3A_2] : memref<10240xi32, #tpu.memory_space<hbm>> -> memref<320xi32, #tpu.memory_space<hbm>>
      %dma_start3A_28 = tpu.memref_slice %arg3[%mul3A_2] : memref<10240xi32, #tpu.memory_space<hbm>> -> memref<320xi32, #tpu.memory_space<hbm>>
      tpu.enqueue_dma source(%dma_start3A_28 : memref<320xi32, #tpu.memory_space<hbm>>) target(%arg5 : memref<320xi32, #tpu.memory_space<vmem>>) target_semaphore(%run_scoped3A : memref<!tpu.dma_semaphore, #tpu.memory_space<semaphore_mem>>)
      %dma_wait3A = tpu.memref_slice %arg3[%mul3A_2] : memref<10240xi32, #tpu.memory_space<hbm>> -> memref<320xi32, #tpu.memory_space<hbm>>
      %dma_wait3A_29 = tpu.memref_slice %arg3[%mul3A_2] : memref<10240xi32, #tpu.memory_space<hbm>> -> memref<320xi32, #tpu.memory_space<hbm>>
      tpu.wait_dma2 semaphore(%run_scoped3A : memref<!tpu.dma_semaphore, #tpu.memory_space<semaphore_mem>>) src(%dma_wait3A_29 : memref<320xi32, #tpu.memory_space<hbm>>) dst(%arg5 : memref<320xi32, #tpu.memory_space<vmem>>)
      tpu.yield
    }) : () -> ()
    %dma_start3A = arith.constant 0 : i32
    %dma_start3A_3 = arith.constant 0 : i32
    %dma_start3A_4 = arith.constant 0 : i32
    %dma_start3A_5 = tpu.memref_slice %arg6[%dma_start3A, %dma_start3A_3, %dma_start3A_4] : memref<2x80x128xbf16, #tpu.memory_space<vmem>> -> memref<1x80x128xbf16, #tpu.memory_space<vmem>>
    %dma_start3A_6 = tpu.memref_squeeze %dma_start3A_5 : memref<1x80x128xbf16, #tpu.memory_space<vmem>> -> memref<80x128xbf16, #tpu.memory_space<vmem>>
    %dma_start3A_7 = arith.constant 0 : i32
    %dma_start3A_8 = tpu.memref_slice %arg5[%dma_start3A_7] : memref<320xi32, #tpu.memory_space<vmem>> -> memref<80xi32, #tpu.memory_space<vmem>>
    %dma_start3A_9 = arith.constant 0 : i32
    %dma_start3A_10 = arith.constant 0 : i32
    %dma_start3A_11 = tpu.memref_slice %arg2[%dma_start3A_9, %dma_start3A_10] : memref<1000x128xbf16, #tpu.memory_space<hbm>> -> memref<1000x128xbf16, #tpu.memory_space<hbm>>
    tpu.enqueue_indirect_dma source(%dma_start3A_11 : memref<1000x128xbf16, #tpu.memory_space<hbm>>) target(%dma_start3A_6 : memref<80x128xbf16, #tpu.memory_space<vmem>>) offsets(%dma_start3A_8 : memref<80xi32, #tpu.memory_space<vmem>>) semaphore(%arg7 : memref<!tpu.dma_semaphore, #tpu.memory_space<semaphore_mem>>)
    %dma_start3A_12 = arith.constant 1 : i32
    %dma_start3A_13 = arith.constant 0 : i32
    %dma_start3A_14 = arith.constant 0 : i32
    %dma_start3A_15 = tpu.memref_slice %arg6[%dma_start3A_12, %dma_start3A_13, %dma_start3A_14] : memref<2x80x128xbf16, #tpu.memory_space<vmem>> -> memref<1x80x128xbf16, #tpu.memory_space<vmem>>
    %dma_start3A_16 = tpu.memref_squeeze %dma_start3A_15 : memref<1x80x128xbf16, #tpu.memory_space<vmem>> -> memref<80x128xbf16, #tpu.memory_space<vmem>>
    %dma_start3A_17 = arith.constant 80 : i32
    %dma_start3A_18 = tpu.memref_slice %arg5[%dma_start3A_17] : memref<320xi32, #tpu.memory_space<vmem>> -> memref<80xi32, #tpu.memory_space<vmem>>
    %dma_start3A_19 = arith.constant 0 : i32
    %dma_start3A_20 = arith.constant 0 : i32
    %dma_start3A_21 = tpu.memref_slice %arg2[%dma_start3A_19, %dma_start3A_20] : memref<1000x128xbf16, #tpu.memory_space<hbm>> -> memref<1000x128xbf16, #tpu.memory_space<hbm>>
    tpu.enqueue_indirect_dma source(%dma_start3A_21 : memref<1000x128xbf16, #tpu.memory_space<hbm>>) target(%dma_start3A_16 : memref<80x128xbf16, #tpu.memory_space<vmem>>) offsets(%dma_start3A_18 : memref<80xi32, #tpu.memory_space<vmem>>) semaphore(%arg8 : memref<!tpu.dma_semaphore, #tpu.memory_space<semaphore_mem>>)
    %scan3A = arith.constant 0 : i32
    %scan3A_22 = arith.constant 0 : i32
    %scan3A_23 = arith.constant 2 : i32
    %scan3A_24 = arith.addi %scan3A_22, %scan3A_23 : i32
    %scan3A_25 = arith.constant 1 : i32
    scf.for %scan3A_27 = %scan3A_22 to %scan3A_24 step %scan3A_25  : i32 {
      %mul3A_28 = arith.constant 2 : i32
      %mul3A_29 = arith.muli %mul3A_28, %scan3A_27 : i32
      %add3A_30 = arith.constant 0 : i32
      %add3A_31 = arith.addi %mul3A_29, %add3A_30 : i32
      %mul3A_32 = arith.constant 80 : i32
      %mul3A_33 = arith.muli %add3A_31, %mul3A_32 : i32
      %dma_wait3A = arith.constant 0 : i32
      %dma_wait3A_34 = arith.constant 0 : i32
      %dma_wait3A_35 = arith.constant 0 : i32
      %dma_wait3A_36 = tpu.memref_slice %arg6[%dma_wait3A, %dma_wait3A_34, %dma_wait3A_35] : memref<2x80x128xbf16, #tpu.memory_space<vmem>> -> memref<1x80x128xbf16, #tpu.memory_space<vmem>>
      %dma_wait3A_37 = tpu.memref_squeeze %dma_wait3A_36 : memref<1x80x128xbf16, #tpu.memory_space<vmem>> -> memref<80x128xbf16, #tpu.memory_space<vmem>>
      %dma_wait3A_38 = tpu.memref_slice %arg5[%mul3A_33] : memref<320xi32, #tpu.memory_space<vmem>> -> memref<80xi32, #tpu.memory_space<vmem>>
      %dma_wait3A_39 = arith.constant 0 : i32
      %dma_wait3A_40 = arith.constant 0 : i32
      %dma_wait3A_41 = tpu.memref_slice %arg2[%dma_wait3A_39, %dma_wait3A_40] : memref<1000x128xbf16, #tpu.memory_space<hbm>> -> memref<1000x128xbf16, #tpu.memory_space<hbm>>
      tpu.wait_indirect_dma semaphore(%arg7 : memref<!tpu.dma_semaphore, #tpu.memory_space<semaphore_mem>>) src(%dma_wait3A_41 : memref<1000x128xbf16, #tpu.memory_space<hbm>>) dst(%dma_wait3A_37 : memref<80x128xbf16, #tpu.memory_space<vmem>>)
      %mul3A_42 = arith.constant 80 : i32
      %mul3A_43 = arith.muli %add3A_31, %mul3A_42 : i32
      %add3A_44 = arith.addi %mul3A_2, %mul3A_43 : i32
      %run_scoped3A = arith.constant 0 : i32
      "tpu.region"() ({
        %run_scoped3A_75 = tpu.sem_alloc : memref<!tpu.dma_semaphore, #tpu.memory_space<semaphore_mem>>
        %dma_start3A_76 = arith.constant 0 : i32
        %dma_start3A_77 = arith.constant 0 : i32
        %dma_start3A_78 = tpu.memref_slice %arg6[%run_scoped3A, %dma_start3A_76, %dma_start3A_77] : memref<2x80x128xbf16, #tpu.memory_space<vmem>> -> memref<1x80x128xbf16, #tpu.memory_space<vmem>>
        %dma_start3A_79 = tpu.memref_squeeze %dma_start3A_78 : memref<1x80x128xbf16, #tpu.memory_space<vmem>> -> memref<80x128xbf16, #tpu.memory_space<vmem>>
        %dma_start3A_80 = arith.constant 0 : i32
        %dma_start3A_81 = tpu.memref_slice %arg4[%add3A_44, %dma_start3A_80] : memref<10240x128xbf16, #tpu.memory_space<hbm>> -> memref<80x128xbf16, #tpu.memory_space<hbm>>
        %dma_start3A_82 = arith.constant 0 : i32
        %dma_start3A_83 = tpu.memref_slice %arg4[%add3A_44, %dma_start3A_82] : memref<10240x128xbf16, #tpu.memory_space<hbm>> -> memref<80x128xbf16, #tpu.memory_space<hbm>>
        %dma_start3A_84 = arith.constant 0 : i32
        %dma_start3A_85 = arith.constant 0 : i32
        %dma_start3A_86 = tpu.memref_slice %arg6[%run_scoped3A, %dma_start3A_84, %dma_start3A_85] : memref<2x80x128xbf16, #tpu.memory_space<vmem>> -> memref<1x80x128xbf16, #tpu.memory_space<vmem>>
        %dma_start3A_87 = tpu.memref_squeeze %dma_start3A_86 : memref<1x80x128xbf16, #tpu.memory_space<vmem>> -> memref<80x128xbf16, #tpu.memory_space<vmem>>
        tpu.enqueue_dma source(%dma_start3A_87 : memref<80x128xbf16, #tpu.memory_space<vmem>>) target(%dma_start3A_83 : memref<80x128xbf16, #tpu.memory_space<hbm>>) target_semaphore(%run_scoped3A_75 : memref<!tpu.dma_semaphore, #tpu.memory_space<semaphore_mem>>)
        %dma_wait3A_88 = arith.constant 0 : i32
        %dma_wait3A_89 = arith.constant 0 : i32
        %dma_wait3A_90 = tpu.memref_slice %arg6[%run_scoped3A, %dma_wait3A_88, %dma_wait3A_89] : memref<2x80x128xbf16, #tpu.memory_space<vmem>> -> memref<1x80x128xbf16, #tpu.memory_space<vmem>>
        %dma_wait3A_91 = tpu.memref_squeeze %dma_wait3A_90 : memref<1x80x128xbf16, #tpu.memory_space<vmem>> -> memref<80x128xbf16, #tpu.memory_space<vmem>>
        %dma_wait3A_92 = arith.constant 0 : i32
        %dma_wait3A_93 = tpu.memref_slice %arg4[%add3A_44, %dma_wait3A_92] : memref<10240x128xbf16, #tpu.memory_space<hbm>> -> memref<80x128xbf16, #tpu.memory_space<hbm>>
        %dma_wait3A_94 = arith.constant 0 : i32
        %dma_wait3A_95 = tpu.memref_slice %arg4[%add3A_44, %dma_wait3A_94] : memref<10240x128xbf16, #tpu.memory_space<hbm>> -> memref<80x128xbf16, #tpu.memory_space<hbm>>
        %dma_wait3A_96 = arith.constant 0 : i32
        %dma_wait3A_97 = arith.constant 0 : i32
        %dma_wait3A_98 = tpu.memref_slice %arg6[%run_scoped3A, %dma_wait3A_96, %dma_wait3A_97] : memref<2x80x128xbf16, #tpu.memory_space<vmem>> -> memref<1x80x128xbf16, #tpu.memory_space<vmem>>
        %dma_wait3A_99 = tpu.memref_squeeze %dma_wait3A_98 : memref<1x80x128xbf16, #tpu.memory_space<vmem>> -> memref<80x128xbf16, #tpu.memory_space<vmem>>
        tpu.wait_dma2 semaphore(%run_scoped3A_75 : memref<!tpu.dma_semaphore, #tpu.memory_space<semaphore_mem>>) src(%dma_wait3A_99 : memref<80x128xbf16, #tpu.memory_space<vmem>>) dst(%dma_wait3A_95 : memref<80x128xbf16, #tpu.memory_space<hbm>>)
        tpu.yield
      }) : () -> ()
      %add3A_45 = arith.constant 2 : i32
      %add3A_46 = arith.addi %add3A_31, %add3A_45 : i32
      %lt3A = arith.constant 4 : i32
      %lt3A_47 = arith.cmpi slt, %add3A_46, %lt3A : i32
      %convert_element_type3A = arith.extui %lt3A_47 : i1 to i32
      %cond3A = arith.constant 0 : i32
      %cond3A_48 = arith.cmpi ne, %convert_element_type3A, %cond3A : i32
      scf.if %cond3A_48 {
        %add3A_75 = arith.constant 2 : i32
        %add3A_76 = arith.addi %add3A_31, %add3A_75 : i32
        %mul3A_77 = arith.constant 80 : i32
        %mul3A_78 = arith.muli %add3A_76, %mul3A_77 : i32
        %dma_start3A_79 = arith.constant 0 : i32
        %dma_start3A_80 = arith.constant 0 : i32
        %dma_start3A_81 = arith.constant 0 : i32
        %dma_start3A_82 = tpu.memref_slice %arg6[%dma_start3A_79, %dma_start3A_80, %dma_start3A_81] : memref<2x80x128xbf16, #tpu.memory_space<vmem>> -> memref<1x80x128xbf16, #tpu.memory_space<vmem>>
        %dma_start3A_83 = tpu.memref_squeeze %dma_start3A_82 : memref<1x80x128xbf16, #tpu.memory_space<vmem>> -> memref<80x128xbf16, #tpu.memory_space<vmem>>
        %dma_start3A_84 = tpu.memref_slice %arg5[%mul3A_78] : memref<320xi32, #tpu.memory_space<vmem>> -> memref<80xi32, #tpu.memory_space<vmem>>
        %dma_start3A_85 = arith.constant 0 : i32
        %dma_start3A_86 = arith.constant 0 : i32
        %dma_start3A_87 = tpu.memref_slice %arg2[%dma_start3A_85, %dma_start3A_86] : memref<1000x128xbf16, #tpu.memory_space<hbm>> -> memref<1000x128xbf16, #tpu.memory_space<hbm>>
        tpu.enqueue_indirect_dma source(%dma_start3A_87 : memref<1000x128xbf16, #tpu.memory_space<hbm>>) target(%dma_start3A_83 : memref<80x128xbf16, #tpu.memory_space<vmem>>) offsets(%dma_start3A_84 : memref<80xi32, #tpu.memory_space<vmem>>) semaphore(%arg7 : memref<!tpu.dma_semaphore, #tpu.memory_space<semaphore_mem>>)
      } else {
      }
      %mul3A_49 = arith.constant 2 : i32
      %mul3A_50 = arith.muli %mul3A_49, %scan3A_27 : i32
      %add3A_51 = arith.constant 1 : i32
      %add3A_52 = arith.addi %mul3A_50, %add3A_51 : i32
      %mul3A_53 = arith.constant 80 : i32
      %mul3A_54 = arith.muli %add3A_52, %mul3A_53 : i32
      %dma_wait3A_55 = arith.constant 1 : i32
      %dma_wait3A_56 = arith.constant 0 : i32
      %dma_wait3A_57 = arith.constant 0 : i32
      %dma_wait3A_58 = tpu.memref_slice %arg6[%dma_wait3A_55, %dma_wait3A_56, %dma_wait3A_57] : memref<2x80x128xbf16, #tpu.memory_space<vmem>> -> memref<1x80x128xbf16, #tpu.memory_space<vmem>>
      %dma_wait3A_59 = tpu.memref_squeeze %dma_wait3A_58 : memref<1x80x128xbf16, #tpu.memory_space<vmem>> -> memref<80x128xbf16, #tpu.memory_space<vmem>>
      %dma_wait3A_60 = tpu.memref_slice %arg5[%mul3A_54] : memref<320xi32, #tpu.memory_space<vmem>> -> memref<80xi32, #tpu.memory_space<vmem>>
      %dma_wait3A_61 = arith.constant 0 : i32
      %dma_wait3A_62 = arith.constant 0 : i32
      %dma_wait3A_63 = tpu.memref_slice %arg2[%dma_wait3A_61, %dma_wait3A_62] : memref<1000x128xbf16, #tpu.memory_space<hbm>> -> memref<1000x128xbf16, #tpu.memory_space<hbm>>
      tpu.wait_indirect_dma semaphore(%arg8 : memref<!tpu.dma_semaphore, #tpu.memory_space<semaphore_mem>>) src(%dma_wait3A_63 : memref<1000x128xbf16, #tpu.memory_space<hbm>>) dst(%dma_wait3A_59 : memref<80x128xbf16, #tpu.memory_space<vmem>>)
      %mul3A_64 = arith.constant 80 : i32
      %mul3A_65 = arith.muli %add3A_52, %mul3A_64 : i32
      %add3A_66 = arith.addi %mul3A_2, %mul3A_65 : i32
      %run_scoped3A_67 = arith.constant 1 : i32
      "tpu.region"() ({
        %run_scoped3A_75 = tpu.sem_alloc : memref<!tpu.dma_semaphore, #tpu.memory_space<semaphore_mem>>
        %dma_start3A_76 = arith.constant 0 : i32
        %dma_start3A_77 = arith.constant 0 : i32
        %dma_start3A_78 = tpu.memref_slice %arg6[%run_scoped3A_67, %dma_start3A_76, %dma_start3A_77] : memref<2x80x128xbf16, #tpu.memory_space<vmem>> -> memref<1x80x128xbf16, #tpu.memory_space<vmem>>
        %dma_start3A_79 = tpu.memref_squeeze %dma_start3A_78 : memref<1x80x128xbf16, #tpu.memory_space<vmem>> -> memref<80x128xbf16, #tpu.memory_space<vmem>>
        %dma_start3A_80 = arith.constant 0 : i32
        %dma_start3A_81 = tpu.memref_slice %arg4[%add3A_66, %dma_start3A_80] : memref<10240x128xbf16, #tpu.memory_space<hbm>> -> memref<80x128xbf16, #tpu.memory_space<hbm>>
        %dma_start3A_82 = arith.constant 0 : i32
        %dma_start3A_83 = tpu.memref_slice %arg4[%add3A_66, %dma_start3A_82] : memref<10240x128xbf16, #tpu.memory_space<hbm>> -> memref<80x128xbf16, #tpu.memory_space<hbm>>
        %dma_start3A_84 = arith.constant 0 : i32
        %dma_start3A_85 = arith.constant 0 : i32
        %dma_start3A_86 = tpu.memref_slice %arg6[%run_scoped3A_67, %dma_start3A_84, %dma_start3A_85] : memref<2x80x128xbf16, #tpu.memory_space<vmem>> -> memref<1x80x128xbf16, #tpu.memory_space<vmem>>
        %dma_start3A_87 = tpu.memref_squeeze %dma_start3A_86 : memref<1x80x128xbf16, #tpu.memory_space<vmem>> -> memref<80x128xbf16, #tpu.memory_space<vmem>>
        tpu.enqueue_dma source(%dma_start3A_87 : memref<80x128xbf16, #tpu.memory_space<vmem>>) target(%dma_start3A_83 : memref<80x128xbf16, #tpu.memory_space<hbm>>) target_semaphore(%run_scoped3A_75 : memref<!tpu.dma_semaphore, #tpu.memory_space<semaphore_mem>>)
        %dma_wait3A_88 = arith.constant 0 : i32
        %dma_wait3A_89 = arith.constant 0 : i32
        %dma_wait3A_90 = tpu.memref_slice %arg6[%run_scoped3A_67, %dma_wait3A_88, %dma_wait3A_89] : memref<2x80x128xbf16, #tpu.memory_space<vmem>> -> memref<1x80x128xbf16, #tpu.memory_space<vmem>>
        %dma_wait3A_91 = tpu.memref_squeeze %dma_wait3A_90 : memref<1x80x128xbf16, #tpu.memory_space<vmem>> -> memref<80x128xbf16, #tpu.memory_space<vmem>>
        %dma_wait3A_92 = arith.constant 0 : i32
        %dma_wait3A_93 = tpu.memref_slice %arg4[%add3A_66, %dma_wait3A_92] : memref<10240x128xbf16, #tpu.memory_space<hbm>> -> memref<80x128xbf16, #tpu.memory_space<hbm>>
        %dma_wait3A_94 = arith.constant 0 : i32
        %dma_wait3A_95 = tpu.memref_slice %arg4[%add3A_66, %dma_wait3A_94] : memref<10240x128xbf16, #tpu.memory_space<hbm>> -> memref<80x128xbf16, #tpu.memory_space<hbm>>
        %dma_wait3A_96 = arith.constant 0 : i32
        %dma_wait3A_97 = arith.constant 0 : i32
        %dma_wait3A_98 = tpu.memref_slice %arg6[%run_scoped3A_67, %dma_wait3A_96, %dma_wait3A_97] : memref<2x80x128xbf16, #tpu.memory_space<vmem>> -> memref<1x80x128xbf16, #tpu.memory_space<vmem>>
        %dma_wait3A_99 = tpu.memref_squeeze %dma_wait3A_98 : memref<1x80x128xbf16, #tpu.memory_space<vmem>> -> memref<80x128xbf16, #tpu.memory_space<vmem>>
        tpu.wait_dma2 semaphore(%run_scoped3A_75 : memref<!tpu.dma_semaphore, #tpu.memory_space<semaphore_mem>>) src(%dma_wait3A_99 : memref<80x128xbf16, #tpu.memory_space<vmem>>) dst(%dma_wait3A_95 : memref<80x128xbf16, #tpu.memory_space<hbm>>)
        tpu.yield
      }) : () -> ()
      %add3A_68 = arith.constant 2 : i32
      %add3A_69 = arith.addi %add3A_52, %add3A_68 : i32
      %lt3A_70 = arith.constant 4 : i32
      %lt3A_71 = arith.cmpi slt, %add3A_69, %lt3A_70 : i32
      %convert_element_type3A_72 = arith.extui %lt3A_71 : i1 to i32
      %cond3A_73 = arith.constant 0 : i32
      %cond3A_74 = arith.cmpi ne, %convert_element_type3A_72, %cond3A_73 : i32
      scf.if %cond3A_74 {
        %add3A_75 = arith.constant 2 : i32
        %add3A_76 = arith.addi %add3A_52, %add3A_75 : i32
        %mul3A_77 = arith.constant 80 : i32
        %mul3A_78 = arith.muli %add3A_76, %mul3A_77 : i32
        %dma_start3A_79 = arith.constant 1 : i32
        %dma_start3A_80 = arith.constant 0 : i32
        %dma_start3A_81 = arith.constant 0 : i32
        %dma_start3A_82 = tpu.memref_slice %arg6[%dma_start3A_79, %dma_start3A_80, %dma_start3A_81] : memref<2x80x128xbf16, #tpu.memory_space<vmem>> -> memref<1x80x128xbf16, #tpu.memory_space<vmem>>
        %dma_start3A_83 = tpu.memref_squeeze %dma_start3A_82 : memref<1x80x128xbf16, #tpu.memory_space<vmem>> -> memref<80x128xbf16, #tpu.memory_space<vmem>>
        %dma_start3A_84 = tpu.memref_slice %arg5[%mul3A_78] : memref<320xi32, #tpu.memory_space<vmem>> -> memref<80xi32, #tpu.memory_space<vmem>>
        %dma_start3A_85 = arith.constant 0 : i32
        %dma_start3A_86 = arith.constant 0 : i32
        %dma_start3A_87 = tpu.memref_slice %arg2[%dma_start3A_85, %dma_start3A_86] : memref<1000x128xbf16, #tpu.memory_space<hbm>> -> memref<1000x128xbf16, #tpu.memory_space<hbm>>
        tpu.enqueue_indirect_dma source(%dma_start3A_87 : memref<1000x128xbf16, #tpu.memory_space<hbm>>) target(%dma_start3A_83 : memref<80x128xbf16, #tpu.memory_space<vmem>>) offsets(%dma_start3A_84 : memref<80xi32, #tpu.memory_space<vmem>>) semaphore(%arg8 : memref<!tpu.dma_semaphore, #tpu.memory_space<semaphore_mem>>)
      } else {
      }
    }
    %scan3A_26 = arith.constant 2 : i32
    return
  }
}

#map = affine_map<(d0, d1) -> (0, 0)>
#map1 = affine_map<(d0, d1) -> (0)>
module attributes {stable_mosaic.version = 14 : i64} {
  func.func @k(%arg0: i32, %arg1: i32, %arg2: memref<1000x128xbf16, #tpu.memory_space<hbm>>, %arg3: memref<10240xi32, #tpu.memory_space<hbm>>, %arg4: memref<10240x128xbf16, #tpu.memory_space<hbm>>, %arg5: memref<320xi32, #tpu.memory_space<vmem>>, %arg6: memref<2x80x128xbf16, #tpu.memory_space<vmem>>, %arg7: memref<!tpu.dma_semaphore, #tpu.memory_space<semaphore_mem>>, %arg8: memref<!tpu.dma_semaphore, #tpu.memory_space<semaphore_mem>>) attributes {dimension_semantics = [#tpu.dimension_semantics<core_parallel>, #tpu.dimension_semantics<subcore_parallel>], iteration_bounds = array<i64: 2, 16>, scalar_prefetch = 0 : i64, scratch_operands = 4 : i64, tpu.core_type = #tpu.core_type<sc_vector_subcore>, window_params = [{transform_indices = #map}, {transform_indices = #map1}, {transform_indices = #map}]} {
    %mul3A = arith.constant 2 : i32
    %mul3A_0 = arith.muli %arg1, %mul3A : i32
    %add3A = arith.addi %mul3A_0, %arg0 : i32
    %mul3A_1 = arith.constant 320 : i32
    %mul3A_2 = arith.muli %add3A, %mul3A_1 : i32
    "tpu.region"() ({
      %run_scoped3A = tpu.sem_alloc : memref<!tpu.dma_semaphore, #tpu.memory_space<semaphore_mem>>
      %dma_start3A_27 = tpu.memref_slice %arg3[%mul3A_2] : memref<10240xi32, #tpu.memory_space<hbm>> -> memref<320xi32, #tpu.memory_space<hbm>>
      %dma_start3A_28 = tpu.memref_slice %arg3[%mul3A_2] : memref<10240xi32, #tpu.memory_space<hbm>> -> memref<320xi32, #tpu.memory_space<hbm>>
      tpu.enqueue_dma source(%dma_start3A_28 : memref<320xi32, #tpu.memory_space<hbm>>) target(%arg5 : memref<320xi32, #tpu.memory_space<vmem>>) target_semaphore(%run_scoped3A : memref<!tpu.dma_semaphore, #tpu.memory_space<semaphore_mem>>)
      %dma_wait3A = tpu.memref_slice %arg3[%mul3A_2] : memref<10240xi32, #tpu.memory_space<hbm>> -> memref<320xi32, #tpu.memory_space<hbm>>
      %dma_wait3A_29 = tpu.memref_slice %arg3[%mul3A_2] : memref<10240xi32, #tpu.memory_space<hbm>> -> memref<320xi32, #tpu.memory_space<hbm>>
      tpu.wait_dma2 semaphore(%run_scoped3A : memref<!tpu.dma_semaphore, #tpu.memory_space<semaphore_mem>>) src(%dma_wait3A_29 : memref<320xi32, #tpu.memory_space<hbm>>) dst(%arg5 : memref<320xi32, #tpu.memory_space<vmem>>)
      tpu.yield
    }) : () -> ()
    %dma_start3A = arith.constant 0 : i32
    %dma_start3A_3 = arith.constant 0 : i32
    %dma_start3A_4 = arith.constant 0 : i32
    %dma_start3A_5 = tpu.memref_slice %arg6[%dma_start3A, %dma_start3A_3, %dma_start3A_4] : memref<2x80x128xbf16, #tpu.memory_space<vmem>> -> memref<1x80x128xbf16, #tpu.memory_space<vmem>>
    %dma_start3A_6 = tpu.memref_squeeze %dma_start3A_5 : memref<1x80x128xbf16, #tpu.memory_space<vmem>> -> memref<80x128xbf16, #tpu.memory_space<vmem>>
    %dma_start3A_7 = arith.constant 0 : i32
    %dma_start3A_8 = tpu.memref_slice %arg5[%dma_start3A_7] : memref<320xi32, #tpu.memory_space<vmem>> -> memref<80xi32, #tpu.memory_space<vmem>>
    %dma_start3A_9 = arith.constant 0 : i32
    %dma_start3A_10 = arith.constant 0 : i32
    %dma_start3A_11 = tpu.memref_slice %arg2[%dma_start3A_9, %dma_start3A_10] : memref<1000x128xbf16, #tpu.memory_space<hbm>> -> memref<1000x128xbf16, #tpu.memory_space<hbm>>
    tpu.enqueue_indirect_dma source(%dma_start3A_11 : memref<1000x128xbf16, #tpu.memory_space<hbm>>) target(%dma_start3A_6 : memref<80x128xbf16, #tpu.memory_space<vmem>>) offsets(%dma_start3A_8 : memref<80xi32, #tpu.memory_space<vmem>>) semaphore(%arg7 : memref<!tpu.dma_semaphore, #tpu.memory_space<semaphore_mem>>)
    %dma_start3A_12 = arith.constant 1 : i32
    %dma_start3A_13 = arith.constant 0 : i32
    %dma_start3A_14 = arith.constant 0 : i32
    %dma_start3A_15 = tpu.memref_slice %arg6[%dma_start3A_12, %dma_start3A_13, %dma_start3A_14] : memref<2x80x128xbf16, #tpu.memory_space<vmem>> -> memref<1x80x128xbf16, #tpu.memory_space<vmem>>
    %dma_start3A_16 = tpu.memref_squeeze %dma_start3A_15 : memref<1x80x128xbf16, #tpu.memory_space<vmem>> -> memref<80x128xbf16, #tpu.memory_space<vmem>>
    %dma_start3A_17 = arith.constant 80 : i32
    %dma_start3A_18 = tpu.memref_slice %arg5[%dma_start3A_17] : memref<320xi32, #tpu.memory_space<vmem>> -> memref<80xi32, #tpu.memory_space<vmem>>
    %dma_start3A_19 = arith.constant 0 : i32
    %dma_start3A_20 = arith.constant 0 : i32
    %dma_start3A_21 = tpu.memref_slice %arg2[%dma_start3A_19, %dma_start3A_20] : memref<1000x128xbf16, #tpu.memory_space<hbm>> -> memref<1000x128xbf16, #tpu.memory_space<hbm>>
    tpu.enqueue_indirect_dma source(%dma_start3A_21 : memref<1000x128xbf16, #tpu.memory_space<hbm>>) target(%dma_start3A_16 : memref<80x128xbf16, #tpu.memory_space<vmem>>) offsets(%dma_start3A_18 : memref<80xi32, #tpu.memory_space<vmem>>) semaphore(%arg8 : memref<!tpu.dma_semaphore, #tpu.memory_space<semaphore_mem>>)
    %scan3A = arith.constant 0 : i32
    %scan3A_22 = arith.constant 0 : i32
    %scan3A_23 = arith.constant 2 : i32
    %scan3A_24 = arith.addi %scan3A_22, %scan3A_23 : i32
    %scan3A_25 = arith.constant 1 : i32
    scf.for %scan3A_27 = %scan3A_22 to %scan3A_24 step %scan3A_25  : i32 {
      %mul3A_28 = arith.constant 2 : i32
      %mul3A_29 = arith.muli %mul3A_28, %scan3A_27 : i32
      %add3A_30 = arith.constant 0 : i32
      %add3A_31 = arith.addi %mul3A_29, %add3A_30 : i32
      %mul3A_32 = arith.constant 80 : i32
      %mul3A_33 = arith.muli %add3A_31, %mul3A_32 : i32
      %dma_wait3A = arith.constant 0 : i32
      %dma_wait3A_34 = arith.constant 0 : i32
      %dma_wait3A_35 = arith.constant 0 : i32
      %dma_wait3A_36 = tpu.memref_slice %arg6[%dma_wait3A, %dma_wait3A_34, %dma_wait3A_35] : memref<2x80x128xbf16, #tpu.memory_space<vmem>> -> memref<1x80x128xbf16, #tpu.memory_space<vmem>>
      %dma_wait3A_37 = tpu.memref_squeeze %dma_wait3A_36 : memref<1x80x128xbf16, #tpu.memory_space<vmem>> -> memref<80x128xbf16, #tpu.memory_space<vmem>>
      %dma_wait3A_38 = tpu.memref_slice %arg5[%mul3A_33] : memref<320xi32, #tpu.memory_space<vmem>> -> memref<80xi32, #tpu.memory_space<vmem>>
      %dma_wait3A_39 = arith.constant 0 : i32
      %dma_wait3A_40 = arith.constant 0 : i32
      %dma_wait3A_41 = tpu.memref_slice %arg2[%dma_wait3A_39, %dma_wait3A_40] : memref<1000x128xbf16, #tpu.memory_space<hbm>> -> memref<1000x128xbf16, #tpu.memory_space<hbm>>
      tpu.wait_indirect_dma semaphore(%arg7 : memref<!tpu.dma_semaphore, #tpu.memory_space<semaphore_mem>>) src(%dma_wait3A_41 : memref<1000x128xbf16, #tpu.memory_space<hbm>>) dst(%dma_wait3A_37 : memref<80x128xbf16, #tpu.memory_space<vmem>>)
      %mul3A_42 = arith.constant 80 : i32
      %mul3A_43 = arith.muli %add3A_31, %mul3A_42 : i32
      %add3A_44 = arith.addi %mul3A_2, %mul3A_43 : i32
      %run_scoped3A = arith.constant 0 : i32
      "tpu.region"() ({
        %run_scoped3A_75 = tpu.sem_alloc : memref<!tpu.dma_semaphore, #tpu.memory_space<semaphore_mem>>
        %dma_start3A_76 = arith.constant 0 : i32
        %dma_start3A_77 = arith.constant 0 : i32
        %dma_start3A_78 = tpu.memref_slice %arg6[%run_scoped3A, %dma_start3A_76, %dma_start3A_77] : memref<2x80x128xbf16, #tpu.memory_space<vmem>> -> memref<1x80x128xbf16, #tpu.memory_space<vmem>>
        %dma_start3A_79 = tpu.memref_squeeze %dma_start3A_78 : memref<1x80x128xbf16, #tpu.memory_space<vmem>> -> memref<80x128xbf16, #tpu.memory_space<vmem>>
        %dma_start3A_80 = arith.constant 0 : i32
        %dma_start3A_81 = tpu.memref_slice %arg4[%add3A_44, %dma_start3A_80] : memref<10240x128xbf16, #tpu.memory_space<hbm>> -> memref<80x128xbf16, #tpu.memory_space<hbm>>
        %dma_start3A_82 = arith.constant 0 : i32
        %dma_start3A_83 = tpu.memref_slice %arg4[%add3A_44, %dma_start3A_82] : memref<10240x128xbf16, #tpu.memory_space<hbm>> -> memref<80x128xbf16, #tpu.memory_space<hbm>>
        %dma_start3A_84 = arith.constant 0 : i32
        %dma_start3A_85 = arith.constant 0 : i32
        %dma_start3A_86 = tpu.memref_slice %arg6[%run_scoped3A, %dma_start3A_84, %dma_start3A_85] : memref<2x80x128xbf16, #tpu.memory_space<vmem>> -> memref<1x80x128xbf16, #tpu.memory_space<vmem>>
        %dma_start3A_87 = tpu.memref_squeeze %dma_start3A_86 : memref<1x80x128xbf16, #tpu.memory_space<vmem>> -> memref<80x128xbf16, #tpu.memory_space<vmem>>
        tpu.enqueue_dma source(%dma_start3A_87 : memref<80x128xbf16, #tpu.memory_space<vmem>>) target(%dma_start3A_83 : memref<80x128xbf16, #tpu.memory_space<hbm>>) target_semaphore(%run_scoped3A_75 : memref<!tpu.dma_semaphore, #tpu.memory_space<semaphore_mem>>)
        %dma_wait3A_88 = arith.constant 0 : i32
        %dma_wait3A_89 = arith.constant 0 : i32
        %dma_wait3A_90 = tpu.memref_slice %arg6[%run_scoped3A, %dma_wait3A_88, %dma_wait3A_89] : memref<2x80x128xbf16, #tpu.memory_space<vmem>> -> memref<1x80x128xbf16, #tpu.memory_space<vmem>>
        %dma_wait3A_91 = tpu.memref_squeeze %dma_wait3A_90 : memref<1x80x128xbf16, #tpu.memory_space<vmem>> -> memref<80x128xbf16, #tpu.memory_space<vmem>>
        %dma_wait3A_92 = arith.constant 0 : i32
        %dma_wait3A_93 = tpu.memref_slice %arg4[%add3A_44, %dma_wait3A_92] : memref<10240x128xbf16, #tpu.memory_space<hbm>> -> memref<80x128xbf16, #tpu.memory_space<hbm>>
        %dma_wait3A_94 = arith.constant 0 : i32
        %dma_wait3A_95 = tpu.memref_slice %arg4[%add3A_44, %dma_wait3A_94] : memref<10240x128xbf16, #tpu.memory_space<hbm>> -> memref<80x128xbf16, #tpu.memory_space<hbm>>
        %dma_wait3A_96 = arith.constant 0 : i32
        %dma_wait3A_97 = arith.constant 0 : i32
        %dma_wait3A_98 = tpu.memref_slice %arg6[%run_scoped3A, %dma_wait3A_96, %dma_wait3A_97] : memref<2x80x128xbf16, #tpu.memory_space<vmem>> -> memref<1x80x128xbf16, #tpu.memory_space<vmem>>
        %dma_wait3A_99 = tpu.memref_squeeze %dma_wait3A_98 : memref<1x80x128xbf16, #tpu.memory_space<vmem>> -> memref<80x128xbf16, #tpu.memory_space<vmem>>
        tpu.wait_dma2 semaphore(%run_scoped3A_75 : memref<!tpu.dma_semaphore, #tpu.memory_space<semaphore_mem>>) src(%dma_wait3A_99 : memref<80x128xbf16, #tpu.memory_space<vmem>>) dst(%dma_wait3A_95 : memref<80x128xbf16, #tpu.memory_space<hbm>>)
        tpu.yield
      }) : () -> ()
      %add3A_45 = arith.constant 2 : i32
      %add3A_46 = arith.addi %add3A_31, %add3A_45 : i32
      %lt3A = arith.constant 4 : i32
      %lt3A_47 = arith.cmpi slt, %add3A_46, %lt3A : i32
      %convert_element_type3A = arith.extui %lt3A_47 : i1 to i32
      %cond3A = arith.constant 0 : i32
      %cond3A_48 = arith.cmpi ne, %convert_element_type3A, %cond3A : i32
      scf.if %cond3A_48 {
        %add3A_75 = arith.constant 2 : i32
        %add3A_76 = arith.addi %add3A_31, %add3A_75 : i32
        %mul3A_77 = arith.constant 80 : i32
        %mul3A_78 = arith.muli %add3A_76, %mul3A_77 : i32
        %dma_start3A_79 = arith.constant 0 : i32
        %dma_start3A_80 = arith.constant 0 : i32
        %dma_start3A_81 = arith.constant 0 : i32
        %dma_start3A_82 = tpu.memref_slice %arg6[%dma_start3A_79, %dma_start3A_80, %dma_start3A_81] : memref<2x80x128xbf16, #tpu.memory_space<vmem>> -> memref<1x80x128xbf16, #tpu.memory_space<vmem>>
        %dma_start3A_83 = tpu.memref_squeeze %dma_start3A_82 : memref<1x80x128xbf16, #tpu.memory_space<vmem>> -> memref<80x128xbf16, #tpu.memory_space<vmem>>
        %dma_start3A_84 = tpu.memref_slice %arg5[%mul3A_78] : memref<320xi32, #tpu.memory_space<vmem>> -> memref<80xi32, #tpu.memory_space<vmem>>
        %dma_start3A_85 = arith.constant 0 : i32
        %dma_start3A_86 = arith.constant 0 : i32
        %dma_start3A_87 = tpu.memref_slice %arg2[%dma_start3A_85, %dma_start3A_86] : memref<1000x128xbf16, #tpu.memory_space<hbm>> -> memref<1000x128xbf16, #tpu.memory_space<hbm>>
        tpu.enqueue_indirect_dma source(%dma_start3A_87 : memref<1000x128xbf16, #tpu.memory_space<hbm>>) target(%dma_start3A_83 : memref<80x128xbf16, #tpu.memory_space<vmem>>) offsets(%dma_start3A_84 : memref<80xi32, #tpu.memory_space<vmem>>) semaphore(%arg7 : memref<!tpu.dma_semaphore, #tpu.memory_space<semaphore_mem>>)
      } else {
      }
      %mul3A_49 = arith.constant 2 : i32
      %mul3A_50 = arith.muli %mul3A_49, %scan3A_27 : i32
      %add3A_51 = arith.constant 1 : i32
      %add3A_52 = arith.addi %mul3A_50, %add3A_51 : i32
      %mul3A_53 = arith.constant 80 : i32
      %mul3A_54 = arith.muli %add3A_52, %mul3A_53 : i32
      %dma_wait3A_55 = arith.constant 1 : i32
      %dma_wait3A_56 = arith.constant 0 : i32
      %dma_wait3A_57 = arith.constant 0 : i32
      %dma_wait3A_58 = tpu.memref_slice %arg6[%dma_wait3A_55, %dma_wait3A_56, %dma_wait3A_57] : memref<2x80x128xbf16, #tpu.memory_space<vmem>> -> memref<1x80x128xbf16, #tpu.memory_space<vmem>>
      %dma_wait3A_59 = tpu.memref_squeeze %dma_wait3A_58 : memref<1x80x128xbf16, #tpu.memory_space<vmem>> -> memref<80x128xbf16, #tpu.memory_space<vmem>>
      %dma_wait3A_60 = tpu.memref_slice %arg5[%mul3A_54] : memref<320xi32, #tpu.memory_space<vmem>> -> memref<80xi32, #tpu.memory_space<vmem>>
      %dma_wait3A_61 = arith.constant 0 : i32
      %dma_wait3A_62 = arith.constant 0 : i32
      %dma_wait3A_63 = tpu.memref_slice %arg2[%dma_wait3A_61, %dma_wait3A_62] : memref<1000x128xbf16, #tpu.memory_space<hbm>> -> memref<1000x128xbf16, #tpu.memory_space<hbm>>
      tpu.wait_indirect_dma semaphore(%arg8 : memref<!tpu.dma_semaphore, #tpu.memory_space<semaphore_mem>>) src(%dma_wait3A_63 : memref<1000x128xbf16, #tpu.memory_space<hbm>>) dst(%dma_wait3A_59 : memref<80x128xbf16, #tpu.memory_space<vmem>>)
      %mul3A_64 = arith.constant 80 : i32
      %mul3A_65 = arith.muli %add3A_52, %mul3A_64 : i32
      %add3A_66 = arith.addi %mul3A_2, %mul3A_65 : i32
      %run_scoped3A_67 = arith.constant 1 : i32
      "tpu.region"() ({
        %run_scoped3A_75 = tpu.sem_alloc : memref<!tpu.dma_semaphore, #tpu.memory_space<semaphore_mem>>
        %dma_start3A_76 = arith.constant 0 : i32
        %dma_start3A_77 = arith.constant 0 : i32
        %dma_start3A_78 = tpu.memref_slice %arg6[%run_scoped3A_67, %dma_start3A_76, %dma_start3A_77] : memref<2x80x128xbf16, #tpu.memory_space<vmem>> -> memref<1x80x128xbf16, #tpu.memory_space<vmem>>
        %dma_start3A_79 = tpu.memref_squeeze %dma_start3A_78 : memref<1x80x128xbf16, #tpu.memory_space<vmem>> -> memref<80x128xbf16, #tpu.memory_space<vmem>>
        %dma_start3A_80 = arith.constant 0 : i32
        %dma_start3A_81 = tpu.memref_slice %arg4[%add3A_66, %dma_start3A_80] : memref<10240x128xbf16, #tpu.memory_space<hbm>> -> memref<80x128xbf16, #tpu.memory_space<hbm>>
        %dma_start3A_82 = arith.constant 0 : i32
        %dma_start3A_83 = tpu.memref_slice %arg4[%add3A_66, %dma_start3A_82] : memref<10240x128xbf16, #tpu.memory_space<hbm>> -> memref<80x128xbf16, #tpu.memory_space<hbm>>
        %dma_start3A_84 = arith.constant 0 : i32
        %dma_start3A_85 = arith.constant 0 : i32
        %dma_start3A_86 = tpu.memref_slice %arg6[%run_scoped3A_67, %dma_start3A_84, %dma_start3A_85] : memref<2x80x128xbf16, #tpu.memory_space<vmem>> -> memref<1x80x128xbf16, #tpu.memory_space<vmem>>
        %dma_start3A_87 = tpu.memref_squeeze %dma_start3A_86 : memref<1x80x128xbf16, #tpu.memory_space<vmem>> -> memref<80x128xbf16, #tpu.memory_space<vmem>>
        tpu.enqueue_dma source(%dma_start3A_87 : memref<80x128xbf16, #tpu.memory_space<vmem>>) target(%dma_start3A_83 : memref<80x128xbf16, #tpu.memory_space<hbm>>) target_semaphore(%run_scoped3A_75 : memref<!tpu.dma_semaphore, #tpu.memory_space<semaphore_mem>>)
        %dma_wait3A_88 = arith.constant 0 : i32
        %dma_wait3A_89 = arith.constant 0 : i32
        %dma_wait3A_90 = tpu.memref_slice %arg6[%run_scoped3A_67, %dma_wait3A_88, %dma_wait3A_89] : memref<2x80x128xbf16, #tpu.memory_space<vmem>> -> memref<1x80x128xbf16, #tpu.memory_space<vmem>>
        %dma_wait3A_91 = tpu.memref_squeeze %dma_wait3A_90 : memref<1x80x128xbf16, #tpu.memory_space<vmem>> -> memref<80x128xbf16, #tpu.memory_space<vmem>>
        %dma_wait3A_92 = arith.constant 0 : i32
        %dma_wait3A_93 = tpu.memref_slice %arg4[%add3A_66, %dma_wait3A_92] : memref<10240x128xbf16, #tpu.memory_space<hbm>> -> memref<80x128xbf16, #tpu.memory_space<hbm>>
        %dma_wait3A_94 = arith.constant 0 : i32
        %dma_wait3A_95 = tpu.memref_slice %arg4[%add3A_66, %dma_wait3A_94] : memref<10240x128xbf16, #tpu.memory_space<hbm>> -> memref<80x128xbf16, #tpu.memory_space<hbm>>
        %dma_wait3A_96 = arith.constant 0 : i32
        %dma_wait3A_97 = arith.constant 0 : i32
        %dma_wait3A_98 = tpu.memref_slice %arg6[%run_scoped3A_67, %dma_wait3A_96, %dma_wait3A_97] : memref<2x80x128xbf16, #tpu.memory_space<vmem>> -> memref<1x80x128xbf16, #tpu.memory_space<vmem>>
        %dma_wait3A_99 = tpu.memref_squeeze %dma_wait3A_98 : memref<1x80x128xbf16, #tpu.memory_space<vmem>> -> memref<80x128xbf16, #tpu.memory_space<vmem>>
        tpu.wait_dma2 semaphore(%run_scoped3A_75 : memref<!tpu.dma_semaphore, #tpu.memory_space<semaphore_mem>>) src(%dma_wait3A_99 : memref<80x128xbf16, #tpu.memory_space<vmem>>) dst(%dma_wait3A_95 : memref<80x128xbf16, #tpu.memory_space<hbm>>)
        tpu.yield
      }) : () -> ()
      %add3A_68 = arith.constant 2 : i32
      %add3A_69 = arith.addi %add3A_52, %add3A_68 : i32
      %lt3A_70 = arith.constant 4 : i32
      %lt3A_71 = arith.cmpi slt, %add3A_69, %lt3A_70 : i32
      %convert_element_type3A_72 = arith.extui %lt3A_71 : i1 to i32
      %cond3A_73 = arith.constant 0 : i32
      %cond3A_74 = arith.cmpi ne, %convert_element_type3A_72, %cond3A_73 : i32
      scf.if %cond3A_74 {
        %add3A_75 = arith.constant 2 : i32
        %add3A_76 = arith.addi %add3A_52, %add3A_75 : i32
        %mul3A_77 = arith.constant 80 : i32
        %mul3A_78 = arith.muli %add3A_76, %mul3A_77 : i32
        %dma_start3A_79 = arith.constant 1 : i32
        %dma_start3A_80 = arith.constant 0 : i32
        %dma_start3A_81 = arith.constant 0 : i32
        %dma_start3A_82 = tpu.memref_slice %arg6[%dma_start3A_79, %dma_start3A_80, %dma_start3A_81] : memref<2x80x128xbf16, #tpu.memory_space<vmem>> -> memref<1x80x128xbf16, #tpu.memory_space<vmem>>
        %dma_start3A_83 = tpu.memref_squeeze %dma_start3A_82 : memref<1x80x128xbf16, #tpu.memory_space<vmem>> -> memref<80x128xbf16, #tpu.memory_space<vmem>>
        %dma_start3A_84 = tpu.memref_slice %arg5[%mul3A_78] : memref<320xi32, #tpu.memory_space<vmem>> -> memref<80xi32, #tpu.memory_space<vmem>>
        %dma_start3A_85 = arith.constant 0 : i32
        %dma_start3A_86 = arith.constant 0 : i32
        %dma_start3A_87 = tpu.memref_slice %arg2[%dma_start3A_85, %dma_start3A_86] : memref<1000x128xbf16, #tpu.memory_space<hbm>> -> memref<1000x128xbf16, #tpu.memory_space<hbm>>
        tpu.enqueue_indirect_dma source(%dma_start3A_87 : memref<1000x128xbf16, #tpu.memory_space<hbm>>) target(%dma_start3A_83 : memref<80x128xbf16, #tpu.memory_space<vmem>>) offsets(%dma_start3A_84 : memref<80xi32, #tpu.memory_space<vmem>>) semaphore(%arg8 : memref<!tpu.dma_semaphore, #tpu.memory_space<semaphore_mem>>)
      } else {
      }
    }
    %scan3A_26 = arith.constant 2 : i32
    return
  }
}

#map = affine_map<(d0, d1) -> (0, 0)>
#map1 = affine_map<(d0, d1) -> (0)>
module attributes {stable_mosaic.version = 14 : i64} {
  func.func @k(%arg0: i32, %arg1: i32, %arg2: memref<1000x128xbf16, #tpu.memory_space<hbm>>, %arg3: memref<10240xi32, #tpu.memory_space<hbm>>, %arg4: memref<10240x128xbf16, #tpu.memory_space<hbm>>, %arg5: memref<320xi32, #tpu.memory_space<vmem>>, %arg6: memref<2x80x128xbf16, #tpu.memory_space<vmem>>, %arg7: memref<!tpu.dma_semaphore, #tpu.memory_space<semaphore_mem>>, %arg8: memref<!tpu.dma_semaphore, #tpu.memory_space<semaphore_mem>>) attributes {dimension_semantics = [#tpu.dimension_semantics<core_parallel>, #tpu.dimension_semantics<subcore_parallel>], iteration_bounds = array<i64: 2, 16>, scalar_prefetch = 0 : i64, scratch_operands = 4 : i64, tpu.core_type = #tpu.core_type<sc_vector_subcore>, window_params = [{transform_indices = #map}, {transform_indices = #map1}, {transform_indices = #map}]} {
    %mul3A = arith.constant 2 : i32
    %mul3A_0 = arith.muli %arg1, %mul3A : i32
    %add3A = arith.addi %mul3A_0, %arg0 : i32
    %mul3A_1 = arith.constant 320 : i32
    %mul3A_2 = arith.muli %add3A, %mul3A_1 : i32
    "tpu.region"() ({
      %run_scoped3A = tpu.sem_alloc : memref<!tpu.dma_semaphore, #tpu.memory_space<semaphore_mem>>
      %dma_start3A_27 = tpu.memref_slice %arg3[%mul3A_2] : memref<10240xi32, #tpu.memory_space<hbm>> -> memref<320xi32, #tpu.memory_space<hbm>>
      %dma_start3A_28 = tpu.memref_slice %arg3[%mul3A_2] : memref<10240xi32, #tpu.memory_space<hbm>> -> memref<320xi32, #tpu.memory_space<hbm>>
      tpu.enqueue_dma source(%dma_start3A_28 : memref<320xi32, #tpu.memory_space<hbm>>) target(%arg5 : memref<320xi32, #tpu.memory_space<vmem>>) target_semaphore(%run_scoped3A : memref<!tpu.dma_semaphore, #tpu.memory_space<semaphore_mem>>)
      %dma_wait3A = tpu.memref_slice %arg3[%mul3A_2] : memref<10240xi32, #tpu.memory_space<hbm>> -> memref<320xi32, #tpu.memory_space<hbm>>
      %dma_wait3A_29 = tpu.memref_slice %arg3[%mul3A_2] : memref<10240xi32, #tpu.memory_space<hbm>> -> memref<320xi32, #tpu.memory_space<hbm>>
      tpu.wait_dma2 semaphore(%run_scoped3A : memref<!tpu.dma_semaphore, #tpu.memory_space<semaphore_mem>>) src(%dma_wait3A_29 : memref<320xi32, #tpu.memory_space<hbm>>) dst(%arg5 : memref<320xi32, #tpu.memory_space<vmem>>)
      tpu.yield
    }) : () -> ()
    %dma_start3A = arith.constant 0 : i32
    %dma_start3A_3 = arith.constant 0 : i32
    %dma_start3A_4 = arith.constant 0 : i32
    %dma_start3A_5 = tpu.memref_slice %arg6[%dma_start3A, %dma_start3A_3, %dma_start3A_4] : memref<2x80x128xbf16, #tpu.memory_space<vmem>> -> memref<1x80x128xbf16, #tpu.memory_space<vmem>>
    %dma_start3A_6 = tpu.memref_squeeze %dma_start3A_5 : memref<1x80x128xbf16, #tpu.memory_space<vmem>> -> memref<80x128xbf16, #tpu.memory_space<vmem>>
    %dma_start3A_7 = arith.constant 0 : i32
    %dma_start3A_8 = tpu.memref_slice %arg5[%dma_start3A_7] : memref<320xi32, #tpu.memory_space<vmem>> -> memref<80xi32, #tpu.memory_space<vmem>>
    %dma_start3A_9 = arith.constant 0 : i32
    %dma_start3A_10 = arith.constant 0 : i32
    %dma_start3A_11 = tpu.memref_slice %arg2[%dma_start3A_9, %dma_start3A_10] : memref<1000x128xbf16, #tpu.memory_space<hbm>> -> memref<1000x128xbf16, #tpu.memory_space<hbm>>
    tpu.enqueue_indirect_dma source(%dma_start3A_11 : memref<1000x128xbf16, #tpu.memory_space<hbm>>) target(%dma_start3A_6 : memref<80x128xbf16, #tpu.memory_space<vmem>>) offsets(%dma_start3A_8 : memref<80xi32, #tpu.memory_space<vmem>>) semaphore(%arg7 : memref<!tpu.dma_semaphore, #tpu.memory_space<semaphore_mem>>)
    %dma_start3A_12 = arith.constant 1 : i32
    %dma_start3A_13 = arith.constant 0 : i32
    %dma_start3A_14 = arith.constant 0 : i32
    %dma_start3A_15 = tpu.memref_slice %arg6[%dma_start3A_12, %dma_start3A_13, %dma_start3A_14] : memref<2x80x128xbf16, #tpu.memory_space<vmem>> -> memref<1x80x128xbf16, #tpu.memory_space<vmem>>
    %dma_start3A_16 = tpu.memref_squeeze %dma_start3A_15 : memref<1x80x128xbf16, #tpu.memory_space<vmem>> -> memref<80x128xbf16, #tpu.memory_space<vmem>>
    %dma_start3A_17 = arith.constant 80 : i32
    %dma_start3A_18 = tpu.memref_slice %arg5[%dma_start3A_17] : memref<320xi32, #tpu.memory_space<vmem>> -> memref<80xi32, #tpu.memory_space<vmem>>
    %dma_start3A_19 = arith.constant 0 : i32
    %dma_start3A_20 = arith.constant 0 : i32
    %dma_start3A_21 = tpu.memref_slice %arg2[%dma_start3A_19, %dma_start3A_20] : memref<1000x128xbf16, #tpu.memory_space<hbm>> -> memref<1000x128xbf16, #tpu.memory_space<hbm>>
    tpu.enqueue_indirect_dma source(%dma_start3A_21 : memref<1000x128xbf16, #tpu.memory_space<hbm>>) target(%dma_start3A_16 : memref<80x128xbf16, #tpu.memory_space<vmem>>) offsets(%dma_start3A_18 : memref<80xi32, #tpu.memory_space<vmem>>) semaphore(%arg8 : memref<!tpu.dma_semaphore, #tpu.memory_space<semaphore_mem>>)
    %scan3A = arith.constant 0 : i32
    %scan3A_22 = arith.constant 0 : i32
    %scan3A_23 = arith.constant 2 : i32
    %scan3A_24 = arith.addi %scan3A_22, %scan3A_23 : i32
    %scan3A_25 = arith.constant 1 : i32
    scf.for %scan3A_27 = %scan3A_22 to %scan3A_24 step %scan3A_25  : i32 {
      %mul3A_28 = arith.constant 2 : i32
      %mul3A_29 = arith.muli %mul3A_28, %scan3A_27 : i32
      %add3A_30 = arith.constant 0 : i32
      %add3A_31 = arith.addi %mul3A_29, %add3A_30 : i32
      %mul3A_32 = arith.constant 80 : i32
      %mul3A_33 = arith.muli %add3A_31, %mul3A_32 : i32
      %dma_wait3A = arith.constant 0 : i32
      %dma_wait3A_34 = arith.constant 0 : i32
      %dma_wait3A_35 = arith.constant 0 : i32
      %dma_wait3A_36 = tpu.memref_slice %arg6[%dma_wait3A, %dma_wait3A_34, %dma_wait3A_35] : memref<2x80x128xbf16, #tpu.memory_space<vmem>> -> memref<1x80x128xbf16, #tpu.memory_space<vmem>>
      %dma_wait3A_37 = tpu.memref_squeeze %dma_wait3A_36 : memref<1x80x128xbf16, #tpu.memory_space<vmem>> -> memref<80x128xbf16, #tpu.memory_space<vmem>>
      %dma_wait3A_38 = tpu.memref_slice %arg5[%mul3A_33] : memref<320xi32, #tpu.memory_space<vmem>> -> memref<80xi32, #tpu.memory_space<vmem>>
      %dma_wait3A_39 = arith.constant 0 : i32
      %dma_wait3A_40 = arith.constant 0 : i32
      %dma_wait3A_41 = tpu.memref_slice %arg2[%dma_wait3A_39, %dma_wait3A_40] : memref<1000x128xbf16, #tpu.memory_space<hbm>> -> memref<1000x128xbf16, #tpu.memory_space<hbm>>
      tpu.wait_indirect_dma semaphore(%arg7 : memref<!tpu.dma_semaphore, #tpu.memory_space<semaphore_mem>>) src(%dma_wait3A_41 : memref<1000x128xbf16, #tpu.memory_space<hbm>>) dst(%dma_wait3A_37 : memref<80x128xbf16, #tpu.memory_space<vmem>>)
      %mul3A_42 = arith.constant 80 : i32
      %mul3A_43 = arith.muli %add3A_31, %mul3A_42 : i32
      %add3A_44 = arith.addi %mul3A_2, %mul3A_43 : i32
      %run_scoped3A = arith.constant 0 : i32
      "tpu.region"() ({
        %run_scoped3A_75 = tpu.sem_alloc : memref<!tpu.dma_semaphore, #tpu.memory_space<semaphore_mem>>
        %dma_start3A_76 = arith.constant 0 : i32
        %dma_start3A_77 = arith.constant 0 : i32
        %dma_start3A_78 = tpu.memref_slice %arg6[%run_scoped3A, %dma_start3A_76, %dma_start3A_77] : memref<2x80x128xbf16, #tpu.memory_space<vmem>> -> memref<1x80x128xbf16, #tpu.memory_space<vmem>>
        %dma_start3A_79 = tpu.memref_squeeze %dma_start3A_78 : memref<1x80x128xbf16, #tpu.memory_space<vmem>> -> memref<80x128xbf16, #tpu.memory_space<vmem>>
        %dma_start3A_80 = arith.constant 0 : i32
        %dma_start3A_81 = tpu.memref_slice %arg4[%add3A_44, %dma_start3A_80] : memref<10240x128xbf16, #tpu.memory_space<hbm>> -> memref<80x128xbf16, #tpu.memory_space<hbm>>
        %dma_start3A_82 = arith.constant 0 : i32
        %dma_start3A_83 = tpu.memref_slice %arg4[%add3A_44, %dma_start3A_82] : memref<10240x128xbf16, #tpu.memory_space<hbm>> -> memref<80x128xbf16, #tpu.memory_space<hbm>>
        %dma_start3A_84 = arith.constant 0 : i32
        %dma_start3A_85 = arith.constant 0 : i32
        %dma_start3A_86 = tpu.memref_slice %arg6[%run_scoped3A, %dma_start3A_84, %dma_start3A_85] : memref<2x80x128xbf16, #tpu.memory_space<vmem>> -> memref<1x80x128xbf16, #tpu.memory_space<vmem>>
        %dma_start3A_87 = tpu.memref_squeeze %dma_start3A_86 : memref<1x80x128xbf16, #tpu.memory_space<vmem>> -> memref<80x128xbf16, #tpu.memory_space<vmem>>
        tpu.enqueue_dma source(%dma_start3A_87 : memref<80x128xbf16, #tpu.memory_space<vmem>>) target(%dma_start3A_83 : memref<80x128xbf16, #tpu.memory_space<hbm>>) target_semaphore(%run_scoped3A_75 : memref<!tpu.dma_semaphore, #tpu.memory_space<semaphore_mem>>)
        %dma_wait3A_88 = arith.constant 0 : i32
        %dma_wait3A_89 = arith.constant 0 : i32
        %dma_wait3A_90 = tpu.memref_slice %arg6[%run_scoped3A, %dma_wait3A_88, %dma_wait3A_89] : memref<2x80x128xbf16, #tpu.memory_space<vmem>> -> memref<1x80x128xbf16, #tpu.memory_space<vmem>>
        %dma_wait3A_91 = tpu.memref_squeeze %dma_wait3A_90 : memref<1x80x128xbf16, #tpu.memory_space<vmem>> -> memref<80x128xbf16, #tpu.memory_space<vmem>>
        %dma_wait3A_92 = arith.constant 0 : i32
        %dma_wait3A_93 = tpu.memref_slice %arg4[%add3A_44, %dma_wait3A_92] : memref<10240x128xbf16, #tpu.memory_space<hbm>> -> memref<80x128xbf16, #tpu.memory_space<hbm>>
        %dma_wait3A_94 = arith.constant 0 : i32
        %dma_wait3A_95 = tpu.memref_slice %arg4[%add3A_44, %dma_wait3A_94] : memref<10240x128xbf16, #tpu.memory_space<hbm>> -> memref<80x128xbf16, #tpu.memory_space<hbm>>
        %dma_wait3A_96 = arith.constant 0 : i32
        %dma_wait3A_97 = arith.constant 0 : i32
        %dma_wait3A_98 = tpu.memref_slice %arg6[%run_scoped3A, %dma_wait3A_96, %dma_wait3A_97] : memref<2x80x128xbf16, #tpu.memory_space<vmem>> -> memref<1x80x128xbf16, #tpu.memory_space<vmem>>
        %dma_wait3A_99 = tpu.memref_squeeze %dma_wait3A_98 : memref<1x80x128xbf16, #tpu.memory_space<vmem>> -> memref<80x128xbf16, #tpu.memory_space<vmem>>
        tpu.wait_dma2 semaphore(%run_scoped3A_75 : memref<!tpu.dma_semaphore, #tpu.memory_space<semaphore_mem>>) src(%dma_wait3A_99 : memref<80x128xbf16, #tpu.memory_space<vmem>>) dst(%dma_wait3A_95 : memref<80x128xbf16, #tpu.memory_space<hbm>>)
        tpu.yield
      }) : () -> ()
      %add3A_45 = arith.constant 2 : i32
      %add3A_46 = arith.addi %add3A_31, %add3A_45 : i32
      %lt3A = arith.constant 4 : i32
      %lt3A_47 = arith.cmpi slt, %add3A_46, %lt3A : i32
      %convert_element_type3A = arith.extui %lt3A_47 : i1 to i32
      %cond3A = arith.constant 0 : i32
      %cond3A_48 = arith.cmpi ne, %convert_element_type3A, %cond3A : i32
      scf.if %cond3A_48 {
        %add3A_75 = arith.constant 2 : i32
        %add3A_76 = arith.addi %add3A_31, %add3A_75 : i32
        %mul3A_77 = arith.constant 80 : i32
        %mul3A_78 = arith.muli %add3A_76, %mul3A_77 : i32
        %dma_start3A_79 = arith.constant 0 : i32
        %dma_start3A_80 = arith.constant 0 : i32
        %dma_start3A_81 = arith.constant 0 : i32
        %dma_start3A_82 = tpu.memref_slice %arg6[%dma_start3A_79, %dma_start3A_80, %dma_start3A_81] : memref<2x80x128xbf16, #tpu.memory_space<vmem>> -> memref<1x80x128xbf16, #tpu.memory_space<vmem>>
        %dma_start3A_83 = tpu.memref_squeeze %dma_start3A_82 : memref<1x80x128xbf16, #tpu.memory_space<vmem>> -> memref<80x128xbf16, #tpu.memory_space<vmem>>
        %dma_start3A_84 = tpu.memref_slice %arg5[%mul3A_78] : memref<320xi32, #tpu.memory_space<vmem>> -> memref<80xi32, #tpu.memory_space<vmem>>
        %dma_start3A_85 = arith.constant 0 : i32
        %dma_start3A_86 = arith.constant 0 : i32
        %dma_start3A_87 = tpu.memref_slice %arg2[%dma_start3A_85, %dma_start3A_86] : memref<1000x128xbf16, #tpu.memory_space<hbm>> -> memref<1000x128xbf16, #tpu.memory_space<hbm>>
        tpu.enqueue_indirect_dma source(%dma_start3A_87 : memref<1000x128xbf16, #tpu.memory_space<hbm>>) target(%dma_start3A_83 : memref<80x128xbf16, #tpu.memory_space<vmem>>) offsets(%dma_start3A_84 : memref<80xi32, #tpu.memory_space<vmem>>) semaphore(%arg7 : memref<!tpu.dma_semaphore, #tpu.memory_space<semaphore_mem>>)
      } else {
      }
      %mul3A_49 = arith.constant 2 : i32
      %mul3A_50 = arith.muli %mul3A_49, %scan3A_27 : i32
      %add3A_51 = arith.constant 1 : i32
      %add3A_52 = arith.addi %mul3A_50, %add3A_51 : i32
      %mul3A_53 = arith.constant 80 : i32
      %mul3A_54 = arith.muli %add3A_52, %mul3A_53 : i32
      %dma_wait3A_55 = arith.constant 1 : i32
      %dma_wait3A_56 = arith.constant 0 : i32
      %dma_wait3A_57 = arith.constant 0 : i32
      %dma_wait3A_58 = tpu.memref_slice %arg6[%dma_wait3A_55, %dma_wait3A_56, %dma_wait3A_57] : memref<2x80x128xbf16, #tpu.memory_space<vmem>> -> memref<1x80x128xbf16, #tpu.memory_space<vmem>>
      %dma_wait3A_59 = tpu.memref_squeeze %dma_wait3A_58 : memref<1x80x128xbf16, #tpu.memory_space<vmem>> -> memref<80x128xbf16, #tpu.memory_space<vmem>>
      %dma_wait3A_60 = tpu.memref_slice %arg5[%mul3A_54] : memref<320xi32, #tpu.memory_space<vmem>> -> memref<80xi32, #tpu.memory_space<vmem>>
      %dma_wait3A_61 = arith.constant 0 : i32
      %dma_wait3A_62 = arith.constant 0 : i32
      %dma_wait3A_63 = tpu.memref_slice %arg2[%dma_wait3A_61, %dma_wait3A_62] : memref<1000x128xbf16, #tpu.memory_space<hbm>> -> memref<1000x128xbf16, #tpu.memory_space<hbm>>
      tpu.wait_indirect_dma semaphore(%arg8 : memref<!tpu.dma_semaphore, #tpu.memory_space<semaphore_mem>>) src(%dma_wait3A_63 : memref<1000x128xbf16, #tpu.memory_space<hbm>>) dst(%dma_wait3A_59 : memref<80x128xbf16, #tpu.memory_space<vmem>>)
      %mul3A_64 = arith.constant 80 : i32
      %mul3A_65 = arith.muli %add3A_52, %mul3A_64 : i32
      %add3A_66 = arith.addi %mul3A_2, %mul3A_65 : i32
      %run_scoped3A_67 = arith.constant 1 : i32
      "tpu.region"() ({
        %run_scoped3A_75 = tpu.sem_alloc : memref<!tpu.dma_semaphore, #tpu.memory_space<semaphore_mem>>
        %dma_start3A_76 = arith.constant 0 : i32
        %dma_start3A_77 = arith.constant 0 : i32
        %dma_start3A_78 = tpu.memref_slice %arg6[%run_scoped3A_67, %dma_start3A_76, %dma_start3A_77] : memref<2x80x128xbf16, #tpu.memory_space<vmem>> -> memref<1x80x128xbf16, #tpu.memory_space<vmem>>
        %dma_start3A_79 = tpu.memref_squeeze %dma_start3A_78 : memref<1x80x128xbf16, #tpu.memory_space<vmem>> -> memref<80x128xbf16, #tpu.memory_space<vmem>>
        %dma_start3A_80 = arith.constant 0 : i32
        %dma_start3A_81 = tpu.memref_slice %arg4[%add3A_66, %dma_start3A_80] : memref<10240x128xbf16, #tpu.memory_space<hbm>> -> memref<80x128xbf16, #tpu.memory_space<hbm>>
        %dma_start3A_82 = arith.constant 0 : i32
        %dma_start3A_83 = tpu.memref_slice %arg4[%add3A_66, %dma_start3A_82] : memref<10240x128xbf16, #tpu.memory_space<hbm>> -> memref<80x128xbf16, #tpu.memory_space<hbm>>
        %dma_start3A_84 = arith.constant 0 : i32
        %dma_start3A_85 = arith.constant 0 : i32
        %dma_start3A_86 = tpu.memref_slice %arg6[%run_scoped3A_67, %dma_start3A_84, %dma_start3A_85] : memref<2x80x128xbf16, #tpu.memory_space<vmem>> -> memref<1x80x128xbf16, #tpu.memory_space<vmem>>
        %dma_start3A_87 = tpu.memref_squeeze %dma_start3A_86 : memref<1x80x128xbf16, #tpu.memory_space<vmem>> -> memref<80x128xbf16, #tpu.memory_space<vmem>>
        tpu.enqueue_dma source(%dma_start3A_87 : memref<80x128xbf16, #tpu.memory_space<vmem>>) target(%dma_start3A_83 : memref<80x128xbf16, #tpu.memory_space<hbm>>) target_semaphore(%run_scoped3A_75 : memref<!tpu.dma_semaphore, #tpu.memory_space<semaphore_mem>>)
        %dma_wait3A_88 = arith.constant 0 : i32
        %dma_wait3A_89 = arith.constant 0 : i32
        %dma_wait3A_90 = tpu.memref_slice %arg6[%run_scoped3A_67, %dma_wait3A_88, %dma_wait3A_89] : memref<2x80x128xbf16, #tpu.memory_space<vmem>> -> memref<1x80x128xbf16, #tpu.memory_space<vmem>>
        %dma_wait3A_91 = tpu.memref_squeeze %dma_wait3A_90 : memref<1x80x128xbf16, #tpu.memory_space<vmem>> -> memref<80x128xbf16, #tpu.memory_space<vmem>>
        %dma_wait3A_92 = arith.constant 0 : i32
        %dma_wait3A_93 = tpu.memref_slice %arg4[%add3A_66, %dma_wait3A_92] : memref<10240x128xbf16, #tpu.memory_space<hbm>> -> memref<80x128xbf16, #tpu.memory_space<hbm>>
        %dma_wait3A_94 = arith.constant 0 : i32
        %dma_wait3A_95 = tpu.memref_slice %arg4[%add3A_66, %dma_wait3A_94] : memref<10240x128xbf16, #tpu.memory_space<hbm>> -> memref<80x128xbf16, #tpu.memory_space<hbm>>
        %dma_wait3A_96 = arith.constant 0 : i32
        %dma_wait3A_97 = arith.constant 0 : i32
        %dma_wait3A_98 = tpu.memref_slice %arg6[%run_scoped3A_67, %dma_wait3A_96, %dma_wait3A_97] : memref<2x80x128xbf16, #tpu.memory_space<vmem>> -> memref<1x80x128xbf16, #tpu.memory_space<vmem>>
        %dma_wait3A_99 = tpu.memref_squeeze %dma_wait3A_98 : memref<1x80x128xbf16, #tpu.memory_space<vmem>> -> memref<80x128xbf16, #tpu.memory_space<vmem>>
        tpu.wait_dma2 semaphore(%run_scoped3A_75 : memref<!tpu.dma_semaphore, #tpu.memory_space<semaphore_mem>>) src(%dma_wait3A_99 : memref<80x128xbf16, #tpu.memory_space<vmem>>) dst(%dma_wait3A_95 : memref<80x128xbf16, #tpu.memory_space<hbm>>)
        tpu.yield
      }) : () -> ()
      %add3A_68 = arith.constant 2 : i32
      %add3A_69 = arith.addi %add3A_52, %add3A_68 : i32
      %lt3A_70 = arith.constant 4 : i32
      %lt3A_71 = arith.cmpi slt, %add3A_69, %lt3A_70 : i32
      %convert_element_type3A_72 = arith.extui %lt3A_71 : i1 to i32
      %cond3A_73 = arith.constant 0 : i32
      %cond3A_74 = arith.cmpi ne, %convert_element_type3A_72, %cond3A_73 : i32
      scf.if %cond3A_74 {
        %add3A_75 = arith.constant 2 : i32
        %add3A_76 = arith.addi %add3A_52, %add3A_75 : i32
        %mul3A_77 = arith.constant 80 : i32
        %mul3A_78 = arith.muli %add3A_76, %mul3A_77 : i32
        %dma_start3A_79 = arith.constant 1 : i32
        %dma_start3A_80 = arith.constant 0 : i32
        %dma_start3A_81 = arith.constant 0 : i32
        %dma_start3A_82 = tpu.memref_slice %arg6[%dma_start3A_79, %dma_start3A_80, %dma_start3A_81] : memref<2x80x128xbf16, #tpu.memory_space<vmem>> -> memref<1x80x128xbf16, #tpu.memory_space<vmem>>
        %dma_start3A_83 = tpu.memref_squeeze %dma_start3A_82 : memref<1x80x128xbf16, #tpu.memory_space<vmem>> -> memref<80x128xbf16, #tpu.memory_space<vmem>>
        %dma_start3A_84 = tpu.memref_slice %arg5[%mul3A_78] : memref<320xi32, #tpu.memory_space<vmem>> -> memref<80xi32, #tpu.memory_space<vmem>>
        %dma_start3A_85 = arith.constant 0 : i32
        %dma_start3A_86 = arith.constant 0 : i32
        %dma_start3A_87 = tpu.memref_slice %arg2[%dma_start3A_85, %dma_start3A_86] : memref<1000x128xbf16, #tpu.memory_space<hbm>> -> memref<1000x128xbf16, #tpu.memory_space<hbm>>
        tpu.enqueue_indirect_dma source(%dma_start3A_87 : memref<1000x128xbf16, #tpu.memory_space<hbm>>) target(%dma_start3A_83 : memref<80x128xbf16, #tpu.memory_space<vmem>>) offsets(%dma_start3A_84 : memref<80xi32, #tpu.memory_space<vmem>>) semaphore(%arg8 : memref<!tpu.dma_semaphore, #tpu.memory_space<semaphore_mem>>)
      } else {
      }
    }
    %scan3A_26 = arith.constant 2 : i32
    return
  }
}

module attributes {stable_mosaic.version = 14 : i64} {
  func.func @_proj_body(%arg0: i32, %arg1: memref<1000x128xbf16, #tpu.memory_space<vmem>>, %arg2: memref<2x1024x128xbf16, #tpu.memory_space<vmem>>, %arg3: memref<1000x1xf32, #tpu.memory_space<vmem>>, %arg4: memref<2x1000x1024xf32, #tpu.memory_space<vmem>>) attributes {dimension_semantics = [#tpu.dimension_semantics<arbitrary>], iteration_bounds = array<i64: 5>, scalar_prefetch = 0 : i64, scratch_operands = 0 : i64, tpu.core_type = #tpu.core_type<tc>, window_params = [{pipeline_mode = #tpu.pipeline_mode<synchronous>, transform_indices = @transform_0, window_bounds = array<i64: 1000, 128>}, {transform_indices = @transform_1, window_bounds = array<i64: 2, 1024, 128>}, {pipeline_mode = #tpu.pipeline_mode<synchronous>, transform_indices = @transform_2, window_bounds = array<i64: 1000, 1>}, {transform_indices = @transform_3, window_bounds = array<i64: 2, 1000, 1024>}]} {
    %get3A = arith.constant 0 : index
    %get3A_0 = arith.constant 0 : index
    %get3A_1 = arith.constant 0 : index
    %get3A_2 = vector.load %arg2[%get3A, %get3A_0, %get3A_1] : memref<2x1024x128xbf16, #tpu.memory_space<vmem>>, vector<1x1024x128xbf16>
    %get3A_3 = vector.shape_cast %get3A_2 : vector<1x1024x128xbf16> to vector<1024x128xbf16>
    %get3A_4 = arith.constant 0 : index
    %get3A_5 = arith.constant 0 : index
    %get3A_6 = vector.load %arg1[%get3A_4, %get3A_5] : memref<1000x128xbf16, #tpu.memory_space<vmem>>, vector<1000x128xbf16>
    %dot_general3A = arith.constant dense<0.000000e+00> : vector<1000x1024xf32>
    %dot_general3A_7 = tpu.matmul %get3A_6, %get3A_3, %dot_general3A {dimension_numbers = #tpu.dot_dimension_numbers<[1], [1], [0], [0], [0, 0, 1, 0], [], []>, transpose_lhs_hint = false} : vector<1000x128xbf16>, vector<1024x128xbf16>, vector<1000x1024xf32> -> vector<1000x1024xf32>
    %get3A_8 = arith.constant 0 : index
    %get3A_9 = arith.constant 0 : index
    %get3A_10 = vector.load %arg3[%get3A_8, %get3A_9] : memref<1000x1xf32, #tpu.memory_space<vmem>>, vector<1000x1xf32>
    %add3A = vector.broadcast %get3A_10 : vector<1000x1xf32> to vector<1000x1024xf32>
    %add3A_11 = arith.addf %dot_general3A_7, %add3A : vector<1000x1024xf32>
    %swap3A = arith.constant 0 : index
    %swap3A_12 = arith.constant 0 : index
    %swap3A_13 = arith.constant 0 : index
    %swap3A_14 = vector.load %arg4[%swap3A, %swap3A_12, %swap3A_13] : memref<2x1000x1024xf32, #tpu.memory_space<vmem>>, vector<1x1000x1024xf32>
    %swap3A_15 = vector.shape_cast %swap3A_14 : vector<1x1000x1024xf32> to vector<1000x1024xf32>
    %swap3A_16 = vector.shape_cast %add3A_11 : vector<1000x1024xf32> to vector<1x1000x1024xf32>
    tpu.vector_store %arg4[%swap3A, %swap3A_12, %swap3A_13], %swap3A_16 {strides = array<i32>} : memref<2x1000x1024xf32, #tpu.memory_space<vmem>>, vector<1x1000x1024xf32>,
    %get3A_17 = arith.constant 1 : index
    %get3A_18 = arith.constant 0 : index
    %get3A_19 = arith.constant 0 : index
    %get3A_20 = vector.load %arg2[%get3A_17, %get3A_18, %get3A_19] : memref<2x1024x128xbf16, #tpu.memory_space<vmem>>, vector<1x1024x128xbf16>
    %get3A_21 = vector.shape_cast %get3A_20 : vector<1x1024x128xbf16> to vector<1024x128xbf16>
    %get3A_22 = arith.constant 0 : index
    %get3A_23 = arith.constant 0 : index
    %get3A_24 = vector.load %arg1[%get3A_22, %get3A_23] : memref<1000x128xbf16, #tpu.memory_space<vmem>>, vector<1000x128xbf16>
    %dot_general3A_25 = arith.constant dense<0.000000e+00> : vector<1000x1024xf32>
    %dot_general3A_26 = tpu.matmul %get3A_24, %get3A_21, %dot_general3A_25 {dimension_numbers = #tpu.dot_dimension_numbers<[1], [1], [0], [0], [0, 0, 1, 0], [], []>, transpose_lhs_hint = false} : vector<1000x128xbf16>, vector<1024x128xbf16>, vector<1000x1024xf32> -> vector<1000x1024xf32>
    %get3A_27 = arith.constant 0 : index
    %get3A_28 = arith.constant 0 : index
    %get3A_29 = vector.load %arg3[%get3A_27, %get3A_28] : memref<1000x1xf32, #tpu.memory_space<vmem>>, vector<1000x1xf32>
    %add3A_30 = vector.broadcast %get3A_29 : vector<1000x1xf32> to vector<1000x1024xf32>
    %add3A_31 = arith.addf %dot_general3A_26, %add3A_30 : vector<1000x1024xf32>
    %swap3A_32 = arith.constant 1 : index
    %swap3A_33 = arith.constant 0 : index
    %swap3A_34 = arith.constant 0 : index
    %swap3A_35 = vector.load %arg4[%swap3A_32, %swap3A_33, %swap3A_34] : memref<2x1000x1024xf32, #tpu.memory_space<vmem>>, vector<1x1000x1024xf32>
    %swap3A_36 = vector.shape_cast %swap3A_35 : vector<1x1000x1024xf32> to vector<1000x1024xf32>
    %swap3A_37 = vector.shape_cast %add3A_31 : vector<1000x1024xf32> to vector<1x1000x1024xf32>
    tpu.vector_store %arg4[%swap3A_32, %swap3A_33, %swap3A_34], %swap3A_37 {strides = array<i32>} : memref<2x1000x1024xf32, #tpu.memory_space<vmem>>, vector<1x1000x1024xf32>,
    return
  }
  func.func @transform_0(%arg0: i32) -> (i32, i32) {
    %c0_i32 = arith.constant 0 : i32
    %c0_i32_0 = arith.constant 0 : i32
    %c0_i32_1 = arith.constant 0 : i32
    return %c0_i32, %c0_i32_0 : i32, i32
  }
  func.func @transform_1(%arg0: i32) -> (i32, i32, i32) {
    %c0_i32 = arith.constant 0 : i32
    %c0_i32_0 = arith.constant 0 : i32
    %c0_i32_1 = arith.constant 0 : i32
    return %arg0, %c0_i32, %c0_i32_0 : i32, i32, i32
  }
  func.func @transform_2(%arg0: i32) -> (i32, i32) {
    %c0_i32 = arith.constant 0 : i32
    %c0_i32_0 = arith.constant 0 : i32
    %c0_i32_1 = arith.constant 0 : i32
    return %c0_i32, %c0_i32_0 : i32, i32
  }
  func.func @transform_3(%arg0: i32) -> (i32, i32, i32) {
    %add3A = arith.constant 0 : i32
    %add3A_0 = arith.addi %arg0, %add3A : i32
    %c0_i32 = arith.constant 0 : i32
    %c0_i32_1 = arith.constant 0 : i32
    %c0_i32_2 = arith.constant 0 : i32
    return %add3A_0, %c0_i32, %c0_i32_1 : i32, i32, i32
  }
}

module attributes {stable_mosaic.version = 14 : i64} {
  func.func @_proj_body_alias(%arg0: i32, %arg1: memref<1000x128xbf16, #tpu.memory_space<vmem>>, %arg2: memref<2x1024x128xbf16, #tpu.memory_space<vmem>>, %arg3: memref<1000x1xf32, #tpu.memory_space<vmem>>, %arg4: memref<50x1000x1024xf32, #tpu.memory_space<any>>, %arg5: memref<2x1000x1024xf32, #tpu.memory_space<vmem>>) attributes {dimension_semantics = [#tpu.dimension_semantics<arbitrary>], iteration_bounds = array<i64: 5>, scalar_prefetch = 0 : i64, scratch_operands = 0 : i64, tpu.core_type = #tpu.core_type<tc>, window_params = [{pipeline_mode = #tpu.pipeline_mode<synchronous>, transform_indices = @transform_0, window_bounds = array<i64: 1000, 128>}, {transform_indices = @transform_1, window_bounds = array<i64: 2, 1024, 128>}, {pipeline_mode = #tpu.pipeline_mode<synchronous>, transform_indices = @transform_2, window_bounds = array<i64: 1000, 1>}, {}, {transform_indices = @transform_4, window_bounds = array<i64: 2, 1000, 1024>}]} {
    %get3A = arith.constant 0 : index
    %get3A_0 = arith.constant 0 : index
    %get3A_1 = arith.constant 0 : index
    %get3A_2 = vector.load %arg2[%get3A, %get3A_0, %get3A_1] : memref<2x1024x128xbf16, #tpu.memory_space<vmem>>, vector<1x1024x128xbf16>
    %get3A_3 = vector.shape_cast %get3A_2 : vector<1x1024x128xbf16> to vector<1024x128xbf16>
    %get3A_4 = arith.constant 0 : index
    %get3A_5 = arith.constant 0 : index
    %get3A_6 = vector.load %arg1[%get3A_4, %get3A_5] : memref<1000x128xbf16, #tpu.memory_space<vmem>>, vector<1000x128xbf16>
    %dot_general3A = arith.constant dense<0.000000e+00> : vector<1000x1024xf32>
    %dot_general3A_7 = tpu.matmul %get3A_6, %get3A_3, %dot_general3A {dimension_numbers = #tpu.dot_dimension_numbers<[1], [1], [0], [0], [0, 0, 1, 0], [], []>, transpose_lhs_hint = false} : vector<1000x128xbf16>, vector<1024x128xbf16>, vector<1000x1024xf32> -> vector<1000x1024xf32>
    %get3A_8 = arith.constant 0 : index
    %get3A_9 = arith.constant 0 : index
    %get3A_10 = vector.load %arg3[%get3A_8, %get3A_9] : memref<1000x1xf32, #tpu.memory_space<vmem>>, vector<1000x1xf32>
    %add3A = vector.broadcast %get3A_10 : vector<1000x1xf32> to vector<1000x1024xf32>
    %add3A_11 = arith.addf %dot_general3A_7, %add3A : vector<1000x1024xf32>
    %swap3A = arith.constant 0 : index
    %swap3A_12 = arith.constant 0 : index
    %swap3A_13 = arith.constant 0 : index
    %swap3A_14 = vector.load %arg5[%swap3A, %swap3A_12, %swap3A_13] : memref<2x1000x1024xf32, #tpu.memory_space<vmem>>, vector<1x1000x1024xf32>
    %swap3A_15 = vector.shape_cast %swap3A_14 : vector<1x1000x1024xf32> to vector<1000x1024xf32>
    %swap3A_16 = vector.shape_cast %add3A_11 : vector<1000x1024xf32> to vector<1x1000x1024xf32>
    tpu.vector_store %arg5[%swap3A, %swap3A_12, %swap3A_13], %swap3A_16 {strides = array<i32>} : memref<2x1000x1024xf32, #tpu.memory_space<vmem>>, vector<1x1000x1024xf32>,
    %get3A_17 = arith.constant 1 : index
    %get3A_18 = arith.constant 0 : index
    %get3A_19 = arith.constant 0 : index
    %get3A_20 = vector.load %arg2[%get3A_17, %get3A_18, %get3A_19] : memref<2x1024x128xbf16, #tpu.memory_space<vmem>>, vector<1x1024x128xbf16>
    %get3A_21 = vector.shape_cast %get3A_20 : vector<1x1024x128xbf16> to vector<1024x128xbf16>
    %get3A_22 = arith.constant 0 : index
    %get3A_23 = arith.constant 0 : index
    %get3A_24 = vector.load %arg1[%get3A_22, %get3A_23] : memref<1000x128xbf16, #tpu.memory_space<vmem>>, vector<1000x128xbf16>
    %dot_general3A_25 = arith.constant dense<0.000000e+00> : vector<1000x1024xf32>
    %dot_general3A_26 = tpu.matmul %get3A_24, %get3A_21, %dot_general3A_25 {dimension_numbers = #tpu.dot_dimension_numbers<[1], [1], [0], [0], [0, 0, 1, 0], [], []>, transpose_lhs_hint = false} : vector<1000x128xbf16>, vector<1024x128xbf16>, vector<1000x1024xf32> -> vector<1000x1024xf32>
    %get3A_27 = arith.constant 0 : index
    %get3A_28 = arith.constant 0 : index
    %get3A_29 = vector.load %arg3[%get3A_27, %get3A_28] : memref<1000x1xf32, #tpu.memory_space<vmem>>, vector<1000x1xf32>
    %add3A_30 = vector.broadcast %get3A_29 : vector<1000x1xf32> to vector<1000x1024xf32>
    %add3A_31 = arith.addf %dot_general3A_26, %add3A_30 : vector<1000x1024xf32>
    %swap3A_32 = arith.constant 1 : index
    %swap3A_33 = arith.constant 0 : index
    %swap3A_34 = arith.constant 0 : index
    %swap3A_35 = vector.load %arg5[%swap3A_32, %swap3A_33, %swap3A_34] : memref<2x1000x1024xf32, #tpu.memory_space<vmem>>, vector<1x1000x1024xf32>
    %swap3A_36 = vector.shape_cast %swap3A_35 : vector<1x1000x1024xf32> to vector<1000x1024xf32>
    %swap3A_37 = vector.shape_cast %add3A_31 : vector<1000x1024xf32> to vector<1x1000x1024xf32>
    tpu.vector_store %arg5[%swap3A_32, %swap3A_33, %swap3A_34], %swap3A_37 {strides = array<i32>} : memref<2x1000x1024xf32, #tpu.memory_space<vmem>>, vector<1x1000x1024xf32>,
    return
  }
  func.func @transform_0(%arg0: i32) -> (i32, i32) {
    %c0_i32 = arith.constant 0 : i32
    %c0_i32_0 = arith.constant 0 : i32
    %c0_i32_1 = arith.constant 0 : i32
    return %c0_i32, %c0_i32_0 : i32, i32
  }
  func.func @transform_1(%arg0: i32) -> (i32, i32, i32) {
    %c0_i32 = arith.constant 0 : i32
    %c0_i32_0 = arith.constant 0 : i32
    %c0_i32_1 = arith.constant 0 : i32
    return %arg0, %c0_i32, %c0_i32_0 : i32, i32, i32
  }
  func.func @transform_2(%arg0: i32) -> (i32, i32) {
    %c0_i32 = arith.constant 0 : i32
    %c0_i32_0 = arith.constant 0 : i32
    %c0_i32_1 = arith.constant 0 : i32
    return %c0_i32, %c0_i32_0 : i32, i32
  }
  func.func @transform_4(%arg0: i32) -> (i32, i32, i32) {
    %add3A = arith.constant 10 : i32
    %add3A_0 = arith.addi %arg0, %add3A : i32
    %c0_i32 = arith.constant 0 : i32
    %c0_i32_1 = arith.constant 0 : i32
    %c0_i32_2 = arith.constant 0 : i32
    return %add3A_0, %c0_i32, %c0_i32_1 : i32, i32, i32
  }
}

module attributes {stable_mosaic.version = 14 : i64} {
  func.func @_proj_body_alias(%arg0: i32, %arg1: memref<1000x128xbf16, #tpu.memory_space<vmem>>, %arg2: memref<2x1024x128xbf16, #tpu.memory_space<vmem>>, %arg3: memref<1000x1xf32, #tpu.memory_space<vmem>>, %arg4: memref<50x1000x1024xf32, #tpu.memory_space<any>>, %arg5: memref<2x1000x1024xf32, #tpu.memory_space<vmem>>) attributes {dimension_semantics = [#tpu.dimension_semantics<arbitrary>], iteration_bounds = array<i64: 5>, scalar_prefetch = 0 : i64, scratch_operands = 0 : i64, tpu.core_type = #tpu.core_type<tc>, window_params = [{pipeline_mode = #tpu.pipeline_mode<synchronous>, transform_indices = @transform_0, window_bounds = array<i64: 1000, 128>}, {transform_indices = @transform_1, window_bounds = array<i64: 2, 1024, 128>}, {pipeline_mode = #tpu.pipeline_mode<synchronous>, transform_indices = @transform_2, window_bounds = array<i64: 1000, 1>}, {}, {transform_indices = @transform_4, window_bounds = array<i64: 2, 1000, 1024>}]} {
    %get3A = arith.constant 0 : index
    %get3A_0 = arith.constant 0 : index
    %get3A_1 = arith.constant 0 : index
    %get3A_2 = vector.load %arg2[%get3A, %get3A_0, %get3A_1] : memref<2x1024x128xbf16, #tpu.memory_space<vmem>>, vector<1x1024x128xbf16>
    %get3A_3 = vector.shape_cast %get3A_2 : vector<1x1024x128xbf16> to vector<1024x128xbf16>
    %get3A_4 = arith.constant 0 : index
    %get3A_5 = arith.constant 0 : index
    %get3A_6 = vector.load %arg1[%get3A_4, %get3A_5] : memref<1000x128xbf16, #tpu.memory_space<vmem>>, vector<1000x128xbf16>
    %dot_general3A = arith.constant dense<0.000000e+00> : vector<1000x1024xf32>
    %dot_general3A_7 = tpu.matmul %get3A_6, %get3A_3, %dot_general3A {dimension_numbers = #tpu.dot_dimension_numbers<[1], [1], [0], [0], [0, 0, 1, 0], [], []>, transpose_lhs_hint = false} : vector<1000x128xbf16>, vector<1024x128xbf16>, vector<1000x1024xf32> -> vector<1000x1024xf32>
    %get3A_8 = arith.constant 0 : index
    %get3A_9 = arith.constant 0 : index
    %get3A_10 = vector.load %arg3[%get3A_8, %get3A_9] : memref<1000x1xf32, #tpu.memory_space<vmem>>, vector<1000x1xf32>
    %add3A = vector.broadcast %get3A_10 : vector<1000x1xf32> to vector<1000x1024xf32>
    %add3A_11 = arith.addf %dot_general3A_7, %add3A : vector<1000x1024xf32>
    %swap3A = arith.constant 0 : index
    %swap3A_12 = arith.constant 0 : index
    %swap3A_13 = arith.constant 0 : index
    %swap3A_14 = vector.load %arg5[%swap3A, %swap3A_12, %swap3A_13] : memref<2x1000x1024xf32, #tpu.memory_space<vmem>>, vector<1x1000x1024xf32>
    %swap3A_15 = vector.shape_cast %swap3A_14 : vector<1x1000x1024xf32> to vector<1000x1024xf32>
    %swap3A_16 = vector.shape_cast %add3A_11 : vector<1000x1024xf32> to vector<1x1000x1024xf32>
    tpu.vector_store %arg5[%swap3A, %swap3A_12, %swap3A_13], %swap3A_16 {strides = array<i32>} : memref<2x1000x1024xf32, #tpu.memory_space<vmem>>, vector<1x1000x1024xf32>,
    %get3A_17 = arith.constant 1 : index
    %get3A_18 = arith.constant 0 : index
    %get3A_19 = arith.constant 0 : index
    %get3A_20 = vector.load %arg2[%get3A_17, %get3A_18, %get3A_19] : memref<2x1024x128xbf16, #tpu.memory_space<vmem>>, vector<1x1024x128xbf16>
    %get3A_21 = vector.shape_cast %get3A_20 : vector<1x1024x128xbf16> to vector<1024x128xbf16>
    %get3A_22 = arith.constant 0 : index
    %get3A_23 = arith.constant 0 : index
    %get3A_24 = vector.load %arg1[%get3A_22, %get3A_23] : memref<1000x128xbf16, #tpu.memory_space<vmem>>, vector<1000x128xbf16>
    %dot_general3A_25 = arith.constant dense<0.000000e+00> : vector<1000x1024xf32>
    %dot_general3A_26 = tpu.matmul %get3A_24, %get3A_21, %dot_general3A_25 {dimension_numbers = #tpu.dot_dimension_numbers<[1], [1], [0], [0], [0, 0, 1, 0], [], []>, transpose_lhs_hint = false} : vector<1000x128xbf16>, vector<1024x128xbf16>, vector<1000x1024xf32> -> vector<1000x1024xf32>
    %get3A_27 = arith.constant 0 : index
    %get3A_28 = arith.constant 0 : index
    %get3A_29 = vector.load %arg3[%get3A_27, %get3A_28] : memref<1000x1xf32, #tpu.memory_space<vmem>>, vector<1000x1xf32>
    %add3A_30 = vector.broadcast %get3A_29 : vector<1000x1xf32> to vector<1000x1024xf32>
    %add3A_31 = arith.addf %dot_general3A_26, %add3A_30 : vector<1000x1024xf32>
    %swap3A_32 = arith.constant 1 : index
    %swap3A_33 = arith.constant 0 : index
    %swap3A_34 = arith.constant 0 : index
    %swap3A_35 = vector.load %arg5[%swap3A_32, %swap3A_33, %swap3A_34] : memref<2x1000x1024xf32, #tpu.memory_space<vmem>>, vector<1x1000x1024xf32>
    %swap3A_36 = vector.shape_cast %swap3A_35 : vector<1x1000x1024xf32> to vector<1000x1024xf32>
    %swap3A_37 = vector.shape_cast %add3A_31 : vector<1000x1024xf32> to vector<1x1000x1024xf32>
    tpu.vector_store %arg5[%swap3A_32, %swap3A_33, %swap3A_34], %swap3A_37 {strides = array<i32>} : memref<2x1000x1024xf32, #tpu.memory_space<vmem>>, vector<1x1000x1024xf32>,
    return
  }
  func.func @transform_0(%arg0: i32) -> (i32, i32) {
    %c0_i32 = arith.constant 0 : i32
    %c0_i32_0 = arith.constant 0 : i32
    %c0_i32_1 = arith.constant 0 : i32
    return %c0_i32, %c0_i32_0 : i32, i32
  }
  func.func @transform_1(%arg0: i32) -> (i32, i32, i32) {
    %c0_i32 = arith.constant 0 : i32
    %c0_i32_0 = arith.constant 0 : i32
    %c0_i32_1 = arith.constant 0 : i32
    return %arg0, %c0_i32, %c0_i32_0 : i32, i32, i32
  }
  func.func @transform_2(%arg0: i32) -> (i32, i32) {
    %c0_i32 = arith.constant 0 : i32
    %c0_i32_0 = arith.constant 0 : i32
    %c0_i32_1 = arith.constant 0 : i32
    return %c0_i32, %c0_i32_0 : i32, i32
  }
  func.func @transform_4(%arg0: i32) -> (i32, i32, i32) {
    %add3A = arith.constant 5 : i32
    %add3A_0 = arith.addi %arg0, %add3A : i32
    %c0_i32 = arith.constant 0 : i32
    %c0_i32_1 = arith.constant 0 : i32
    %c0_i32_2 = arith.constant 0 : i32
    return %add3A_0, %c0_i32, %c0_i32_1 : i32, i32, i32
  }
}

module attributes {stable_mosaic.version = 14 : i64} {
  func.func @_proj_body_alias(%arg0: i32, %arg1: memref<1000x128xbf16, #tpu.memory_space<vmem>>, %arg2: memref<2x1024x128xbf16, #tpu.memory_space<vmem>>, %arg3: memref<1000x1xf32, #tpu.memory_space<vmem>>, %arg4: memref<50x1000x1024xf32, #tpu.memory_space<any>>, %arg5: memref<2x1000x1024xf32, #tpu.memory_space<vmem>>) attributes {dimension_semantics = [#tpu.dimension_semantics<arbitrary>], iteration_bounds = array<i64: 5>, scalar_prefetch = 0 : i64, scratch_operands = 0 : i64, tpu.core_type = #tpu.core_type<tc>, window_params = [{pipeline_mode = #tpu.pipeline_mode<synchronous>, transform_indices = @transform_0, window_bounds = array<i64: 1000, 128>}, {transform_indices = @transform_1, window_bounds = array<i64: 2, 1024, 128>}, {pipeline_mode = #tpu.pipeline_mode<synchronous>, transform_indices = @transform_2, window_bounds = array<i64: 1000, 1>}, {}, {transform_indices = @transform_4, window_bounds = array<i64: 2, 1000, 1024>}]} {
    %get3A = arith.constant 0 : index
    %get3A_0 = arith.constant 0 : index
    %get3A_1 = arith.constant 0 : index
    %get3A_2 = vector.load %arg2[%get3A, %get3A_0, %get3A_1] : memref<2x1024x128xbf16, #tpu.memory_space<vmem>>, vector<1x1024x128xbf16>
    %get3A_3 = vector.shape_cast %get3A_2 : vector<1x1024x128xbf16> to vector<1024x128xbf16>
    %get3A_4 = arith.constant 0 : index
    %get3A_5 = arith.constant 0 : index
    %get3A_6 = vector.load %arg1[%get3A_4, %get3A_5] : memref<1000x128xbf16, #tpu.memory_space<vmem>>, vector<1000x128xbf16>
    %dot_general3A = arith.constant dense<0.000000e+00> : vector<1000x1024xf32>
    %dot_general3A_7 = tpu.matmul %get3A_6, %get3A_3, %dot_general3A {dimension_numbers = #tpu.dot_dimension_numbers<[1], [1], [0], [0], [0, 0, 1, 0], [], []>, transpose_lhs_hint = false} : vector<1000x128xbf16>, vector<1024x128xbf16>, vector<1000x1024xf32> -> vector<1000x1024xf32>
    %get3A_8 = arith.constant 0 : index
    %get3A_9 = arith.constant 0 : index
    %get3A_10 = vector.load %arg3[%get3A_8, %get3A_9] : memref<1000x1xf32, #tpu.memory_space<vmem>>, vector<1000x1xf32>
    %add3A = vector.broadcast %get3A_10 : vector<1000x1xf32> to vector<1000x1024xf32>
    %add3A_11 = arith.addf %dot_general3A_7, %add3A : vector<1000x1024xf32>
    %swap3A = arith.constant 0 : index
    %swap3A_12 = arith.constant 0 : index
    %swap3A_13 = arith.constant 0 : index
    %swap3A_14 = vector.load %arg5[%swap3A, %swap3A_12, %swap3A_13] : memref<2x1000x1024xf32, #tpu.memory_space<vmem>>, vector<1x1000x1024xf32>
    %swap3A_15 = vector.shape_cast %swap3A_14 : vector<1x1000x1024xf32> to vector<1000x1024xf32>
    %swap3A_16 = vector.shape_cast %add3A_11 : vector<1000x1024xf32> to vector<1x1000x1024xf32>
    tpu.vector_store %arg5[%swap3A, %swap3A_12, %swap3A_13], %swap3A_16 {strides = array<i32>} : memref<2x1000x1024xf32, #tpu.memory_space<vmem>>, vector<1x1000x1024xf32>,
    %get3A_17 = arith.constant 1 : index
    %get3A_18 = arith.constant 0 : index
    %get3A_19 = arith.constant 0 : index
    %get3A_20 = vector.load %arg2[%get3A_17, %get3A_18, %get3A_19] : memref<2x1024x128xbf16, #tpu.memory_space<vmem>>, vector<1x1024x128xbf16>
    %get3A_21 = vector.shape_cast %get3A_20 : vector<1x1024x128xbf16> to vector<1024x128xbf16>
    %get3A_22 = arith.constant 0 : index
    %get3A_23 = arith.constant 0 : index
    %get3A_24 = vector.load %arg1[%get3A_22, %get3A_23] : memref<1000x128xbf16, #tpu.memory_space<vmem>>, vector<1000x128xbf16>
    %dot_general3A_25 = arith.constant dense<0.000000e+00> : vector<1000x1024xf32>
    %dot_general3A_26 = tpu.matmul %get3A_24, %get3A_21, %dot_general3A_25 {dimension_numbers = #tpu.dot_dimension_numbers<[1], [1], [0], [0], [0, 0, 1, 0], [], []>, transpose_lhs_hint = false} : vector<1000x128xbf16>, vector<1024x128xbf16>, vector<1000x1024xf32> -> vector<1000x1024xf32>
    %get3A_27 = arith.constant 0 : index
    %get3A_28 = arith.constant 0 : index
    %get3A_29 = vector.load %arg3[%get3A_27, %get3A_28] : memref<1000x1xf32, #tpu.memory_space<vmem>>, vector<1000x1xf32>
    %add3A_30 = vector.broadcast %get3A_29 : vector<1000x1xf32> to vector<1000x1024xf32>
    %add3A_31 = arith.addf %dot_general3A_26, %add3A_30 : vector<1000x1024xf32>
    %swap3A_32 = arith.constant 1 : index
    %swap3A_33 = arith.constant 0 : index
    %swap3A_34 = arith.constant 0 : index
    %swap3A_35 = vector.load %arg5[%swap3A_32, %swap3A_33, %swap3A_34] : memref<2x1000x1024xf32, #tpu.memory_space<vmem>>, vector<1x1000x1024xf32>
    %swap3A_36 = vector.shape_cast %swap3A_35 : vector<1x1000x1024xf32> to vector<1000x1024xf32>
    %swap3A_37 = vector.shape_cast %add3A_31 : vector<1000x1024xf32> to vector<1x1000x1024xf32>
    tpu.vector_store %arg5[%swap3A_32, %swap3A_33, %swap3A_34], %swap3A_37 {strides = array<i32>} : memref<2x1000x1024xf32, #tpu.memory_space<vmem>>, vector<1x1000x1024xf32>,
    return
  }
  func.func @transform_0(%arg0: i32) -> (i32, i32) {
    %c0_i32 = arith.constant 0 : i32
    %c0_i32_0 = arith.constant 0 : i32
    %c0_i32_1 = arith.constant 0 : i32
    return %c0_i32, %c0_i32_0 : i32, i32
  }
  func.func @transform_1(%arg0: i32) -> (i32, i32, i32) {
    %c0_i32 = arith.constant 0 : i32
    %c0_i32_0 = arith.constant 0 : i32
    %c0_i32_1 = arith.constant 0 : i32
    return %arg0, %c0_i32, %c0_i32_0 : i32, i32, i32
  }
  func.func @transform_2(%arg0: i32) -> (i32, i32) {
    %c0_i32 = arith.constant 0 : i32
    %c0_i32_0 = arith.constant 0 : i32
    %c0_i32_1 = arith.constant 0 : i32
    return %c0_i32, %c0_i32_0 : i32, i32
  }
  func.func @transform_4(%arg0: i32) -> (i32, i32, i32) {
    %add3A = arith.constant 15 : i32
    %add3A_0 = arith.addi %arg0, %add3A : i32
    %c0_i32 = arith.constant 0 : i32
    %c0_i32_1 = arith.constant 0 : i32
    %c0_i32_2 = arith.constant 0 : i32
    return %add3A_0, %c0_i32, %c0_i32_1 : i32, i32, i32
  }
}

module attributes {stable_mosaic.version = 14 : i64} {
  func.func @_proj_body_alias(%arg0: i32, %arg1: memref<1000x128xbf16, #tpu.memory_space<vmem>>, %arg2: memref<2x1024x128xbf16, #tpu.memory_space<vmem>>, %arg3: memref<1000x1xf32, #tpu.memory_space<vmem>>, %arg4: memref<50x1000x1024xf32, #tpu.memory_space<any>>, %arg5: memref<2x1000x1024xf32, #tpu.memory_space<vmem>>) attributes {dimension_semantics = [#tpu.dimension_semantics<arbitrary>], iteration_bounds = array<i64: 5>, scalar_prefetch = 0 : i64, scratch_operands = 0 : i64, tpu.core_type = #tpu.core_type<tc>, window_params = [{pipeline_mode = #tpu.pipeline_mode<synchronous>, transform_indices = @transform_0, window_bounds = array<i64: 1000, 128>}, {transform_indices = @transform_1, window_bounds = array<i64: 2, 1024, 128>}, {pipeline_mode = #tpu.pipeline_mode<synchronous>, transform_indices = @transform_2, window_bounds = array<i64: 1000, 1>}, {}, {transform_indices = @transform_4, window_bounds = array<i64: 2, 1000, 1024>}]} {
    %get3A = arith.constant 0 : index
    %get3A_0 = arith.constant 0 : index
    %get3A_1 = arith.constant 0 : index
    %get3A_2 = vector.load %arg2[%get3A, %get3A_0, %get3A_1] : memref<2x1024x128xbf16, #tpu.memory_space<vmem>>, vector<1x1024x128xbf16>
    %get3A_3 = vector.shape_cast %get3A_2 : vector<1x1024x128xbf16> to vector<1024x128xbf16>
    %get3A_4 = arith.constant 0 : index
    %get3A_5 = arith.constant 0 : index
    %get3A_6 = vector.load %arg1[%get3A_4, %get3A_5] : memref<1000x128xbf16, #tpu.memory_space<vmem>>, vector<1000x128xbf16>
    %dot_general3A = arith.constant dense<0.000000e+00> : vector<1000x1024xf32>
    %dot_general3A_7 = tpu.matmul %get3A_6, %get3A_3, %dot_general3A {dimension_numbers = #tpu.dot_dimension_numbers<[1], [1], [0], [0], [0, 0, 1, 0], [], []>, transpose_lhs_hint = false} : vector<1000x128xbf16>, vector<1024x128xbf16>, vector<1000x1024xf32> -> vector<1000x1024xf32>
    %get3A_8 = arith.constant 0 : index
    %get3A_9 = arith.constant 0 : index
    %get3A_10 = vector.load %arg3[%get3A_8, %get3A_9] : memref<1000x1xf32, #tpu.memory_space<vmem>>, vector<1000x1xf32>
    %add3A = vector.broadcast %get3A_10 : vector<1000x1xf32> to vector<1000x1024xf32>
    %add3A_11 = arith.addf %dot_general3A_7, %add3A : vector<1000x1024xf32>
    %swap3A = arith.constant 0 : index
    %swap3A_12 = arith.constant 0 : index
    %swap3A_13 = arith.constant 0 : index
    %swap3A_14 = vector.load %arg5[%swap3A, %swap3A_12, %swap3A_13] : memref<2x1000x1024xf32, #tpu.memory_space<vmem>>, vector<1x1000x1024xf32>
    %swap3A_15 = vector.shape_cast %swap3A_14 : vector<1x1000x1024xf32> to vector<1000x1024xf32>
    %swap3A_16 = vector.shape_cast %add3A_11 : vector<1000x1024xf32> to vector<1x1000x1024xf32>
    tpu.vector_store %arg5[%swap3A, %swap3A_12, %swap3A_13], %swap3A_16 {strides = array<i32>} : memref<2x1000x1024xf32, #tpu.memory_space<vmem>>, vector<1x1000x1024xf32>,
    %get3A_17 = arith.constant 1 : index
    %get3A_18 = arith.constant 0 : index
    %get3A_19 = arith.constant 0 : index
    %get3A_20 = vector.load %arg2[%get3A_17, %get3A_18, %get3A_19] : memref<2x1024x128xbf16, #tpu.memory_space<vmem>>, vector<1x1024x128xbf16>
    %get3A_21 = vector.shape_cast %get3A_20 : vector<1x1024x128xbf16> to vector<1024x128xbf16>
    %get3A_22 = arith.constant 0 : index
    %get3A_23 = arith.constant 0 : index
    %get3A_24 = vector.load %arg1[%get3A_22, %get3A_23] : memref<1000x128xbf16, #tpu.memory_space<vmem>>, vector<1000x128xbf16>
    %dot_general3A_25 = arith.constant dense<0.000000e+00> : vector<1000x1024xf32>
    %dot_general3A_26 = tpu.matmul %get3A_24, %get3A_21, %dot_general3A_25 {dimension_numbers = #tpu.dot_dimension_numbers<[1], [1], [0], [0], [0, 0, 1, 0], [], []>, transpose_lhs_hint = false} : vector<1000x128xbf16>, vector<1024x128xbf16>, vector<1000x1024xf32> -> vector<1000x1024xf32>
    %get3A_27 = arith.constant 0 : index
    %get3A_28 = arith.constant 0 : index
    %get3A_29 = vector.load %arg3[%get3A_27, %get3A_28] : memref<1000x1xf32, #tpu.memory_space<vmem>>, vector<1000x1xf32>
    %add3A_30 = vector.broadcast %get3A_29 : vector<1000x1xf32> to vector<1000x1024xf32>
    %add3A_31 = arith.addf %dot_general3A_26, %add3A_30 : vector<1000x1024xf32>
    %swap3A_32 = arith.constant 1 : index
    %swap3A_33 = arith.constant 0 : index
    %swap3A_34 = arith.constant 0 : index
    %swap3A_35 = vector.load %arg5[%swap3A_32, %swap3A_33, %swap3A_34] : memref<2x1000x1024xf32, #tpu.memory_space<vmem>>, vector<1x1000x1024xf32>
    %swap3A_36 = vector.shape_cast %swap3A_35 : vector<1x1000x1024xf32> to vector<1000x1024xf32>
    %swap3A_37 = vector.shape_cast %add3A_31 : vector<1000x1024xf32> to vector<1x1000x1024xf32>
    tpu.vector_store %arg5[%swap3A_32, %swap3A_33, %swap3A_34], %swap3A_37 {strides = array<i32>} : memref<2x1000x1024xf32, #tpu.memory_space<vmem>>, vector<1x1000x1024xf32>,
    return
  }
  func.func @transform_0(%arg0: i32) -> (i32, i32) {
    %c0_i32 = arith.constant 0 : i32
    %c0_i32_0 = arith.constant 0 : i32
    %c0_i32_1 = arith.constant 0 : i32
    return %c0_i32, %c0_i32_0 : i32, i32
  }
  func.func @transform_1(%arg0: i32) -> (i32, i32, i32) {
    %c0_i32 = arith.constant 0 : i32
    %c0_i32_0 = arith.constant 0 : i32
    %c0_i32_1 = arith.constant 0 : i32
    return %arg0, %c0_i32, %c0_i32_0 : i32, i32, i32
  }
  func.func @transform_2(%arg0: i32) -> (i32, i32) {
    %c0_i32 = arith.constant 0 : i32
    %c0_i32_0 = arith.constant 0 : i32
    %c0_i32_1 = arith.constant 0 : i32
    return %c0_i32, %c0_i32_0 : i32, i32
  }
  func.func @transform_4(%arg0: i32) -> (i32, i32, i32) {
    %add3A = arith.constant 20 : i32
    %add3A_0 = arith.addi %arg0, %add3A : i32
    %c0_i32 = arith.constant 0 : i32
    %c0_i32_1 = arith.constant 0 : i32
    %c0_i32_2 = arith.constant 0 : i32
    return %add3A_0, %c0_i32, %c0_i32_1 : i32, i32, i32
  }
}

</mosaic_0001>

<sc_bundles>
// kernel: kernel.12.cloned.1.call-start
scs
__scs_entry_jumppad:
0x0: {  	(pc) =	sbr.rel $0x88, $3  }
0x1: {  	(tag) =	ssettag $0x0;
	lr =	simm.s32 $0x1  }
0x2: {  	[smem:$0x3F9D] =	sst lr;
	_ =	strace $0xD0000000  }
0x3: {  	_ = 	snop  }
0x4: {  	_ = 	snop  }
0x5: {  	_ = 	snop  }
0x6: {  	_ = 	snop  }
0x7: {  	_ = 	snop  }
__scs_overlays_trampoline_lowered:
0x8: {  	[smem:$0x3FAC] =	sst s0  }
0x9: {  	[smem:$0x3FAD] =	sst s1  }
0xa: {  	[smem:$0x3FAE] =	sst s2  }
0xb: {  	[smem:$0x3FAF] =	sst s3  }
0xc: {  	[smem:$0x3FB0] =	sst s4  }
0xd: {  	[smem:$0x3FB1] =	sst s5  }
0xe: {  	[smem:$0x3FB2] =	sst s6  }
0xf: {  	[smem:$0x3FB3] =	sst s7  }
0x10: {  	[smem:$0x3FB4] =	sst s8  }
0x11: {  	[smem:$0x3FB5] =	sst s9;
	s0 =	simm.s32 @!p0 $0x0  }
0x12: {  	s1 =	sld [smem:$0x3F9B];
	s0 =	simm.s32 @p0 $0x1  }
0x13: {  	[smem:$0x3FB6] =	sst s0;
	s0 =	simm.s32 @!p1 $0x0  }
0x14: {  	s2 =	sld [smem:$0x3F9A];
	s0 =	simm.s32 @p1 $0x1  }
0x15: {  	[smem:$0x3FB7] =	sst s0;
	s0 =	simm.s32 @!p2 $0x0  }
0x16: {  	s3 =	sld [smem:$0x3FDB];
	s0 =	simm.s32 @p2 $0x1  }
0x17: {  	s4 =	simm.s32 $0x1BF5;
	[smem:$0x3FB9] =	sst s0  }
0x18: {  	s0 =	sld [smem:$0x3F9C];
	_ =	swait.ge [sflag:s4], $0x0  }
0x19: {  	s7 =	sld [smem:$0x3F9D]  }
0x1a: {  	s8 =	sadd.s32 $0xFFFFE003, lr  }
0x1b: {  	s9 =	sadd.s32 $0xFFFFFEF7, lr;
	s5 =	simm.s32 $0xFFFFFFFF;
	p2 =	slt.u32 s8, $0xFFFFF086  }
0x1c: {  	p1 =	slt.u32 s9, $0xF7A;
	s5 =	simm.s32 @!p2 $0x0  }
0x1d: {  	s5 =	simm.s32 @p1 $0x1;
	p0 =	seq.s32 s7, s2  }
0x1e: {  	s7 =	smul.u32 @!p0 $0xF7A, s2;
	p2 =	seq.s32 @!p0 s5, $0x0  }
0x1f: {  	s9 =	smul.u32 $0xF7A, s1;
	s8 =	simm.s32 @!p0 $0x1BF5;
	p2 =	por !p2, p0  }
0x20: {  	[sflag:s8] =	ssyncset.s32 @!p0 $0xFFFFF086;
	s6 =	sadd.s32 @!p0 s3, s7;
	s7 =	simm.s32 @!p0 $0x108  }
0x21: {  	s3 =	sadd.s32 s3, s9;
	s6 =	sadd.s32 @!p0 $0x88, s6;
	s7 =	simm.s32 @p2 $0x1082  }
0x22: {  	[simem:s7], [sflag:s8] =	dma.local @!p0 [hbm:s6], $0xF7A  }
0x23: {  	s9 =	sor.u32 $0xD0000000, s2;
	s6 =	simm.s32 $0x108;
	_ =	swait.ge @!p0 [sflag:s8], $0x0  }
0x24: {  	s3 =	sadd.s32 $0x88, s3;
	s6 =	simm.s32 @!p1 $0x1082;
	[sflag:s4] =	ssyncset.s32 $0xFFFFF086  }
0x25: {  	[simem:s6], [sflag:s4] =	dma.local [hbm:s3], $0xF7A  }
0x26: {  	[smem:$0x3F9D] =	sst s1;
	(tag) =	ssettag s2;
	_ =	strace s9  }
0x27: {  	s1 =	sld [smem:$0x3FAD]  }
0x28: {  	s2 =	sld [smem:$0x3FAE]  }
0x29: {  	s4 =	sld [smem:$0x3FB0]  }
0x2a: {  	p0 =	seq.s32 s5, $0x0;
	s5 =	sld [smem:$0x3FB1]  }
0x2b: {  	s6 =	sld [smem:$0x3FB2]  }
0x2c: {  	s7 =	sld [smem:$0x3FB3]  }
0x2d: {  	s3 =	simm.s32 $0x108;
	s8 =	sld [smem:$0x3FB4]  }
0x2e: {  	s3 =	simm.s32 @!p0 $0x1082;
	s9 =	sld [smem:$0x3FB5]  }
0x2f: {  	lr =	sadd.s32 s0, s3;
	s0 =	sld [smem:$0x3FAC]  }
0x30: {  	s3 =	sld [smem:$0x3FAF]  }
0x31: {  	[smem:$0x3FB8] =	sst s10  }
0x32: {  	s10 =	sld [smem:$0x3FB6];
	_ =	sdelay $0x3  }
0x33: {  	p0 =	seq.s32 s10, $0x1;
	s10 =	sld [smem:$0x3FB8];
	_ =	sdelay $0x3  }
0x34: {  	[smem:$0x3FB8] =	sst s10  }
0x35: {  	s10 =	sld [smem:$0x3FB7];
	_ =	sdelay $0x3  }
0x36: {  	p1 =	seq.s32 s10, $0x1;
	s10 =	sld [smem:$0x3FB8];
	_ =	sdelay $0x3  }
0x37: {  	[smem:$0x3FB8] =	sst s10  }
0x38: {  	s10 =	sld [smem:$0x3FB9]  }
0x39: {  	_ = 	snop;
	(pc) =	sbr.ind lr, $3  }
0x3a: {  	_ = 	snop  }
0x3b: {  	_ = 	snop  }
0x3c: {  	p2 =	seq.s32 s10, $0x1;
	s10 =	sld [smem:$0x3FB8]  }
0x3d: {  	_ =	shalt  }
0x3e: {  	_ =	shalt  }
0x3f: {  	_ =	shalt  }
0x40: {  	_ =	shalt  }
0x41: {  	_ =	shalt  }
0x42: {  	_ =	shalt  }
0x43: {  	_ =	shalt  }
0x44: {  	_ =	shalt  }
0x45: {  	_ =	shalt  }
0x46: {  	_ =	shalt  }
0x47: {  	_ =	shalt  }
0x48: {  	_ =	shalt  }
0x49: {  	_ =	shalt  }
0x4a: {  	_ =	shalt  }
0x4b: {  	_ =	shalt  }
0x4c: {  	_ =	shalt  }
0x4d: {  	_ =	shalt  }
0x4e: {  	_ =	shalt  }
0x4f: {  	_ =	shalt  }
0x50: {  	_ =	shalt  }
0x51: {  	_ =	shalt  }
0x52: {  	_ =	shalt  }
0x53: {  	_ =	shalt  }
0x54: {  	_ =	shalt  }
0x55: {  	_ =	shalt  }
0x56: {  	_ =	shalt  }
0x57: {  	_ =	shalt  }
0x58: {  	_ =	shalt  }
0x59: {  	_ =	shalt  }
0x5a: {  	_ =	shalt  }
0x5b: {  	_ =	shalt  }
0x5c: {  	_ =	shalt  }
0x5d: {  	_ =	shalt  }
0x5e: {  	_ =	shalt  }
0x5f: {  	_ =	shalt  }
0x60: {  	_ =	shalt  }
0x61: {  	_ =	shalt  }
0x62: {  	_ =	shalt  }
0x63: {  	_ =	shalt  }
0x64: {  	_ =	shalt  }
0x65: {  	_ =	shalt  }
0x66: {  	_ =	shalt  }
0x67: {  	_ =	shalt  }
0x68: {  	_ =	shalt  }
0x69: {  	_ =	shalt  }
0x6a: {  	_ =	shalt  }
0x6b: {  	_ =	shalt  }
0x6c: {  	_ =	shalt  }
0x6d: {  	_ =	shalt  }
0x6e: {  	_ =	shalt  }
0x6f: {  	_ =	shalt  }
0x70: {  	_ =	shalt  }
0x71: {  	_ =	shalt  }
0x72: {  	_ =	shalt  }
0x73: {  	_ =	shalt  }
0x74: {  	_ =	shalt  }
0x75: {  	_ =	shalt  }
0x76: {  	_ =	shalt  }
0x77: {  	_ =	shalt  }
0x78: {  	_ =	shalt  }
0x79: {  	_ =	shalt  }
0x7a: {  	_ =	shalt  }
0x7b: {  	_ =	shalt  }
0x7c: {  	_ =	shalt  }
0x7d: {  	_ =	shalt  }
0x7e: {  	_ =	shalt  }
0x7f: {  	_ =	shalt  }
0x80: {  	_ =	shalt  }
0x81: {  	_ =	shalt  }
0x82: {  	_ =	shalt  }
0x83: {  	_ =	shalt  }
0x84: {  	_ =	shalt  }
0x85: {  	_ =	shalt  }
0x86: {  	_ =	shalt  }
0x87: {  	_ =	shalt  }
.Lfunc_end0:
.L_simem_size_0:
called_computation_lowered:
.L_overlay_start_0:
0x88: {  	s2 =	sld [smem:$0x3FD9]  }
0x89: {  	s3 =	sld [smem:$0x3FFE];
	_ =	sdelay $0x1  }
0x8a: {  	s1 =	srdreg.scid  }
0x8b: {  	s0 =	sand.u32 $0x1, s1  }
0x8c: {  	s16 =	sshll.u32 s0, $0xA;
	s2 =	sadd.s32 s3, s2  }
0x8d: {  	s2 =	sadd.s32 s2, s16  }
0x8e: {  	[smem:$0x3FC4] =	sst s2  }
0x8f: {  	_ = 	snop  }
0x90: {  	(tm) =	ssettm $0x1  }
0x91: {  	s17 =	sld [smem:$0x3FFB];
	_ =	sdelay $0x3  }
0x92: {  	_ =	strace s17  }
0x93: {  	s2 =	sld [smem:$0x3FFC];
	_ =	sdelay $0x3  }
0x94: {  	_ =	strace s2  }
0x95: {  	s2 =	sld [smem:$0x3FFD];
	_ =	sdelay $0x3  }
0x96: {  	_ =	strace s2  }
0x97: {  	_ =	strace $0x8FFFFFFF  }
0x98: {  	s18 =	sld [smem:$0x3FDB];
	_ =	sdelay $0x1  }
0x99: {  	s19 =	simm.s32 $_scs_section_size  }
0x9a: {  	s4 =	simm.s32 $_size__tile_overlayer_lowered;
	s5 =	simm.s32 $_tile_overlayer_lowered  }
0x9b: {  	s22 =	simm.s32 $0x1BFF;
	s21 =	sshll.u32 s5, $0x1;
	s2 =	sadd.s32 s19, s18  }
0x9c: {  	s6 =	simm.s32 $0x0;
	s20 =	sshll.u32 s4, $0x1;
	s4 =	sadd.s32 s21, s2  }
0x9d: {  	[timem:s6], [sflag:s22] =	dma.local [hbm:s4], s20  }
0x9e: {  	_ =	swait.ge [sflag:s22], s20  }
0x9f: {  	s3 =	ssub.s32 $0x0, s20;
	[sflag:s22] =	ssyncset.done $0x0  }
0xa0: {  	[sflag:s22] =	ssyncadd.s32 s3;
	_ =	sdelay $0x1  }
0xa1: {  	s23 =	simm.s32 $0x1B8B  }
0xa2: {  	_ =	swait.ge [sflag:s23], $0x1  }
0xa3: {  	[sflag:s23] =	ssyncset.done $0x0  }
0xa4: {  	s25 =	simm.s32 $0x1B8E;
	s24 =	sld [smem:$0x3FFE];
	[sflag:s23] =	ssyncadd.s32 $0xFFFFFFFF  }
0xa5: {  	s26 =	simm.s32 $execute0_lowered;
	[smem:$0x3FD2] =	sst s25  }
0xa6: {  	s4 =	sshll.u32 s26, $0x1;
	_ =	strace $0x80000046;
	[dreg:$0x1] =	wrdreg $0xFFFFFFFF  }
0xa7: {  	s28 =	simm.s32 $_size_execute0_lowered;
	s2 =	sadd.s32 s2, s4;
	[dreg:$0x0] =	wrdreg $0x0  }
0xa8: {  	s4 =	sshll.u32 s28, $0x1;
	[dreg:$0x2] =	wrdreg s2  }
0xa9: {  	[dreg:$0x3] =	wrdreg s4  }
0xaa: {  	[dreg:$0x4] =	wrdreg $0xC0  }
0xab: {  	_ =	task [dreg:s6], $0x5FFFF  }
0xac: {  	[dreg:$0x1] =	wrdreg $0xFFFFFFFF  }
0xad: {  	[dreg:$0x0] =	wrdreg $0x60  }
0xae: {  	[dreg:$0x2] =	wrdreg s24  }
0xaf: {  	[dreg:$0x3] =	wrdreg $0x9  }
0xb0: {  	_ =	task.clear_ibuf [dreg:s6], $0x4FFFF;
	_ =	strace $0x90000046  }
0xb1: {  	s29 =	simm.s32 $0x9;
	_ =	strace $0x80000048  }
0xb2: {  	_ =	swait.ge [sflag:s29], $0x1  }
0xb3: {  	[sflag:s29] =	ssyncadd.s32 $0xFFFFFFFF  }
0xb4: {  	_ =	strace $0x90000048  }
0xb5: {  	_ =	sfence  }
0xb6: {  	s30 =	sld [smem:$0x0];
	_ =	sdelay $0x2  }
0xb7: {  	s31 =	sshll.u32 s1, $0xD;
	s1 =	sshrl.u32 s1, $0x2  }
0xb8: {  	s3 =	sand.u32 $0x4000, s31;
	s1 =	sadd.s32 s1, s30  }
0xb9: {  	s0 =	sor.u32 s3, s0;
	s1 =	sshll.u32 s1, $0x11  }
0xba: {  	s0 =	sor.u32 s1, s0  }
0xbb: {  	s0 =	sadd.s32 $0x8F2B, s0  }
0xbc: {  	[sflag:s0] =	ssyncadd.remote.s32 $0x1  }
0xbd: {  	_ =	sfence.sel $0xFFFF  }
0xbe: {  	[dreg:$0x0] =	wrdreg $0xFFFFFFFF;
	(pc) =	sbr.abs _section_cstart, $3  }
0xbf: {  	[dreg:$0x1] =	wrdreg $0xFFFFFFFF  }
0xc0: {  	_ =	task.clear_ibuf [dreg:s6], $0x2FFFF;
	_ =	strace $0x9FFFFFFF  }
0xc1: {  	(tm) =	ssettm $0x7FFFFFFF  }
tec
execute0_lowered:
.L_overlay_start_1:
0x0: {  	(tag) =	ssettag $0x1  }
0x1: {  	s1 =	srdreg.scid;
	s0 =	stileid.u32  }
0x2: {  	s16 =	sand.u32 $0x1, s1;
	s31 =	sshll.u32 s0, $0x1  }
0x3: {  	s8 =	sor.u32 s16, s31  }
0x4: {  	s10 =	rddreg [dreg:$0x0];
	s3 =	smul.u32 $0x28, s8  }
0x5: {  	s2 =	simm.s32 $0x0;
	s1 =	rddreg [dreg:$0x1]  }
0x6: {  	[smem:$0x7FF] =	sst s2;
	s3 =	sadd.s32 s3, s10  }
0x7: {  	_ =	strace $0x80000047;
	s4 =	sadd.s32 $0x4200, s3;
	s3 =	simm.s32 $0x3  }
0x8: {  	[tilespmem:s2], [sflag:$0x3] =	stream.linear.gather [hbm4b:s4+s2], $0x140, $0x38;
	[tilespmem:$0x2940] =	vst v63  }
0x9: {  	_ =	swait.ge [sflag:s3], $0x140  }
0xa: {  	s6 =	simm.s32 $0x50;
	[sflag:s3] =	ssyncset.done $0x0  }
0xb: {  	s7 =	simm.s32 $0x140;
	s5 =	sadd.s32 $0x2200, s10;
	[sflag:s3] =	ssyncadd.s32 $0xFFFFFEC0  }
0xc: {  	[tilespmem:s7], [sflag:$0x1] =	stream.indirect.gather [hbm4b:s5+s6], $0x40, s2, s6, $0xb8;
	[tilespmem:$0x2940] =	vst v63  }
0xd: {  	s9 =	simm.s32 $0x1;
	s11 =	smul.u32 $0xA00, s8;
	s8 =	simm.s32 $0x1540  }
0xe: {  	[tilespmem:s8], [sflag:$0x2] =	stream.indirect.gather [hbm4b:s5+s6], $0x40, s6, s6, $0xb8;
	[tilespmem:$0x2940] =	vst v63  }
0xf: {  	_ =	swait.ge [sflag:s9], $0x1400  }
0x10: {  	s17 =	sadd.s32 s11, s10;
	[sflag:s9] =	ssyncset.done $0x0  }
0x11: {  	s10 =	sadd.s32 $0x4800, s17;
	[sflag:s9] =	ssyncadd.s32 $0xFFFFEC00  }
0x12: {  	[hbm4b:s10+s2] =	stream.linear.scatter [tilespmem:s7], [sflag:$0x3], $0x1400, $0x38;
	[tilespmem:$0x2940] =	vst v63  }
0x13: {  	_ =	swait.ge [sflag:s3], $0x1400  }
0x14: {  	[sflag:s3] =	ssyncset.done $0x0  }
0x15: {  	s12 =	simm.s32 $0x2;
	s11 =	simm.s32 $0xA0;
	[sflag:s3] =	ssyncadd.s32 $0xFFFFEC00  }
0x16: {  	[tilespmem:s7], [sflag:$0x1] =	stream.indirect.gather [hbm4b:s5+s6], $0x40, s11, s6, $0xb8;
	[tilespmem:$0x2940] =	vst v63  }
0x17: {  	_ =	swait.ge [sflag:s12], $0x1400  }
0x18: {  	[sflag:s12] =	ssyncset.done $0x0  }
0x19: {  	s13 =	sadd.s32 $0x4A80, s17;
	[sflag:s12] =	ssyncadd.s32 $0xFFFFEC00  }
0x1a: {  	[hbm4b:s13+s2] =	stream.linear.scatter [tilespmem:s8], [sflag:$0x3], $0x1400, $0x38;
	[tilespmem:$0x2940] =	vst v63  }
0x1b: {  	_ =	swait.ge [sflag:s3], $0x1400  }
0x1c: {  	[sflag:s3] =	ssyncset.done $0x0  }
0x1d: {  	s14 =	simm.s32 $0xF0;
	[sflag:s3] =	ssyncadd.s32 $0xFFFFEC00  }
0x1e: {  	[tilespmem:s8], [sflag:$0x2] =	stream.indirect.gather [hbm4b:s5+s6], $0x40, s14, s6, $0xb8;
	[tilespmem:$0x2940] =	vst v63  }
0x1f: {  	_ =	swait.ge [sflag:s9], $0x1400  }
0x20: {  	[sflag:s9] =	ssyncset.done $0x0  }
0x21: {  	s16 =	ssub.s32 $0x2, s16;
	s15 =	sadd.s32 $0x4D00, s17;
	[sflag:s9] =	ssyncadd.s32 $0xFFFFEC00  }
0x22: {  	[hbm4b:s15+s2] =	stream.linear.scatter [tilespmem:s7], [sflag:$0x3], $0x1400, $0x38;
	[tilespmem:$0x2940] =	vst v63  }
0x23: {  	s18 =	sshrl.u32 s16, $0x1;
	_ =	swait.ge [sflag:s3], $0x1400  }
0x24: {  	s16 =	ssub.s32 s16, s18;
	[sflag:s3] =	ssyncset.done $0x0  }
0x25: {  	s18 =	smax.u32 s16, $0x1;
	[sflag:s3] =	ssyncadd.s32 $0xFFFFEC00  }
0x26: {  	p0 =	sne.s32 s18, $0x1;
	_ =	swait.ge [sflag:s12], $0x1400  }
.Ltmp0:
0x27: {  	[sflag:s12] =	ssyncset.done $0x0;
	(pc) =	sbr.rel @!p0 .LBB2_2-.Ltmp0, $4  }
0x28: {  	s16 =	sadd.s32 $0x4F80, s17;
	[sflag:s12] =	ssyncadd.s32 $0xFFFFEC00  }
0x29: {  	[hbm4b:s16+s2] =	stream.linear.scatter [tilespmem:s8], [sflag:$0x3], $0x1400, $0x38;
	[tilespmem:$0x2940] =	vst v63  }
0x2a: {  	_ =	swait.ge [sflag:s3], $0x1400  }
0x2b: {  	s17 =	sadd.s32 $0xFFFFFFFF, s18;
	[sflag:s3] =	ssyncset.done $0x0  }
.LBB2_1:
0x2c: {  	p0 =	sne.s32 s17, $0x1;
	s17 =	sadd.s32 $0xFFFFFFFF, s17;
	[sflag:s3] =	ssyncadd.s32 $0xFFFFEC00  }
0x2d: {  	[tilespmem:s2], [sflag:$0x3] =	stream.linear.gather [hbm4b:s4+s2], $0x140, $0x38;
	[tilespmem:$0x2940] =	vst v63  }
0x2e: {  	_ =	swait.ge [sflag:s3], $0x140  }
0x2f: {  	[sflag:s3] =	ssyncset.done $0x0  }
0x30: {  	[sflag:s3] =	ssyncadd.s32 $0xFFFFFEC0  }
0x31: {  	[tilespmem:s7], [sflag:$0x1] =	stream.indirect.gather [hbm4b:s5+s6], $0x40, s2, s6, $0xb8;
	[tilespmem:$0x2940] =	vst v63  }
0x32: {  	_ = 	snop  }
0x33: {  	[tilespmem:s8], [sflag:$0x2] =	stream.indirect.gather [hbm4b:s5+s6], $0x40, s6, s6, $0xb8;
	[tilespmem:$0x2940] =	vst v63  }
0x34: {  	_ =	swait.ge [sflag:s9], $0x1400  }
0x35: {  	[sflag:s9] =	ssyncset.done $0x0  }
0x36: {  	[sflag:s9] =	ssyncadd.s32 $0xFFFFEC00  }
0x37: {  	[hbm4b:s10+s2] =	stream.linear.scatter [tilespmem:s7], [sflag:$0x3], $0x1400, $0x38;
	[tilespmem:$0x2940] =	vst v63  }
0x38: {  	_ =	swait.ge [sflag:s3], $0x1400  }
0x39: {  	[sflag:s3] =	ssyncset.done $0x0  }
0x3a: {  	[sflag:s3] =	ssyncadd.s32 $0xFFFFEC00  }
0x3b: {  	[tilespmem:s7], [sflag:$0x1] =	stream.indirect.gather [hbm4b:s5+s6], $0x40, s11, s6, $0xb8;
	[tilespmem:$0x2940] =	vst v63  }
0x3c: {  	_ =	swait.ge [sflag:s12], $0x1400  }
0x3d: {  	[sflag:s12] =	ssyncset.done $0x0  }
0x3e: {  	[sflag:s12] =	ssyncadd.s32 $0xFFFFEC00  }
0x3f: {  	[hbm4b:s13+s2] =	stream.linear.scatter [tilespmem:s8], [sflag:$0x3], $0x1400, $0x38;
	[tilespmem:$0x2940] =	vst v63  }
0x40: {  	_ =	swait.ge [sflag:s3], $0x1400  }
0x41: {  	[sflag:s3] =	ssyncset.done $0x0  }
0x42: {  	[sflag:s3] =	ssyncadd.s32 $0xFFFFEC00  }
0x43: {  	[tilespmem:s8], [sflag:$0x2] =	stream.indirect.gather [hbm4b:s5+s6], $0x40, s14, s6, $0xb8;
	[tilespmem:$0x2940] =	vst v63  }
0x44: {  	_ =	swait.ge [sflag:s9], $0x1400  }
0x45: {  	[sflag:s9] =	ssyncset.done $0x0  }
0x46: {  	[sflag:s9] =	ssyncadd.s32 $0xFFFFEC00  }
0x47: {  	[hbm4b:s15+s2] =	stream.linear.scatter [tilespmem:s7], [sflag:$0x3], $0x1400, $0x38;
	[tilespmem:$0x2940] =	vst v63  }
0x48: {  	_ =	swait.ge [sflag:s3], $0x1400  }
0x49: {  	[sflag:s3] =	ssyncset.done $0x0  }
0x4a: {  	[sflag:s3] =	ssyncadd.s32 $0xFFFFEC00  }
0x4b: {  	_ =	swait.ge [sflag:s12], $0x1400  }
.Ltmp1:
0x4c: {  	[sflag:s12] =	ssyncset.done $0x0;
	(pc) =	sbr.rel @p0 .LBB2_1-.Ltmp1, $4  }
0x4d: {  	[sflag:s12] =	ssyncadd.s32 $0xFFFFEC00  }
0x4e: {  	[hbm4b:s16+s2] =	stream.linear.scatter [tilespmem:s8], [sflag:$0x3], $0x1400, $0x38;
	[tilespmem:$0x2940] =	vst v63  }
0x4f: {  	_ =	swait.ge [sflag:s3], $0x1400  }
0x50: {  	[sflag:s3] =	ssyncset.done $0x0  }
.LBB2_2:
0x51: {  	[sflag:s3] =	ssyncadd.s32 $0xFFFFEC00  }
0x52: {  	_ =	sfence.sel $0x180000  }
0x53: {  	[bflag:$0x0] =	sbarrier.arrive $0xFFFF  }
0x54: {  	p0 =	sne.s32 s0, $0x0;
	_ =	strace $0x90000047  }
0x55: {  	s0 =	sadd.s32 @!p0 $0x100000, s1;
	[bflag:$0x2] =	sbarrier.arrive $0xFFFF  }
0x56: {  	[sflag:s0] =	ssyncadd.tile.s32 @!p0 $0x1;
	_ =	shalt  }
.Lfunc_end2:
_tile_overlayer_lowered:
.L_overlay_start_2:
0x57: {  	(tag) =	ssettag $0x2  }
0x58: {  	s0 =	rddreg [dreg:$0x0];
	s2 =	stileid.u32  }
0x59: {  	s1 =	rddreg [dreg:$0x1];
	p0 =	sne.s32 s2, $0x0  }
0x5a: {  	s3 =	rddreg [dreg:$0x2];
	[bflag:$0x3] =	sbarrier.arrive $0xFFFF;
	s2 =	simm.s32 @!p0 $0x1C03  }
0x5b: {  	[timem:s3], [sflag:s2] =	dma.local @!p0 [hbm:s0], s1  }
0x5c: {  	s0 =	simm.s32 @!p0 $0x3  }
0x5d: {  	_ =	swait.ge @!p0 [sflag:s0], s1  }
0x5e: {  	s1 =	ssub.s32 @!p0 $0x0, s1;
	[sflag:s0] =	ssyncset.done @!p0 $0x0  }
0x5f: {  	[sflag:s0] =	ssyncadd.s32 @!p0 s1  }
0x60: {  	[bflag:$0x3] =	sbarrier.arrive $0xFFFF  }
0x61: {  	_ =	shalt  }

// kernel: kernel.15.cloned.1.call-start
scs
__scs_entry_jumppad:
0x0: {  	(pc) =	sbr.rel $0x88, $3  }
0x1: {  	(tag) =	ssettag $0x0;
	lr =	simm.s32 $0x1  }
0x2: {  	[smem:$0x3F9D] =	sst lr;
	_ =	strace $0xD0000000  }
0x3: {  	_ = 	snop  }
0x4: {  	_ = 	snop  }
0x5: {  	_ = 	snop  }
0x6: {  	_ = 	snop  }
0x7: {  	_ = 	snop  }
__scs_overlays_trampoline_lowered:
0x8: {  	[smem:$0x3FAC] =	sst s0  }
0x9: {  	[smem:$0x3FAD] =	sst s1  }
0xa: {  	[smem:$0x3FAE] =	sst s2  }
0xb: {  	[smem:$0x3FAF] =	sst s3  }
0xc: {  	[smem:$0x3FB0] =	sst s4  }
0xd: {  	[smem:$0x3FB1] =	sst s5  }
0xe: {  	[smem:$0x3FB2] =	sst s6  }
0xf: {  	[smem:$0x3FB3] =	sst s7  }
0x10: {  	[smem:$0x3FB4] =	sst s8  }
0x11: {  	[smem:$0x3FB5] =	sst s9;
	s0 =	simm.s32 @!p0 $0x0  }
0x12: {  	s1 =	sld [smem:$0x3F9B];
	s0 =	simm.s32 @p0 $0x1  }
0x13: {  	[smem:$0x3FB6] =	sst s0;
	s0 =	simm.s32 @!p1 $0x0  }
0x14: {  	s2 =	sld [smem:$0x3F9A];
	s0 =	simm.s32 @p1 $0x1  }
0x15: {  	[smem:$0x3FB7] =	sst s0;
	s0 =	simm.s32 @!p2 $0x0  }
0x16: {  	s3 =	sld [smem:$0x3FDB];
	s0 =	simm.s32 @p2 $0x1  }
0x17: {  	s4 =	simm.s32 $0x1BF5;
	[smem:$0x3FB9] =	sst s0  }
0x18: {  	s0 =	sld [smem:$0x3F9C];
	_ =	swait.ge [sflag:s4], $0x0  }
0x19: {  	s7 =	sld [smem:$0x3F9D]  }
0x1a: {  	s8 =	sadd.s32 $0xFFFFE003, lr  }
0x1b: {  	s9 =	sadd.s32 $0xFFFFFEF7, lr;
	s5 =	simm.s32 $0xFFFFFFFF;
	p2 =	slt.u32 s8, $0xFFFFF086  }
0x1c: {  	p1 =	slt.u32 s9, $0xF7A;
	s5 =	simm.s32 @!p2 $0x0  }
0x1d: {  	s5 =	simm.s32 @p1 $0x1;
	p0 =	seq.s32 s7, s2  }
0x1e: {  	s7 =	smul.u32 @!p0 $0xF7A, s2;
	p2 =	seq.s32 @!p0 s5, $0x0  }
0x1f: {  	s9 =	smul.u32 $0xF7A, s1;
	s8 =	simm.s32 @!p0 $0x1BF5;
	p2 =	por !p2, p0  }
0x20: {  	[sflag:s8] =	ssyncset.s32 @!p0 $0xFFFFF086;
	s6 =	sadd.s32 @!p0 s3, s7;
	s7 =	simm.s32 @!p0 $0x108  }
0x21: {  	s3 =	sadd.s32 s3, s9;
	s6 =	sadd.s32 @!p0 $0x88, s6;
	s7 =	simm.s32 @p2 $0x1082  }
0x22: {  	[simem:s7], [sflag:s8] =	dma.local @!p0 [hbm:s6], $0xF7A  }
0x23: {  	s9 =	sor.u32 $0xD0000000, s2;
	s6 =	simm.s32 $0x108;
	_ =	swait.ge @!p0 [sflag:s8], $0x0  }
0x24: {  	s3 =	sadd.s32 $0x88, s3;
	s6 =	simm.s32 @!p1 $0x1082;
	[sflag:s4] =	ssyncset.s32 $0xFFFFF086  }
0x25: {  	[simem:s6], [sflag:s4] =	dma.local [hbm:s3], $0xF7A  }
0x26: {  	[smem:$0x3F9D] =	sst s1;
	(tag) =	ssettag s2;
	_ =	strace s9  }
0x27: {  	s1 =	sld [smem:$0x3FAD]  }
0x28: {  	s2 =	sld [smem:$0x3FAE]  }
0x29: {  	s4 =	sld [smem:$0x3FB0]  }
0x2a: {  	p0 =	seq.s32 s5, $0x0;
	s5 =	sld [smem:$0x3FB1]  }
0x2b: {  	s6 =	sld [smem:$0x3FB2]  }
0x2c: {  	s7 =	sld [smem:$0x3FB3]  }
0x2d: {  	s3 =	simm.s32 $0x108;
	s8 =	sld [smem:$0x3FB4]  }
0x2e: {  	s3 =	simm.s32 @!p0 $0x1082;
	s9 =	sld [smem:$0x3FB5]  }
0x2f: {  	lr =	sadd.s32 s0, s3;
	s0 =	sld [smem:$0x3FAC]  }
0x30: {  	s3 =	sld [smem:$0x3FAF]  }
0x31: {  	[smem:$0x3FB8] =	sst s10  }
0x32: {  	s10 =	sld [smem:$0x3FB6];
	_ =	sdelay $0x3  }
0x33: {  	p0 =	seq.s32 s10, $0x1;
	s10 =	sld [smem:$0x3FB8];
	_ =	sdelay $0x3  }
0x34: {  	[smem:$0x3FB8] =	sst s10  }
0x35: {  	s10 =	sld [smem:$0x3FB7];
	_ =	sdelay $0x3  }
0x36: {  	p1 =	seq.s32 s10, $0x1;
	s10 =	sld [smem:$0x3FB8];
	_ =	sdelay $0x3  }
0x37: {  	[smem:$0x3FB8] =	sst s10  }
0x38: {  	s10 =	sld [smem:$0x3FB9]  }
0x39: {  	_ = 	snop;
	(pc) =	sbr.ind lr, $3  }
0x3a: {  	_ = 	snop  }
0x3b: {  	_ = 	snop  }
0x3c: {  	p2 =	seq.s32 s10, $0x1;
	s10 =	sld [smem:$0x3FB8]  }
0x3d: {  	_ =	shalt  }
0x3e: {  	_ =	shalt  }
0x3f: {  	_ =	shalt  }
0x40: {  	_ =	shalt  }
0x41: {  	_ =	shalt  }
0x42: {  	_ =	shalt  }
0x43: {  	_ =	shalt  }
0x44: {  	_ =	shalt  }
0x45: {  	_ =	shalt  }
0x46: {  	_ =	shalt  }
0x47: {  	_ =	shalt  }
0x48: {  	_ =	shalt  }
0x49: {  	_ =	shalt  }
0x4a: {  	_ =	shalt  }
0x4b: {  	_ =	shalt  }
0x4c: {  	_ =	shalt  }
0x4d: {  	_ =	shalt  }
0x4e: {  	_ =	shalt  }
0x4f: {  	_ =	shalt  }
0x50: {  	_ =	shalt  }
0x51: {  	_ =	shalt  }
0x52: {  	_ =	shalt  }
0x53: {  	_ =	shalt  }
0x54: {  	_ =	shalt  }
0x55: {  	_ =	shalt  }
0x56: {  	_ =	shalt  }
0x57: {  	_ =	shalt  }
0x58: {  	_ =	shalt  }
0x59: {  	_ =	shalt  }
0x5a: {  	_ =	shalt  }
0x5b: {  	_ =	shalt  }
0x5c: {  	_ =	shalt  }
0x5d: {  	_ =	shalt  }
0x5e: {  	_ =	shalt  }
0x5f: {  	_ =	shalt  }
0x60: {  	_ =	shalt  }
0x61: {  	_ =	shalt  }
0x62: {  	_ =	shalt  }
0x63: {  	_ =	shalt  }
0x64: {  	_ =	shalt  }
0x65: {  	_ =	shalt  }
0x66: {  	_ =	shalt  }
0x67: {  	_ =	shalt  }
0x68: {  	_ =	shalt  }
0x69: {  	_ =	shalt  }
0x6a: {  	_ =	shalt  }
0x6b: {  	_ =	shalt  }
0x6c: {  	_ =	shalt  }
0x6d: {  	_ =	shalt  }
0x6e: {  	_ =	shalt  }
0x6f: {  	_ =	shalt  }
0x70: {  	_ =	shalt  }
0x71: {  	_ =	shalt  }
0x72: {  	_ =	shalt  }
0x73: {  	_ =	shalt  }
0x74: {  	_ =	shalt  }
0x75: {  	_ =	shalt  }
0x76: {  	_ =	shalt  }
0x77: {  	_ =	shalt  }
0x78: {  	_ =	shalt  }
0x79: {  	_ =	shalt  }
0x7a: {  	_ =	shalt  }
0x7b: {  	_ =	shalt  }
0x7c: {  	_ =	shalt  }
0x7d: {  	_ =	shalt  }
0x7e: {  	_ =	shalt  }
0x7f: {  	_ =	shalt  }
0x80: {  	_ =	shalt  }
0x81: {  	_ =	shalt  }
0x82: {  	_ =	shalt  }
0x83: {  	_ =	shalt  }
0x84: {  	_ =	shalt  }
0x85: {  	_ =	shalt  }
0x86: {  	_ =	shalt  }
0x87: {  	_ =	shalt  }
.Lfunc_end0:
.L_simem_size_0:
called_computation.1_lowered:
.L_overlay_start_0:
0x88: {  	s2 =	sld [smem:$0x3FD9]  }
0x89: {  	s3 =	sld [smem:$0x3FFE];
	_ =	sdelay $0x1  }
0x8a: {  	s1 =	srdreg.scid  }
0x8b: {  	s0 =	sand.u32 $0x1, s1  }
0x8c: {  	s17 =	sshll.u32 s0, $0xA;
	s2 =	sadd.s32 s3, s2  }
0x8d: {  	s2 =	sadd.s32 s2, s17  }
0x8e: {  	[smem:$0x3FC4] =	sst s2  }
0x8f: {  	_ = 	snop  }
0x90: {  	(tm) =	ssettm $0x1  }
0x91: {  	s18 =	sld [smem:$0x3FFB];
	_ =	sdelay $0x3  }
0x92: {  	_ =	strace s18  }
0x93: {  	s2 =	sld [smem:$0x3FFC];
	_ =	sdelay $0x3  }
0x94: {  	_ =	strace s2  }
0x95: {  	s2 =	sld [smem:$0x3FFD];
	_ =	sdelay $0x3  }
0x96: {  	_ =	strace s2  }
0x97: {  	_ =	strace $0x8FFFFFFF  }
0x98: {  	s19 =	sld [smem:$0x3FDB];
	_ =	sdelay $0x1  }
0x99: {  	s20 =	simm.s32 $_scs_section_size  }
0x9a: {  	s4 =	simm.s32 $_size__tile_overlayer_lowered;
	s5 =	simm.s32 $_tile_overlayer_lowered  }
0x9b: {  	s6 =	simm.s32 $0x1BFF;
	s21 =	sshll.u32 s5, $0x1;
	s3 =	sadd.s32 s20, s19  }
0x9c: {  	s22 =	simm.s32 $0x0;
	s4 =	sshll.u32 s4, $0x1;
	s5 =	sadd.s32 s21, s3  }
0x9d: {  	[timem:s22], [sflag:s6] =	dma.local [hbm:s5], s4  }
0x9e: {  	_ =	swait.ge [sflag:s6], s4  }
0x9f: {  	s4 =	ssub.s32 $0x0, s4;
	[sflag:s6] =	ssyncset.done $0x0  }
0xa0: {  	[sflag:s6] =	ssyncadd.s32 s4;
	_ =	sdelay $0x1  }
0xa1: {  	s23 =	simm.s32 $0x1B8B  }
0xa2: {  	_ =	swait.ge [sflag:s23], $0x1  }
0xa3: {  	[sflag:s23] =	ssyncset.done $0x0  }
0xa4: {  	[sflag:s23] =	ssyncadd.s32 $0xFFFFFFFF  }
0xa5: {  	s4 =	sld [smem:$0x0]  }
0xa6: {  	s5 =	sand.u32 $0xFFFFFFFE, s1  }
0xa7: {  	p0 =	sne.s32 s1, s5  }
0xa8: {  	s5 =	sshll.u32 @p0 s5, $0xE  }
0xa9: {  	s5 =	sadd.s32 @p0 $0x11B8D, s5;
	s6 =	sshll.u32 @p0 s4, $0x11  }
0xaa: {  	s5 =	sor.u32 @p0 s6, s5  }
0xab: {  	[sflag:s5] =	ssyncadd.remote.s32 @p0 $0x1;
	_ =	sdelay $0x1  }
0xac: {  	s5 =	simm.s32 @p0 $0x1B8D  }
0xad: {  	_ =	swait.eq @p0 [sflag:s5], $0x1  }
0xae: {  	[sflag:s5] =	ssyncadd.s32 @p0 $0xFFFFFFFF  }
0xaf: {  	s6 =	sshll.u32 @!p0 s1, $0xE  }
0xb0: {  	s6 =	sor.u32 @!p0 $0x4000, s6;
	s5 =	simm.s32 @!p0 $0x1B8D  }
0xb1: {  	s4 =	sshll.u32 @!p0 s4, $0x11;
	s6 =	sadd.s32 @!p0 $0x11B8D, s6;
	_ =	swait.eq @!p0 [sflag:s5], $0x1  }
0xb2: {  	s4 =	sor.u32 @!p0 s4, s6;
	[sflag:s5] =	ssyncadd.s32 @!p0 $0xFFFFFFFF  }
0xb3: {  	s25 =	simm.s32 $0x1B8E;
	s24 =	sld [smem:$0x3FFE];
	[sflag:s4] =	ssyncadd.remote.s32 @!p0 $0x1  }
0xb4: {  	s26 =	simm.s32 $execute0_lowered;
	[smem:$0x3FD2] =	sst s25  }
0xb5: {  	s5 =	sshll.u32 s26, $0x1;
	_ =	strace $0x80000049;
	[dreg:$0x1] =	wrdreg $0xFFFFFFFF  }
0xb6: {  	s28 =	simm.s32 $_size_execute0_lowered;
	s3 =	sadd.s32 s3, s5;
	[dreg:$0x0] =	wrdreg $0x0  }
0xb7: {  	s5 =	sshll.u32 s28, $0x1;
	[dreg:$0x2] =	wrdreg s3  }
0xb8: {  	[dreg:$0x3] =	wrdreg s5  }
0xb9: {  	[dreg:$0x4] =	wrdreg $0xC0  }
0xba: {  	_ =	task [dreg:s22], $0x5FFFF  }
0xbb: {  	[dreg:$0x1] =	wrdreg $0xFFFFFFFF  }
0xbc: {  	[dreg:$0x0] =	wrdreg $0x60  }
0xbd: {  	[dreg:$0x2] =	wrdreg s24  }
0xbe: {  	[dreg:$0x3] =	wrdreg $0xA  }
0xbf: {  	_ =	task.clear_ibuf [dreg:s22], $0x4FFFF;
	_ =	strace $0x90000049  }
0xc0: {  	s29 =	simm.s32 $0xA;
	_ =	strace $0x8000004B  }
0xc1: {  	_ =	swait.ge [sflag:s29], $0x1  }
0xc2: {  	[sflag:s29] =	ssyncadd.s32 $0xFFFFFFFF  }
0xc3: {  	_ =	strace $0x9000004B  }
0xc4: {  	_ =	sfence  }
0xc5: {  	s30 =	sld [smem:$0x0];
	_ =	sdelay $0x2  }
0xc6: {  	s31 =	sshll.u32 s1, $0xD;
	s1 =	sshrl.u32 s1, $0x2  }
0xc7: {  	s4 =	sand.u32 $0x4000, s31;
	s1 =	sadd.s32 s1, s30  }
0xc8: {  	s0 =	sor.u32 s4, s0;
	s1 =	sshll.u32 s1, $0x11  }
0xc9: {  	s0 =	sor.u32 s1, s0  }
0xca: {  	s0 =	sadd.s32 $0x8F2B, s0  }
0xcb: {  	[sflag:s0] =	ssyncadd.remote.s32 $0x1  }
0xcc: {  	_ =	sfence.sel $0xFFFF  }
0xcd: {  	[dreg:$0x0] =	wrdreg $0xFFFFFFFF;
	(pc) =	sbr.abs _section_cstart, $3  }
0xce: {  	[dreg:$0x1] =	wrdreg $0xFFFFFFFF  }
0xcf: {  	_ =	task.clear_ibuf [dreg:s22], $0x2FFFF;
	_ =	strace $0x9FFFFFFF  }
0xd0: {  	(tm) =	ssettm $0x7FFFFFFF  }
0xd1: {  	_ =	shalt  }
tec
execute0_lowered:
.L_overlay_start_1:
0x0: {  	(tag) =	ssettag $0x1  }
0x1: {  	s1 =	srdreg.scid;
	s0 =	stileid.u32  }
0x2: {  	s16 =	sand.u32 $0x1, s1;
	s31 =	sshll.u32 s0, $0x1  }
0x3: {  	s8 =	sor.u32 s16, s31  }
0x4: {  	s10 =	rddreg [dreg:$0x0];
	s3 =	smul.u32 $0x28, s8  }
0x5: {  	s2 =	simm.s32 $0x0;
	s1 =	rddreg [dreg:$0x1]  }
0x6: {  	[smem:$0x7FF] =	sst s2;
	s3 =	sadd.s32 s3, s10  }
0x7: {  	_ =	strace $0x8000004A;
	s4 =	sadd.s32 $0x18800, s3;
	s3 =	simm.s32 $0x3  }
0x8: {  	[tilespmem:s2], [sflag:$0x3] =	stream.linear.gather [hbm4b:s4+s2], $0x140, $0x38;
	[tilespmem:$0x2940] =	vst v63  }
0x9: {  	_ =	swait.ge [sflag:s3], $0x140  }
0xa: {  	s6 =	simm.s32 $0x50;
	[sflag:s3] =	ssyncset.done $0x0  }
0xb: {  	s7 =	simm.s32 $0x140;
	s5 =	sadd.s32 $0x2200, s10;
	[sflag:s3] =	ssyncadd.s32 $0xFFFFFEC0  }
0xc: {  	[tilespmem:s7], [sflag:$0x1] =	stream.indirect.gather [hbm4b:s5+s6], $0x40, s2, s6, $0xb8;
	[tilespmem:$0x2940] =	vst v63  }
0xd: {  	s9 =	simm.s32 $0x1;
	s11 =	smul.u32 $0xA00, s8;
	s8 =	simm.s32 $0x1540  }
0xe: {  	[tilespmem:s8], [sflag:$0x2] =	stream.indirect.gather [hbm4b:s5+s6], $0x40, s6, s6, $0xb8;
	[tilespmem:$0x2940] =	vst v63  }
0xf: {  	_ =	swait.ge [sflag:s9], $0x1400  }
0x10: {  	s17 =	sadd.s32 s11, s10;
	[sflag:s9] =	ssyncset.done $0x0  }
0x11: {  	s10 =	sadd.s32 $0x1A000, s17;
	[sflag:s9] =	ssyncadd.s32 $0xFFFFEC00  }
0x12: {  	[hbm4b:s10+s2] =	stream.linear.scatter [tilespmem:s7], [sflag:$0x3], $0x1400, $0x38;
	[tilespmem:$0x2940] =	vst v63  }
0x13: {  	_ =	swait.ge [sflag:s3], $0x1400  }
0x14: {  	[sflag:s3] =	ssyncset.done $0x0  }
0x15: {  	s12 =	simm.s32 $0x2;
	s11 =	simm.s32 $0xA0;
	[sflag:s3] =	ssyncadd.s32 $0xFFFFEC00  }
0x16: {  	[tilespmem:s7], [sflag:$0x1] =	stream.indirect.gather [hbm4b:s5+s6], $0x40, s11, s6, $0xb8;
	[tilespmem:$0x2940] =	vst v63  }
0x17: {  	_ =	swait.ge [sflag:s12], $0x1400  }
0x18: {  	[sflag:s12] =	ssyncset.done $0x0  }
0x19: {  	s13 =	sadd.s32 $0x1A280, s17;
	[sflag:s12] =	ssyncadd.s32 $0xFFFFEC00  }
0x1a: {  	[hbm4b:s13+s2] =	stream.linear.scatter [tilespmem:s8], [sflag:$0x3], $0x1400, $0x38;
	[tilespmem:$0x2940] =	vst v63  }
0x1b: {  	_ =	swait.ge [sflag:s3], $0x1400  }
0x1c: {  	[sflag:s3] =	ssyncset.done $0x0  }
0x1d: {  	s14 =	simm.s32 $0xF0;
	[sflag:s3] =	ssyncadd.s32 $0xFFFFEC00  }
0x1e: {  	[tilespmem:s8], [sflag:$0x2] =	stream.indirect.gather [hbm4b:s5+s6], $0x40, s14, s6, $0xb8;
	[tilespmem:$0x2940] =	vst v63  }
0x1f: {  	_ =	swait.ge [sflag:s9], $0x1400  }
0x20: {  	[sflag:s9] =	ssyncset.done $0x0  }
0x21: {  	s16 =	ssub.s32 $0x2, s16;
	s15 =	sadd.s32 $0x1A500, s17;
	[sflag:s9] =	ssyncadd.s32 $0xFFFFEC00  }
0x22: {  	[hbm4b:s15+s2] =	stream.linear.scatter [tilespmem:s7], [sflag:$0x3], $0x1400, $0x38;
	[tilespmem:$0x2940] =	vst v63  }
0x23: {  	s18 =	sshrl.u32 s16, $0x1;
	_ =	swait.ge [sflag:s3], $0x1400  }
0x24: {  	s16 =	ssub.s32 s16, s18;
	[sflag:s3] =	ssyncset.done $0x0  }
0x25: {  	s18 =	smax.u32 s16, $0x1;
	[sflag:s3] =	ssyncadd.s32 $0xFFFFEC00  }
0x26: {  	p0 =	sne.s32 s18, $0x1;
	_ =	swait.ge [sflag:s12], $0x1400  }
.Ltmp0:
0x27: {  	[sflag:s12] =	ssyncset.done $0x0;
	(pc) =	sbr.rel @!p0 .LBB2_2-.Ltmp0, $4  }
0x28: {  	s16 =	sadd.s32 $0x1A780, s17;
	[sflag:s12] =	ssyncadd.s32 $0xFFFFEC00  }
0x29: {  	[hbm4b:s16+s2] =	stream.linear.scatter [tilespmem:s8], [sflag:$0x3], $0x1400, $0x38;
	[tilespmem:$0x2940] =	vst v63  }
0x2a: {  	_ =	swait.ge [sflag:s3], $0x1400  }
0x2b: {  	s17 =	sadd.s32 $0xFFFFFFFF, s18;
	[sflag:s3] =	ssyncset.done $0x0  }
.LBB2_1:
0x2c: {  	p0 =	sne.s32 s17, $0x1;
	s17 =	sadd.s32 $0xFFFFFFFF, s17;
	[sflag:s3] =	ssyncadd.s32 $0xFFFFEC00  }
0x2d: {  	[tilespmem:s2], [sflag:$0x3] =	stream.linear.gather [hbm4b:s4+s2], $0x140, $0x38;
	[tilespmem:$0x2940] =	vst v63  }
0x2e: {  	_ =	swait.ge [sflag:s3], $0x140  }
0x2f: {  	[sflag:s3] =	ssyncset.done $0x0  }
0x30: {  	[sflag:s3] =	ssyncadd.s32 $0xFFFFFEC0  }
0x31: {  	[tilespmem:s7], [sflag:$0x1] =	stream.indirect.gather [hbm4b:s5+s6], $0x40, s2, s6, $0xb8;
	[tilespmem:$0x2940] =	vst v63  }
0x32: {  	_ = 	snop  }
0x33: {  	[tilespmem:s8], [sflag:$0x2] =	stream.indirect.gather [hbm4b:s5+s6], $0x40, s6, s6, $0xb8;
	[tilespmem:$0x2940] =	vst v63  }
0x34: {  	_ =	swait.ge [sflag:s9], $0x1400  }
0x35: {  	[sflag:s9] =	ssyncset.done $0x0  }
0x36: {  	[sflag:s9] =	ssyncadd.s32 $0xFFFFEC00  }
0x37: {  	[hbm4b:s10+s2] =	stream.linear.scatter [tilespmem:s7], [sflag:$0x3], $0x1400, $0x38;
	[tilespmem:$0x2940] =	vst v63  }
0x38: {  	_ =	swait.ge [sflag:s3], $0x1400  }
0x39: {  	[sflag:s3] =	ssyncset.done $0x0  }
0x3a: {  	[sflag:s3] =	ssyncadd.s32 $0xFFFFEC00  }
0x3b: {  	[tilespmem:s7], [sflag:$0x1] =	stream.indirect.gather [hbm4b:s5+s6], $0x40, s11, s6, $0xb8;
	[tilespmem:$0x2940] =	vst v63  }
0x3c: {  	_ =	swait.ge [sflag:s12], $0x1400  }
0x3d: {  	[sflag:s12] =	ssyncset.done $0x0  }
0x3e: {  	[sflag:s12] =	ssyncadd.s32 $0xFFFFEC00  }
0x3f: {  	[hbm4b:s13+s2] =	stream.linear.scatter [tilespmem:s8], [sflag:$0x3], $0x1400, $0x38;
	[tilespmem:$0x2940] =	vst v63  }
0x40: {  	_ =	swait.ge [sflag:s3], $0x1400  }
0x41: {  	[sflag:s3] =	ssyncset.done $0x0  }
0x42: {  	[sflag:s3] =	ssyncadd.s32 $0xFFFFEC00  }
0x43: {  	[tilespmem:s8], [sflag:$0x2] =	stream.indirect.gather [hbm4b:s5+s6], $0x40, s14, s6, $0xb8;
	[tilespmem:$0x2940] =	vst v63  }
0x44: {  	_ =	swait.ge [sflag:s9], $0x1400  }
0x45: {  	[sflag:s9] =	ssyncset.done $0x0  }
0x46: {  	[sflag:s9] =	ssyncadd.s32 $0xFFFFEC00  }
0x47: {  	[hbm4b:s15+s2] =	stream.linear.scatter [tilespmem:s7], [sflag:$0x3], $0x1400, $0x38;
	[tilespmem:$0x2940] =	vst v63  }
0x48: {  	_ =	swait.ge [sflag:s3], $0x1400  }
0x49: {  	[sflag:s3] =	ssyncset.done $0x0  }
0x4a: {  	[sflag:s3] =	ssyncadd.s32 $0xFFFFEC00  }
0x4b: {  	_ =	swait.ge [sflag:s12], $0x1400  }
.Ltmp1:
0x4c: {  	[sflag:s12] =	ssyncset.done $0x0;
	(pc) =	sbr.rel @p0 .LBB2_1-.Ltmp1, $4  }
0x4d: {  	[sflag:s12] =	ssyncadd.s32 $0xFFFFEC00  }
0x4e: {  	[hbm4b:s16+s2] =	stream.linear.scatter [tilespmem:s8], [sflag:$0x3], $0x1400, $0x38;
	[tilespmem:$0x2940] =	vst v63  }
0x4f: {  	_ =	swait.ge [sflag:s3], $0x1400  }
0x50: {  	[sflag:s3] =	ssyncset.done $0x0  }
.LBB2_2:
0x51: {  	[sflag:s3] =	ssyncadd.s32 $0xFFFFEC00  }
0x52: {  	_ =	sfence.sel $0x180000  }
0x53: {  	[bflag:$0x0] =	sbarrier.arrive $0xFFFF  }
0x54: {  	p0 =	sne.s32 s0, $0x0;
	_ =	strace $0x9000004A  }
0x55: {  	s0 =	sadd.s32 @!p0 $0x100000, s1;
	[bflag:$0x2] =	sbarrier.arrive $0xFFFF  }
0x56: {  	[sflag:s0] =	ssyncadd.tile.s32 @!p0 $0x1;
	_ =	shalt  }
.Lfunc_end2:
_tile_overlayer_lowered:
.L_overlay_start_2:
0x57: {  	(tag) =	ssettag $0x2  }
0x58: {  	s0 =	rddreg [dreg:$0x0];
	s2 =	stileid.u32  }
0x59: {  	s1 =	rddreg [dreg:$0x1];
	p0 =	sne.s32 s2, $0x0  }
0x5a: {  	s3 =	rddreg [dreg:$0x2];
	[bflag:$0x3] =	sbarrier.arrive $0xFFFF;
	s2 =	simm.s32 @!p0 $0x1C03  }
0x5b: {  	[timem:s3], [sflag:s2] =	dma.local @!p0 [hbm:s0], s1  }
0x5c: {  	s0 =	simm.s32 @!p0 $0x3  }
0x5d: {  	_ =	swait.ge @!p0 [sflag:s0], s1  }
0x5e: {  	s1 =	ssub.s32 @!p0 $0x0, s1;
	[sflag:s0] =	ssyncset.done @!p0 $0x0  }
0x5f: {  	[sflag:s0] =	ssyncadd.s32 @!p0 s1  }
0x60: {  	[bflag:$0x3] =	sbarrier.arrive $0xFFFF  }
0x61: {  	_ =	shalt  }

// kernel: kernel.18.cloned.1.call-start
scs
__scs_entry_jumppad:
0x0: {  	(pc) =	sbr.rel $0x88, $3  }
0x1: {  	(tag) =	ssettag $0x0;
	lr =	simm.s32 $0x1  }
0x2: {  	[smem:$0x3F9D] =	sst lr;
	_ =	strace $0xD0000000  }
0x3: {  	_ = 	snop  }
0x4: {  	_ = 	snop  }
0x5: {  	_ = 	snop  }
0x6: {  	_ = 	snop  }
0x7: {  	_ = 	snop  }
__scs_overlays_trampoline_lowered:
0x8: {  	[smem:$0x3FAC] =	sst s0  }
0x9: {  	[smem:$0x3FAD] =	sst s1  }
0xa: {  	[smem:$0x3FAE] =	sst s2  }
0xb: {  	[smem:$0x3FAF] =	sst s3  }
0xc: {  	[smem:$0x3FB0] =	sst s4  }
0xd: {  	[smem:$0x3FB1] =	sst s5  }
0xe: {  	[smem:$0x3FB2] =	sst s6  }
0xf: {  	[smem:$0x3FB3] =	sst s7  }
0x10: {  	[smem:$0x3FB4] =	sst s8  }
0x11: {  	[smem:$0x3FB5] =	sst s9;
	s0 =	simm.s32 @!p0 $0x0  }
0x12: {  	s1 =	sld [smem:$0x3F9B];
	s0 =	simm.s32 @p0 $0x1  }
0x13: {  	[smem:$0x3FB6] =	sst s0;
	s0 =	simm.s32 @!p1 $0x0  }
0x14: {  	s2 =	sld [smem:$0x3F9A];
	s0 =	simm.s32 @p1 $0x1  }
0x15: {  	[smem:$0x3FB7] =	sst s0;
	s0 =	simm.s32 @!p2 $0x0  }
0x16: {  	s3 =	sld [smem:$0x3FDB];
	s0 =	simm.s32 @p2 $0x1  }
0x17: {  	s4 =	simm.s32 $0x1BF5;
	[smem:$0x3FB9] =	sst s0  }
0x18: {  	s0 =	sld [smem:$0x3F9C];
	_ =	swait.ge [sflag:s4], $0x0  }
0x19: {  	s7 =	sld [smem:$0x3F9D]  }
0x1a: {  	s8 =	sadd.s32 $0xFFFFE003, lr  }
0x1b: {  	s9 =	sadd.s32 $0xFFFFFEF7, lr;
	s5 =	simm.s32 $0xFFFFFFFF;
	p2 =	slt.u32 s8, $0xFFFFF086  }
0x1c: {  	p1 =	slt.u32 s9, $0xF7A;
	s5 =	simm.s32 @!p2 $0x0  }
0x1d: {  	s5 =	simm.s32 @p1 $0x1;
	p0 =	seq.s32 s7, s2  }
0x1e: {  	s7 =	smul.u32 @!p0 $0xF7A, s2;
	p2 =	seq.s32 @!p0 s5, $0x0  }
0x1f: {  	s9 =	smul.u32 $0xF7A, s1;
	s8 =	simm.s32 @!p0 $0x1BF5;
	p2 =	por !p2, p0  }
0x20: {  	[sflag:s8] =	ssyncset.s32 @!p0 $0xFFFFF086;
	s6 =	sadd.s32 @!p0 s3, s7;
	s7 =	simm.s32 @!p0 $0x108  }
0x21: {  	s3 =	sadd.s32 s3, s9;
	s6 =	sadd.s32 @!p0 $0x88, s6;
	s7 =	simm.s32 @p2 $0x1082  }
0x22: {  	[simem:s7], [sflag:s8] =	dma.local @!p0 [hbm:s6], $0xF7A  }
0x23: {  	s9 =	sor.u32 $0xD0000000, s2;
	s6 =	simm.s32 $0x108;
	_ =	swait.ge @!p0 [sflag:s8], $0x0  }
0x24: {  	s3 =	sadd.s32 $0x88, s3;
	s6 =	simm.s32 @!p1 $0x1082;
	[sflag:s4] =	ssyncset.s32 $0xFFFFF086  }
0x25: {  	[simem:s6], [sflag:s4] =	dma.local [hbm:s3], $0xF7A  }
0x26: {  	[smem:$0x3F9D] =	sst s1;
	(tag) =	ssettag s2;
	_ =	strace s9  }
0x27: {  	s1 =	sld [smem:$0x3FAD]  }
0x28: {  	s2 =	sld [smem:$0x3FAE]  }
0x29: {  	s4 =	sld [smem:$0x3FB0]  }
0x2a: {  	p0 =	seq.s32 s5, $0x0;
	s5 =	sld [smem:$0x3FB1]  }
0x2b: {  	s6 =	sld [smem:$0x3FB2]  }
0x2c: {  	s7 =	sld [smem:$0x3FB3]  }
0x2d: {  	s3 =	simm.s32 $0x108;
	s8 =	sld [smem:$0x3FB4]  }
0x2e: {  	s3 =	simm.s32 @!p0 $0x1082;
	s9 =	sld [smem:$0x3FB5]  }
0x2f: {  	lr =	sadd.s32 s0, s3;
	s0 =	sld [smem:$0x3FAC]  }
0x30: {  	s3 =	sld [smem:$0x3FAF]  }
0x31: {  	[smem:$0x3FB8] =	sst s10  }
0x32: {  	s10 =	sld [smem:$0x3FB6];
	_ =	sdelay $0x3  }
0x33: {  	p0 =	seq.s32 s10, $0x1;
	s10 =	sld [smem:$0x3FB8];
	_ =	sdelay $0x3  }
0x34: {  	[smem:$0x3FB8] =	sst s10  }
0x35: {  	s10 =	sld [smem:$0x3FB7];
	_ =	sdelay $0x3  }
0x36: {  	p1 =	seq.s32 s10, $0x1;
	s10 =	sld [smem:$0x3FB8];
	_ =	sdelay $0x3  }
0x37: {  	[smem:$0x3FB8] =	sst s10  }
0x38: {  	s10 =	sld [smem:$0x3FB9]  }
0x39: {  	_ = 	snop;
	(pc) =	sbr.ind lr, $3  }
0x3a: {  	_ = 	snop  }
0x3b: {  	_ = 	snop  }
0x3c: {  	p2 =	seq.s32 s10, $0x1;
	s10 =	sld [smem:$0x3FB8]  }
0x3d: {  	_ =	shalt  }
0x3e: {  	_ =	shalt  }
0x3f: {  	_ =	shalt  }
0x40: {  	_ =	shalt  }
0x41: {  	_ =	shalt  }
0x42: {  	_ =	shalt  }
0x43: {  	_ =	shalt  }
0x44: {  	_ =	shalt  }
0x45: {  	_ =	shalt  }
0x46: {  	_ =	shalt  }
0x47: {  	_ =	shalt  }
0x48: {  	_ =	shalt  }
0x49: {  	_ =	shalt  }
0x4a: {  	_ =	shalt  }
0x4b: {  	_ =	shalt  }
0x4c: {  	_ =	shalt  }
0x4d: {  	_ =	shalt  }
0x4e: {  	_ =	shalt  }
0x4f: {  	_ =	shalt  }
0x50: {  	_ =	shalt  }
0x51: {  	_ =	shalt  }
0x52: {  	_ =	shalt  }
0x53: {  	_ =	shalt  }
0x54: {  	_ =	shalt  }
0x55: {  	_ =	shalt  }
0x56: {  	_ =	shalt  }
0x57: {  	_ =	shalt  }
0x58: {  	_ =	shalt  }
0x59: {  	_ =	shalt  }
0x5a: {  	_ =	shalt  }
0x5b: {  	_ =	shalt  }
0x5c: {  	_ =	shalt  }
0x5d: {  	_ =	shalt  }
0x5e: {  	_ =	shalt  }
0x5f: {  	_ =	shalt  }
0x60: {  	_ =	shalt  }
0x61: {  	_ =	shalt  }
0x62: {  	_ =	shalt  }
0x63: {  	_ =	shalt  }
0x64: {  	_ =	shalt  }
0x65: {  	_ =	shalt  }
0x66: {  	_ =	shalt  }
0x67: {  	_ =	shalt  }
0x68: {  	_ =	shalt  }
0x69: {  	_ =	shalt  }
0x6a: {  	_ =	shalt  }
0x6b: {  	_ =	shalt  }
0x6c: {  	_ =	shalt  }
0x6d: {  	_ =	shalt  }
0x6e: {  	_ =	shalt  }
0x6f: {  	_ =	shalt  }
0x70: {  	_ =	shalt  }
0x71: {  	_ =	shalt  }
0x72: {  	_ =	shalt  }
0x73: {  	_ =	shalt  }
0x74: {  	_ =	shalt  }
0x75: {  	_ =	shalt  }
0x76: {  	_ =	shalt  }
0x77: {  	_ =	shalt  }
0x78: {  	_ =	shalt  }
0x79: {  	_ =	shalt  }
0x7a: {  	_ =	shalt  }
0x7b: {  	_ =	shalt  }
0x7c: {  	_ =	shalt  }
0x7d: {  	_ =	shalt  }
0x7e: {  	_ =	shalt  }
0x7f: {  	_ =	shalt  }
0x80: {  	_ =	shalt  }
0x81: {  	_ =	shalt  }
0x82: {  	_ =	shalt  }
0x83: {  	_ =	shalt  }
0x84: {  	_ =	shalt  }
0x85: {  	_ =	shalt  }
0x86: {  	_ =	shalt  }
0x87: {  	_ =	shalt  }
.Lfunc_end0:
.L_simem_size_0:
called_computation.2_lowered:
.L_overlay_start_0:
0x88: {  	s2 =	sld [smem:$0x3FD9]  }
0x89: {  	s3 =	sld [smem:$0x3FFE];
	_ =	sdelay $0x1  }
0x8a: {  	s1 =	srdreg.scid  }
0x8b: {  	s0 =	sand.u32 $0x1, s1  }
0x8c: {  	s17 =	sshll.u32 s0, $0xA;
	s2 =	sadd.s32 s3, s2  }
0x8d: {  	s2 =	sadd.s32 s2, s17  }
0x8e: {  	[smem:$0x3FC4] =	sst s2  }
0x8f: {  	_ = 	snop  }
0x90: {  	(tm) =	ssettm $0x1  }
0x91: {  	s18 =	sld [smem:$0x3FFB];
	_ =	sdelay $0x3  }
0x92: {  	_ =	strace s18  }
0x93: {  	s2 =	sld [smem:$0x3FFC];
	_ =	sdelay $0x3  }
0x94: {  	_ =	strace s2  }
0x95: {  	s2 =	sld [smem:$0x3FFD];
	_ =	sdelay $0x3  }
0x96: {  	_ =	strace s2  }
0x97: {  	_ =	strace $0x8FFFFFFF  }
0x98: {  	s19 =	sld [smem:$0x3FDB];
	_ =	sdelay $0x1  }
0x99: {  	s20 =	simm.s32 $_scs_section_size  }
0x9a: {  	s4 =	simm.s32 $_size__tile_overlayer_lowered;
	s5 =	simm.s32 $_tile_overlayer_lowered  }
0x9b: {  	s6 =	simm.s32 $0x1BFF;
	s21 =	sshll.u32 s5, $0x1;
	s3 =	sadd.s32 s20, s19  }
0x9c: {  	s22 =	simm.s32 $0x0;
	s4 =	sshll.u32 s4, $0x1;
	s5 =	sadd.s32 s21, s3  }
0x9d: {  	[timem:s22], [sflag:s6] =	dma.local [hbm:s5], s4  }
0x9e: {  	_ =	swait.ge [sflag:s6], s4  }
0x9f: {  	s4 =	ssub.s32 $0x0, s4;
	[sflag:s6] =	ssyncset.done $0x0  }
0xa0: {  	[sflag:s6] =	ssyncadd.s32 s4;
	_ =	sdelay $0x1  }
0xa1: {  	s23 =	simm.s32 $0x1B8B  }
0xa2: {  	_ =	swait.ge [sflag:s23], $0x1  }
0xa3: {  	[sflag:s23] =	ssyncset.done $0x0  }
0xa4: {  	[sflag:s23] =	ssyncadd.s32 $0xFFFFFFFF  }
0xa5: {  	s4 =	sld [smem:$0x0]  }
0xa6: {  	s5 =	sand.u32 $0xFFFFFFFE, s1  }
0xa7: {  	p0 =	sne.s32 s1, s5  }
0xa8: {  	s5 =	sshll.u32 @p0 s5, $0xE  }
0xa9: {  	s5 =	sadd.s32 @p0 $0x11B8D, s5;
	s6 =	sshll.u32 @p0 s4, $0x11  }
0xaa: {  	s5 =	sor.u32 @p0 s6, s5  }
0xab: {  	[sflag:s5] =	ssyncadd.remote.s32 @p0 $0x1;
	_ =	sdelay $0x1  }
0xac: {  	s5 =	simm.s32 @p0 $0x1B8D  }
0xad: {  	_ =	swait.eq @p0 [sflag:s5], $0x1  }
0xae: {  	[sflag:s5] =	ssyncadd.s32 @p0 $0xFFFFFFFF  }
0xaf: {  	s6 =	sshll.u32 @!p0 s1, $0xE  }
0xb0: {  	s6 =	sor.u32 @!p0 $0x4000, s6;
	s5 =	simm.s32 @!p0 $0x1B8D  }
0xb1: {  	s4 =	sshll.u32 @!p0 s4, $0x11;
	s6 =	sadd.s32 @!p0 $0x11B8D, s6;
	_ =	swait.eq @!p0 [sflag:s5], $0x1  }
0xb2: {  	s4 =	sor.u32 @!p0 s4, s6;
	[sflag:s5] =	ssyncadd.s32 @!p0 $0xFFFFFFFF  }
0xb3: {  	s25 =	simm.s32 $0x1B8E;
	s24 =	sld [smem:$0x3FFE];
	[sflag:s4] =	ssyncadd.remote.s32 @!p0 $0x1  }
0xb4: {  	s26 =	simm.s32 $execute0_lowered;
	[smem:$0x3FD2] =	sst s25  }
0xb5: {  	s5 =	sshll.u32 s26, $0x1;
	_ =	strace $0x8000004C;
	[dreg:$0x1] =	wrdreg $0xFFFFFFFF  }
0xb6: {  	s28 =	simm.s32 $_size_execute0_lowered;
	s3 =	sadd.s32 s3, s5;
	[dreg:$0x0] =	wrdreg $0x0  }
0xb7: {  	s5 =	sshll.u32 s28, $0x1;
	[dreg:$0x2] =	wrdreg s3  }
0xb8: {  	[dreg:$0x3] =	wrdreg s5  }
0xb9: {  	[dreg:$0x4] =	wrdreg $0xC0  }
0xba: {  	_ =	task [dreg:s22], $0x5FFFF  }
0xbb: {  	[dreg:$0x1] =	wrdreg $0xFFFFFFFF  }
0xbc: {  	[dreg:$0x0] =	wrdreg $0x60  }
0xbd: {  	[dreg:$0x2] =	wrdreg s24  }
0xbe: {  	[dreg:$0x3] =	wrdreg $0xB  }
0xbf: {  	_ =	task.clear_ibuf [dreg:s22], $0x4FFFF;
	_ =	strace $0x9000004C  }
0xc0: {  	s29 =	simm.s32 $0xB;
	_ =	strace $0x8000004E  }
0xc1: {  	_ =	swait.ge [sflag:s29], $0x1  }
0xc2: {  	[sflag:s29] =	ssyncadd.s32 $0xFFFFFFFF  }
0xc3: {  	_ =	strace $0x9000004E  }
0xc4: {  	_ =	sfence  }
0xc5: {  	s30 =	sld [smem:$0x0];
	_ =	sdelay $0x2  }
0xc6: {  	s31 =	sshll.u32 s1, $0xD;
	s1 =	sshrl.u32 s1, $0x2  }
0xc7: {  	s4 =	sand.u32 $0x4000, s31;
	s1 =	sadd.s32 s1, s30  }
0xc8: {  	s0 =	sor.u32 s4, s0;
	s1 =	sshll.u32 s1, $0x11  }
0xc9: {  	s0 =	sor.u32 s1, s0  }
0xca: {  	s0 =	sadd.s32 $0x8F2B, s0  }
0xcb: {  	[sflag:s0] =	ssyncadd.remote.s32 $0x1  }
0xcc: {  	_ =	sfence.sel $0xFFFF  }
0xcd: {  	[dreg:$0x0] =	wrdreg $0xFFFFFFFF;
	(pc) =	sbr.abs _section_cstart, $3  }
0xce: {  	[dreg:$0x1] =	wrdreg $0xFFFFFFFF  }
0xcf: {  	_ =	task.clear_ibuf [dreg:s22], $0x2FFFF;
	_ =	strace $0x9FFFFFFF  }
0xd0: {  	(tm) =	ssettm $0x7FFFFFFF  }
0xd1: {  	_ =	shalt  }
tec
execute0_lowered:
.L_overlay_start_1:
0x0: {  	(tag) =	ssettag $0x1  }
0x1: {  	s1 =	srdreg.scid;
	s0 =	stileid.u32  }
0x2: {  	s16 =	sand.u32 $0x1, s1;
	s31 =	sshll.u32 s0, $0x1  }
0x3: {  	s8 =	sor.u32 s16, s31  }
0x4: {  	s10 =	rddreg [dreg:$0x0];
	s3 =	smul.u32 $0x28, s8  }
0x5: {  	s2 =	simm.s32 $0x0;
	s1 =	rddreg [dreg:$0x1]  }
0x6: {  	[smem:$0x7FF] =	sst s2;
	s3 =	sadd.s32 s3, s10  }
0x7: {  	_ =	strace $0x8000004D;
	s4 =	sadd.s32 $0x18E00, s3;
	s3 =	simm.s32 $0x3  }
0x8: {  	[tilespmem:s2], [sflag:$0x3] =	stream.linear.gather [hbm4b:s4+s2], $0x140, $0x38;
	[tilespmem:$0x2940] =	vst v63  }
0x9: {  	_ =	swait.ge [sflag:s3], $0x140  }
0xa: {  	s6 =	simm.s32 $0x50;
	[sflag:s3] =	ssyncset.done $0x0  }
0xb: {  	s7 =	simm.s32 $0x140;
	s5 =	sadd.s32 $0x2200, s10;
	[sflag:s3] =	ssyncadd.s32 $0xFFFFFEC0  }
0xc: {  	[tilespmem:s7], [sflag:$0x1] =	stream.indirect.gather [hbm4b:s5+s6], $0x40, s2, s6, $0xb8;
	[tilespmem:$0x2940] =	vst v63  }
0xd: {  	s9 =	simm.s32 $0x1;
	s11 =	smul.u32 $0xA00, s8;
	s8 =	simm.s32 $0x1540  }
0xe: {  	[tilespmem:s8], [sflag:$0x2] =	stream.indirect.gather [hbm4b:s5+s6], $0x40, s6, s6, $0xb8;
	[tilespmem:$0x2940] =	vst v63  }
0xf: {  	_ =	swait.ge [sflag:s9], $0x1400  }
0x10: {  	s17 =	sadd.s32 s11, s10;
	[sflag:s9] =	ssyncset.done $0x0  }
0x11: {  	s10 =	sadd.s32 $0x2E000, s17;
	[sflag:s9] =	ssyncadd.s32 $0xFFFFEC00  }
0x12: {  	[hbm4b:s10+s2] =	stream.linear.scatter [tilespmem:s7], [sflag:$0x3], $0x1400, $0x38;
	[tilespmem:$0x2940] =	vst v63  }
0x13: {  	_ =	swait.ge [sflag:s3], $0x1400  }
0x14: {  	[sflag:s3] =	ssyncset.done $0x0  }
0x15: {  	s12 =	simm.s32 $0x2;
	s11 =	simm.s32 $0xA0;
	[sflag:s3] =	ssyncadd.s32 $0xFFFFEC00  }
0x16: {  	[tilespmem:s7], [sflag:$0x1] =	stream.indirect.gather [hbm4b:s5+s6], $0x40, s11, s6, $0xb8;
	[tilespmem:$0x2940] =	vst v63  }
0x17: {  	_ =	swait.ge [sflag:s12], $0x1400  }
0x18: {  	[sflag:s12] =	ssyncset.done $0x0  }
0x19: {  	s13 =	sadd.s32 $0x2E280, s17;
	[sflag:s12] =	ssyncadd.s32 $0xFFFFEC00  }
0x1a: {  	[hbm4b:s13+s2] =	stream.linear.scatter [tilespmem:s8], [sflag:$0x3], $0x1400, $0x38;
	[tilespmem:$0x2940] =	vst v63  }
0x1b: {  	_ =	swait.ge [sflag:s3], $0x1400  }
0x1c: {  	[sflag:s3] =	ssyncset.done $0x0  }
0x1d: {  	s14 =	simm.s32 $0xF0;
	[sflag:s3] =	ssyncadd.s32 $0xFFFFEC00  }
0x1e: {  	[tilespmem:s8], [sflag:$0x2] =	stream.indirect.gather [hbm4b:s5+s6], $0x40, s14, s6, $0xb8;
	[tilespmem:$0x2940] =	vst v63  }
0x1f: {  	_ =	swait.ge [sflag:s9], $0x1400  }
0x20: {  	[sflag:s9] =	ssyncset.done $0x0  }
0x21: {  	s16 =	ssub.s32 $0x2, s16;
	s15 =	sadd.s32 $0x2E500, s17;
	[sflag:s9] =	ssyncadd.s32 $0xFFFFEC00  }
0x22: {  	[hbm4b:s15+s2] =	stream.linear.scatter [tilespmem:s7], [sflag:$0x3], $0x1400, $0x38;
	[tilespmem:$0x2940] =	vst v63  }
0x23: {  	s18 =	sshrl.u32 s16, $0x1;
	_ =	swait.ge [sflag:s3], $0x1400  }
0x24: {  	s16 =	ssub.s32 s16, s18;
	[sflag:s3] =	ssyncset.done $0x0  }
0x25: {  	s18 =	smax.u32 s16, $0x1;
	[sflag:s3] =	ssyncadd.s32 $0xFFFFEC00  }
0x26: {  	p0 =	sne.s32 s18, $0x1;
	_ =	swait.ge [sflag:s12], $0x1400  }
.Ltmp0:
0x27: {  	[sflag:s12] =	ssyncset.done $0x0;
	(pc) =	sbr.rel @!p0 .LBB2_2-.Ltmp0, $4  }
0x28: {  	s16 =	sadd.s32 $0x2E780, s17;
	[sflag:s12] =	ssyncadd.s32 $0xFFFFEC00  }
0x29: {  	[hbm4b:s16+s2] =	stream.linear.scatter [tilespmem:s8], [sflag:$0x3], $0x1400, $0x38;
	[tilespmem:$0x2940] =	vst v63  }
0x2a: {  	_ =	swait.ge [sflag:s3], $0x1400  }
0x2b: {  	s17 =	sadd.s32 $0xFFFFFFFF, s18;
	[sflag:s3] =	ssyncset.done $0x0  }
.LBB2_1:
0x2c: {  	p0 =	sne.s32 s17, $0x1;
	s17 =	sadd.s32 $0xFFFFFFFF, s17;
	[sflag:s3] =	ssyncadd.s32 $0xFFFFEC00  }
0x2d: {  	[tilespmem:s2], [sflag:$0x3] =	stream.linear.gather [hbm4b:s4+s2], $0x140, $0x38;
	[tilespmem:$0x2940] =	vst v63  }
0x2e: {  	_ =	swait.ge [sflag:s3], $0x140  }
0x2f: {  	[sflag:s3] =	ssyncset.done $0x0  }
0x30: {  	[sflag:s3] =	ssyncadd.s32 $0xFFFFFEC0  }
0x31: {  	[tilespmem:s7], [sflag:$0x1] =	stream.indirect.gather [hbm4b:s5+s6], $0x40, s2, s6, $0xb8;
	[tilespmem:$0x2940] =	vst v63  }
0x32: {  	_ = 	snop  }
0x33: {  	[tilespmem:s8], [sflag:$0x2] =	stream.indirect.gather [hbm4b:s5+s6], $0x40, s6, s6, $0xb8;
	[tilespmem:$0x2940] =	vst v63  }
0x34: {  	_ =	swait.ge [sflag:s9], $0x1400  }
0x35: {  	[sflag:s9] =	ssyncset.done $0x0  }
0x36: {  	[sflag:s9] =	ssyncadd.s32 $0xFFFFEC00  }
0x37: {  	[hbm4b:s10+s2] =	stream.linear.scatter [tilespmem:s7], [sflag:$0x3], $0x1400, $0x38;
	[tilespmem:$0x2940] =	vst v63  }
0x38: {  	_ =	swait.ge [sflag:s3], $0x1400  }
0x39: {  	[sflag:s3] =	ssyncset.done $0x0  }
0x3a: {  	[sflag:s3] =	ssyncadd.s32 $0xFFFFEC00  }
0x3b: {  	[tilespmem:s7], [sflag:$0x1] =	stream.indirect.gather [hbm4b:s5+s6], $0x40, s11, s6, $0xb8;
	[tilespmem:$0x2940] =	vst v63  }
0x3c: {  	_ =	swait.ge [sflag:s12], $0x1400  }
0x3d: {  	[sflag:s12] =	ssyncset.done $0x0  }
0x3e: {  	[sflag:s12] =	ssyncadd.s32 $0xFFFFEC00  }
0x3f: {  	[hbm4b:s13+s2] =	stream.linear.scatter [tilespmem:s8], [sflag:$0x3], $0x1400, $0x38;
	[tilespmem:$0x2940] =	vst v63  }
0x40: {  	_ =	swait.ge [sflag:s3], $0x1400  }
0x41: {  	[sflag:s3] =	ssyncset.done $0x0  }
0x42: {  	[sflag:s3] =	ssyncadd.s32 $0xFFFFEC00  }
0x43: {  	[tilespmem:s8], [sflag:$0x2] =	stream.indirect.gather [hbm4b:s5+s6], $0x40, s14, s6, $0xb8;
	[tilespmem:$0x2940] =	vst v63  }
0x44: {  	_ =	swait.ge [sflag:s9], $0x1400  }
0x45: {  	[sflag:s9] =	ssyncset.done $0x0  }
0x46: {  	[sflag:s9] =	ssyncadd.s32 $0xFFFFEC00  }
0x47: {  	[hbm4b:s15+s2] =	stream.linear.scatter [tilespmem:s7], [sflag:$0x3], $0x1400, $0x38;
	[tilespmem:$0x2940] =	vst v63  }
0x48: {  	_ =	swait.ge [sflag:s3], $0x1400  }
0x49: {  	[sflag:s3] =	ssyncset.done $0x0  }
0x4a: {  	[sflag:s3] =	ssyncadd.s32 $0xFFFFEC00  }
0x4b: {  	_ =	swait.ge [sflag:s12], $0x1400  }
.Ltmp1:
0x4c: {  	[sflag:s12] =	ssyncset.done $0x0;
	(pc) =	sbr.rel @p0 .LBB2_1-.Ltmp1, $4  }
0x4d: {  	[sflag:s12] =	ssyncadd.s32 $0xFFFFEC00  }
0x4e: {  	[hbm4b:s16+s2] =	stream.linear.scatter [tilespmem:s8], [sflag:$0x3], $0x1400, $0x38;
	[tilespmem:$0x2940] =	vst v63  }
0x4f: {  	_ =	swait.ge [sflag:s3], $0x1400  }
0x50: {  	[sflag:s3] =	ssyncset.done $0x0  }
.LBB2_2:
0x51: {  	[sflag:s3] =	ssyncadd.s32 $0xFFFFEC00  }
0x52: {  	_ =	sfence.sel $0x180000  }
0x53: {  	[bflag:$0x0] =	sbarrier.arrive $0xFFFF  }
0x54: {  	p0 =	sne.s32 s0, $0x0;
	_ =	strace $0x9000004D  }
0x55: {  	s0 =	sadd.s32 @!p0 $0x100000, s1;
	[bflag:$0x2] =	sbarrier.arrive $0xFFFF  }
0x56: {  	[sflag:s0] =	ssyncadd.tile.s32 @!p0 $0x1;
	_ =	shalt  }
.Lfunc_end2:
_tile_overlayer_lowered:
.L_overlay_start_2:
0x57: {  	(tag) =	ssettag $0x2  }
0x58: {  	s0 =	rddreg [dreg:$0x0];
	s2 =	stileid.u32  }
0x59: {  	s1 =	rddreg [dreg:$0x1];
	p0 =	sne.s32 s2, $0x0  }
0x5a: {  	s3 =	rddreg [dreg:$0x2];
	[bflag:$0x3] =	sbarrier.arrive $0xFFFF;
	s2 =	simm.s32 @!p0 $0x1C03  }
0x5b: {  	[timem:s3], [sflag:s2] =	dma.local @!p0 [hbm:s0], s1  }
0x5c: {  	s0 =	simm.s32 @!p0 $0x3  }
0x5d: {  	_ =	swait.ge @!p0 [sflag:s0], s1  }
0x5e: {  	s1 =	ssub.s32 @!p0 $0x0, s1;
	[sflag:s0] =	ssyncset.done @!p0 $0x0  }
0x5f: {  	[sflag:s0] =	ssyncadd.s32 @!p0 s1  }
0x60: {  	[bflag:$0x3] =	sbarrier.arrive $0xFFFF  }
0x61: {  	_ =	shalt  }

// kernel: kernel.21.cloned.1.call-start
scs
__scs_entry_jumppad:
0x0: {  	(pc) =	sbr.rel $0x88, $3  }
0x1: {  	(tag) =	ssettag $0x0;
	lr =	simm.s32 $0x1  }
0x2: {  	[smem:$0x3F9D] =	sst lr;
	_ =	strace $0xD0000000  }
0x3: {  	_ = 	snop  }
0x4: {  	_ = 	snop  }
0x5: {  	_ = 	snop  }
0x6: {  	_ = 	snop  }
0x7: {  	_ = 	snop  }
__scs_overlays_trampoline_lowered:
0x8: {  	[smem:$0x3FAC] =	sst s0  }
0x9: {  	[smem:$0x3FAD] =	sst s1  }
0xa: {  	[smem:$0x3FAE] =	sst s2  }
0xb: {  	[smem:$0x3FAF] =	sst s3  }
0xc: {  	[smem:$0x3FB0] =	sst s4  }
0xd: {  	[smem:$0x3FB1] =	sst s5  }
0xe: {  	[smem:$0x3FB2] =	sst s6  }
0xf: {  	[smem:$0x3FB3] =	sst s7  }
0x10: {  	[smem:$0x3FB4] =	sst s8  }
0x11: {  	[smem:$0x3FB5] =	sst s9;
	s0 =	simm.s32 @!p0 $0x0  }
0x12: {  	s1 =	sld [smem:$0x3F9B];
	s0 =	simm.s32 @p0 $0x1  }
0x13: {  	[smem:$0x3FB6] =	sst s0;
	s0 =	simm.s32 @!p1 $0x0  }
0x14: {  	s2 =	sld [smem:$0x3F9A];
	s0 =	simm.s32 @p1 $0x1  }
0x15: {  	[smem:$0x3FB7] =	sst s0;
	s0 =	simm.s32 @!p2 $0x0  }
0x16: {  	s3 =	sld [smem:$0x3FDB];
	s0 =	simm.s32 @p2 $0x1  }
0x17: {  	s4 =	simm.s32 $0x1BF5;
	[smem:$0x3FB9] =	sst s0  }
0x18: {  	s0 =	sld [smem:$0x3F9C];
	_ =	swait.ge [sflag:s4], $0x0  }
0x19: {  	s7 =	sld [smem:$0x3F9D]  }
0x1a: {  	s8 =	sadd.s32 $0xFFFFE003, lr  }
0x1b: {  	s9 =	sadd.s32 $0xFFFFFEF7, lr;
	s5 =	simm.s32 $0xFFFFFFFF;
	p2 =	slt.u32 s8, $0xFFFFF086  }
0x1c: {  	p1 =	slt.u32 s9, $0xF7A;
	s5 =	simm.s32 @!p2 $0x0  }
0x1d: {  	s5 =	simm.s32 @p1 $0x1;
	p0 =	seq.s32 s7, s2  }
0x1e: {  	s7 =	smul.u32 @!p0 $0xF7A, s2;
	p2 =	seq.s32 @!p0 s5, $0x0  }
0x1f: {  	s9 =	smul.u32 $0xF7A, s1;
	s8 =	simm.s32 @!p0 $0x1BF5;
	p2 =	por !p2, p0  }
0x20: {  	[sflag:s8] =	ssyncset.s32 @!p0 $0xFFFFF086;
	s6 =	sadd.s32 @!p0 s3, s7;
	s7 =	simm.s32 @!p0 $0x108  }
0x21: {  	s3 =	sadd.s32 s3, s9;
	s6 =	sadd.s32 @!p0 $0x88, s6;
	s7 =	simm.s32 @p2 $0x1082  }
0x22: {  	[simem:s7], [sflag:s8] =	dma.local @!p0 [hbm:s6], $0xF7A  }
0x23: {  	s9 =	sor.u32 $0xD0000000, s2;
	s6 =	simm.s32 $0x108;
	_ =	swait.ge @!p0 [sflag:s8], $0x0  }
0x24: {  	s3 =	sadd.s32 $0x88, s3;
	s6 =	simm.s32 @!p1 $0x1082;
	[sflag:s4] =	ssyncset.s32 $0xFFFFF086  }
0x25: {  	[simem:s6], [sflag:s4] =	dma.local [hbm:s3], $0xF7A  }
0x26: {  	[smem:$0x3F9D] =	sst s1;
	(tag) =	ssettag s2;
	_ =	strace s9  }
0x27: {  	s1 =	sld [smem:$0x3FAD]  }
0x28: {  	s2 =	sld [smem:$0x3FAE]  }
0x29: {  	s4 =	sld [smem:$0x3FB0]  }
0x2a: {  	p0 =	seq.s32 s5, $0x0;
	s5 =	sld [smem:$0x3FB1]  }
0x2b: {  	s6 =	sld [smem:$0x3FB2]  }
0x2c: {  	s7 =	sld [smem:$0x3FB3]  }
0x2d: {  	s3 =	simm.s32 $0x108;
	s8 =	sld [smem:$0x3FB4]  }
0x2e: {  	s3 =	simm.s32 @!p0 $0x1082;
	s9 =	sld [smem:$0x3FB5]  }
0x2f: {  	lr =	sadd.s32 s0, s3;
	s0 =	sld [smem:$0x3FAC]  }
0x30: {  	s3 =	sld [smem:$0x3FAF]  }
0x31: {  	[smem:$0x3FB8] =	sst s10  }
0x32: {  	s10 =	sld [smem:$0x3FB6];
	_ =	sdelay $0x3  }
0x33: {  	p0 =	seq.s32 s10, $0x1;
	s10 =	sld [smem:$0x3FB8];
	_ =	sdelay $0x3  }
0x34: {  	[smem:$0x3FB8] =	sst s10  }
0x35: {  	s10 =	sld [smem:$0x3FB7];
	_ =	sdelay $0x3  }
0x36: {  	p1 =	seq.s32 s10, $0x1;
	s10 =	sld [smem:$0x3FB8];
	_ =	sdelay $0x3  }
0x37: {  	[smem:$0x3FB8] =	sst s10  }
0x38: {  	s10 =	sld [smem:$0x3FB9]  }
0x39: {  	_ = 	snop;
	(pc) =	sbr.ind lr, $3  }
0x3a: {  	_ = 	snop  }
0x3b: {  	_ = 	snop  }
0x3c: {  	p2 =	seq.s32 s10, $0x1;
	s10 =	sld [smem:$0x3FB8]  }
0x3d: {  	_ =	shalt  }
0x3e: {  	_ =	shalt  }
0x3f: {  	_ =	shalt  }
0x40: {  	_ =	shalt  }
0x41: {  	_ =	shalt  }
0x42: {  	_ =	shalt  }
0x43: {  	_ =	shalt  }
0x44: {  	_ =	shalt  }
0x45: {  	_ =	shalt  }
0x46: {  	_ =	shalt  }
0x47: {  	_ =	shalt  }
0x48: {  	_ =	shalt  }
0x49: {  	_ =	shalt  }
0x4a: {  	_ =	shalt  }
0x4b: {  	_ =	shalt  }
0x4c: {  	_ =	shalt  }
0x4d: {  	_ =	shalt  }
0x4e: {  	_ =	shalt  }
0x4f: {  	_ =	shalt  }
0x50: {  	_ =	shalt  }
0x51: {  	_ =	shalt  }
0x52: {  	_ =	shalt  }
0x53: {  	_ =	shalt  }
0x54: {  	_ =	shalt  }
0x55: {  	_ =	shalt  }
0x56: {  	_ =	shalt  }
0x57: {  	_ =	shalt  }
0x58: {  	_ =	shalt  }
0x59: {  	_ =	shalt  }
0x5a: {  	_ =	shalt  }
0x5b: {  	_ =	shalt  }
0x5c: {  	_ =	shalt  }
0x5d: {  	_ =	shalt  }
0x5e: {  	_ =	shalt  }
0x5f: {  	_ =	shalt  }
0x60: {  	_ =	shalt  }
0x61: {  	_ =	shalt  }
0x62: {  	_ =	shalt  }
0x63: {  	_ =	shalt  }
0x64: {  	_ =	shalt  }
0x65: {  	_ =	shalt  }
0x66: {  	_ =	shalt  }
0x67: {  	_ =	shalt  }
0x68: {  	_ =	shalt  }
0x69: {  	_ =	shalt  }
0x6a: {  	_ =	shalt  }
0x6b: {  	_ =	shalt  }
0x6c: {  	_ =	shalt  }
0x6d: {  	_ =	shalt  }
0x6e: {  	_ =	shalt  }
0x6f: {  	_ =	shalt  }
0x70: {  	_ =	shalt  }
0x71: {  	_ =	shalt  }
0x72: {  	_ =	shalt  }
0x73: {  	_ =	shalt  }
0x74: {  	_ =	shalt  }
0x75: {  	_ =	shalt  }
0x76: {  	_ =	shalt  }
0x77: {  	_ =	shalt  }
0x78: {  	_ =	shalt  }
0x79: {  	_ =	shalt  }
0x7a: {  	_ =	shalt  }
0x7b: {  	_ =	shalt  }
0x7c: {  	_ =	shalt  }
0x7d: {  	_ =	shalt  }
0x7e: {  	_ =	shalt  }
0x7f: {  	_ =	shalt  }
0x80: {  	_ =	shalt  }
0x81: {  	_ =	shalt  }
0x82: {  	_ =	shalt  }
0x83: {  	_ =	shalt  }
0x84: {  	_ =	shalt  }
0x85: {  	_ =	shalt  }
0x86: {  	_ =	shalt  }
0x87: {  	_ =	shalt  }
.Lfunc_end0:
.L_simem_size_0:
called_computation.3_lowered:
.L_overlay_start_0:
0x88: {  	s2 =	sld [smem:$0x3FD9]  }
0x89: {  	s3 =	sld [smem:$0x3FFE];
	_ =	sdelay $0x1  }
0x8a: {  	s1 =	srdreg.scid  }
0x8b: {  	s0 =	sand.u32 $0x1, s1  }
0x8c: {  	s17 =	sshll.u32 s0, $0xA;
	s2 =	sadd.s32 s3, s2  }
0x8d: {  	s2 =	sadd.s32 s2, s17  }
0x8e: {  	[smem:$0x3FC4] =	sst s2  }
0x8f: {  	_ = 	snop  }
0x90: {  	(tm) =	ssettm $0x1  }
0x91: {  	s18 =	sld [smem:$0x3FFB];
	_ =	sdelay $0x3  }
0x92: {  	_ =	strace s18  }
0x93: {  	s2 =	sld [smem:$0x3FFC];
	_ =	sdelay $0x3  }
0x94: {  	_ =	strace s2  }
0x95: {  	s2 =	sld [smem:$0x3FFD];
	_ =	sdelay $0x3  }
0x96: {  	_ =	strace s2  }
0x97: {  	_ =	strace $0x8FFFFFFF  }
0x98: {  	s19 =	sld [smem:$0x3FDB];
	_ =	sdelay $0x1  }
0x99: {  	s20 =	simm.s32 $_scs_section_size  }
0x9a: {  	s4 =	simm.s32 $_size__tile_overlayer_lowered;
	s5 =	simm.s32 $_tile_overlayer_lowered  }
0x9b: {  	s6 =	simm.s32 $0x1BFF;
	s21 =	sshll.u32 s5, $0x1;
	s3 =	sadd.s32 s20, s19  }
0x9c: {  	s22 =	simm.s32 $0x0;
	s4 =	sshll.u32 s4, $0x1;
	s5 =	sadd.s32 s21, s3  }
0x9d: {  	[timem:s22], [sflag:s6] =	dma.local [hbm:s5], s4  }
0x9e: {  	_ =	swait.ge [sflag:s6], s4  }
0x9f: {  	s4 =	ssub.s32 $0x0, s4;
	[sflag:s6] =	ssyncset.done $0x0  }
0xa0: {  	[sflag:s6] =	ssyncadd.s32 s4;
	_ =	sdelay $0x1  }
0xa1: {  	s23 =	simm.s32 $0x1B8B  }
0xa2: {  	_ =	swait.ge [sflag:s23], $0x1  }
0xa3: {  	[sflag:s23] =	ssyncset.done $0x0  }
0xa4: {  	[sflag:s23] =	ssyncadd.s32 $0xFFFFFFFF  }
0xa5: {  	s4 =	sld [smem:$0x0]  }
0xa6: {  	s5 =	sand.u32 $0xFFFFFFFE, s1  }
0xa7: {  	p0 =	sne.s32 s1, s5  }
0xa8: {  	s5 =	sshll.u32 @p0 s5, $0xE  }
0xa9: {  	s5 =	sadd.s32 @p0 $0x11B8D, s5;
	s6 =	sshll.u32 @p0 s4, $0x11  }
0xaa: {  	s5 =	sor.u32 @p0 s6, s5  }
0xab: {  	[sflag:s5] =	ssyncadd.remote.s32 @p0 $0x1;
	_ =	sdelay $0x1  }
0xac: {  	s5 =	simm.s32 @p0 $0x1B8D  }
0xad: {  	_ =	swait.eq @p0 [sflag:s5], $0x1  }
0xae: {  	[sflag:s5] =	ssyncadd.s32 @p0 $0xFFFFFFFF  }
0xaf: {  	s6 =	sshll.u32 @!p0 s1, $0xE  }
0xb0: {  	s6 =	sor.u32 @!p0 $0x4000, s6;
	s5 =	simm.s32 @!p0 $0x1B8D  }
0xb1: {  	s4 =	sshll.u32 @!p0 s4, $0x11;
	s6 =	sadd.s32 @!p0 $0x11B8D, s6;
	_ =	swait.eq @!p0 [sflag:s5], $0x1  }
0xb2: {  	s4 =	sor.u32 @!p0 s4, s6;
	[sflag:s5] =	ssyncadd.s32 @!p0 $0xFFFFFFFF  }
0xb3: {  	s25 =	simm.s32 $0x1B8E;
	s24 =	sld [smem:$0x3FFE];
	[sflag:s4] =	ssyncadd.remote.s32 @!p0 $0x1  }
0xb4: {  	s26 =	simm.s32 $execute0_lowered;
	[smem:$0x3FD2] =	sst s25  }
0xb5: {  	s5 =	sshll.u32 s26, $0x1;
	_ =	strace $0x8000004F;
	[dreg:$0x1] =	wrdreg $0xFFFFFFFF  }
0xb6: {  	s28 =	simm.s32 $_size_execute0_lowered;
	s3 =	sadd.s32 s3, s5;
	[dreg:$0x0] =	wrdreg $0x0  }
0xb7: {  	s5 =	sshll.u32 s28, $0x1;
	[dreg:$0x2] =	wrdreg s3  }
0xb8: {  	[dreg:$0x3] =	wrdreg s5  }
0xb9: {  	[dreg:$0x4] =	wrdreg $0xC0  }
0xba: {  	_ =	task [dreg:s22], $0x5FFFF  }
0xbb: {  	[dreg:$0x1] =	wrdreg $0xFFFFFFFF  }
0xbc: {  	[dreg:$0x0] =	wrdreg $0x60  }
0xbd: {  	[dreg:$0x2] =	wrdreg s24  }
0xbe: {  	[dreg:$0x3] =	wrdreg $0xC  }
0xbf: {  	_ =	task.clear_ibuf [dreg:s22], $0x4FFFF;
	_ =	strace $0x9000004F  }
0xc0: {  	s29 =	simm.s32 $0xC;
	_ =	strace $0x80000051  }
0xc1: {  	_ =	swait.ge [sflag:s29], $0x1  }
0xc2: {  	[sflag:s29] =	ssyncadd.s32 $0xFFFFFFFF  }
0xc3: {  	_ =	strace $0x90000051  }
0xc4: {  	_ =	sfence  }
0xc5: {  	s30 =	sld [smem:$0x0];
	_ =	sdelay $0x2  }
0xc6: {  	s31 =	sshll.u32 s1, $0xD;
	s1 =	sshrl.u32 s1, $0x2  }
0xc7: {  	s4 =	sand.u32 $0x4000, s31;
	s1 =	sadd.s32 s1, s30  }
0xc8: {  	s0 =	sor.u32 s4, s0;
	s1 =	sshll.u32 s1, $0x11  }
0xc9: {  	s0 =	sor.u32 s1, s0  }
0xca: {  	s0 =	sadd.s32 $0x8F2B, s0  }
0xcb: {  	[sflag:s0] =	ssyncadd.remote.s32 $0x1  }
0xcc: {  	_ =	sfence.sel $0xFFFF  }
0xcd: {  	[dreg:$0x0] =	wrdreg $0xFFFFFFFF;
	(pc) =	sbr.abs _section_cstart, $3  }
0xce: {  	[dreg:$0x1] =	wrdreg $0xFFFFFFFF  }
0xcf: {  	_ =	task.clear_ibuf [dreg:s22], $0x2FFFF;
	_ =	strace $0x9FFFFFFF  }
0xd0: {  	(tm) =	ssettm $0x7FFFFFFF  }
0xd1: {  	_ =	shalt  }
tec
execute0_lowered:
.L_overlay_start_1:
0x0: {  	(tag) =	ssettag $0x1  }
0x1: {  	s1 =	srdreg.scid;
	s0 =	stileid.u32  }
0x2: {  	s16 =	sand.u32 $0x1, s1;
	s31 =	sshll.u32 s0, $0x1  }
0x3: {  	s8 =	sor.u32 s16, s31  }
0x4: {  	s10 =	rddreg [dreg:$0x0];
	s3 =	smul.u32 $0x28, s8  }
0x5: {  	s2 =	simm.s32 $0x0;
	s1 =	rddreg [dreg:$0x1]  }
0x6: {  	[smem:$0x7FF] =	sst s2;
	s3 =	sadd.s32 s3, s10  }
0x7: {  	_ =	strace $0x80000050;
	s4 =	sadd.s32 $0x19400, s3;
	s3 =	simm.s32 $0x3  }
0x8: {  	[tilespmem:s2], [sflag:$0x3] =	stream.linear.gather [hbm4b:s4+s2], $0x140, $0x38;
	[tilespmem:$0x2940] =	vst v63  }
0x9: {  	_ =	swait.ge [sflag:s3], $0x140  }
0xa: {  	s6 =	simm.s32 $0x50;
	[sflag:s3] =	ssyncset.done $0x0  }
0xb: {  	s7 =	simm.s32 $0x140;
	s5 =	sadd.s32 $0x2200, s10;
	[sflag:s3] =	ssyncadd.s32 $0xFFFFFEC0  }
0xc: {  	[tilespmem:s7], [sflag:$0x1] =	stream.indirect.gather [hbm4b:s5+s6], $0x40, s2, s6, $0xb8;
	[tilespmem:$0x2940] =	vst v63  }
0xd: {  	s9 =	simm.s32 $0x1;
	s11 =	smul.u32 $0xA00, s8;
	s8 =	simm.s32 $0x1540  }
0xe: {  	[tilespmem:s8], [sflag:$0x2] =	stream.indirect.gather [hbm4b:s5+s6], $0x40, s6, s6, $0xb8;
	[tilespmem:$0x2940] =	vst v63  }
0xf: {  	_ =	swait.ge [sflag:s9], $0x1400  }
0x10: {  	s17 =	sadd.s32 s11, s10;
	[sflag:s9] =	ssyncset.done $0x0  }
0x11: {  	s10 =	sadd.s32 $0x42000, s17;
	[sflag:s9] =	ssyncadd.s32 $0xFFFFEC00  }
0x12: {  	[hbm4b:s10+s2] =	stream.linear.scatter [tilespmem:s7], [sflag:$0x3], $0x1400, $0x38;
	[tilespmem:$0x2940] =	vst v63  }
0x13: {  	_ =	swait.ge [sflag:s3], $0x1400  }
0x14: {  	[sflag:s3] =	ssyncset.done $0x0  }
0x15: {  	s12 =	simm.s32 $0x2;
	s11 =	simm.s32 $0xA0;
	[sflag:s3] =	ssyncadd.s32 $0xFFFFEC00  }
0x16: {  	[tilespmem:s7], [sflag:$0x1] =	stream.indirect.gather [hbm4b:s5+s6], $0x40, s11, s6, $0xb8;
	[tilespmem:$0x2940] =	vst v63  }
0x17: {  	_ =	swait.ge [sflag:s12], $0x1400  }
0x18: {  	[sflag:s12] =	ssyncset.done $0x0  }
0x19: {  	s13 =	sadd.s32 $0x42280, s17;
	[sflag:s12] =	ssyncadd.s32 $0xFFFFEC00  }
0x1a: {  	[hbm4b:s13+s2] =	stream.linear.scatter [tilespmem:s8], [sflag:$0x3], $0x1400, $0x38;
	[tilespmem:$0x2940] =	vst v63  }
0x1b: {  	_ =	swait.ge [sflag:s3], $0x1400  }
0x1c: {  	[sflag:s3] =	ssyncset.done $0x0  }
0x1d: {  	s14 =	simm.s32 $0xF0;
	[sflag:s3] =	ssyncadd.s32 $0xFFFFEC00  }
0x1e: {  	[tilespmem:s8], [sflag:$0x2] =	stream.indirect.gather [hbm4b:s5+s6], $0x40, s14, s6, $0xb8;
	[tilespmem:$0x2940] =	vst v63  }
0x1f: {  	_ =	swait.ge [sflag:s9], $0x1400  }
0x20: {  	[sflag:s9] =	ssyncset.done $0x0  }
0x21: {  	s16 =	ssub.s32 $0x2, s16;
	s15 =	sadd.s32 $0x42500, s17;
	[sflag:s9] =	ssyncadd.s32 $0xFFFFEC00  }
0x22: {  	[hbm4b:s15+s2] =	stream.linear.scatter [tilespmem:s7], [sflag:$0x3], $0x1400, $0x38;
	[tilespmem:$0x2940] =	vst v63  }
0x23: {  	s18 =	sshrl.u32 s16, $0x1;
	_ =	swait.ge [sflag:s3], $0x1400  }
0x24: {  	s16 =	ssub.s32 s16, s18;
	[sflag:s3] =	ssyncset.done $0x0  }
0x25: {  	s18 =	smax.u32 s16, $0x1;
	[sflag:s3] =	ssyncadd.s32 $0xFFFFEC00  }
0x26: {  	p0 =	sne.s32 s18, $0x1;
	_ =	swait.ge [sflag:s12], $0x1400  }
.Ltmp0:
0x27: {  	[sflag:s12] =	ssyncset.done $0x0;
	(pc) =	sbr.rel @!p0 .LBB2_2-.Ltmp0, $4  }
0x28: {  	s16 =	sadd.s32 $0x42780, s17;
	[sflag:s12] =	ssyncadd.s32 $0xFFFFEC00  }
0x29: {  	[hbm4b:s16+s2] =	stream.linear.scatter [tilespmem:s8], [sflag:$0x3], $0x1400, $0x38;
	[tilespmem:$0x2940] =	vst v63  }
0x2a: {  	_ =	swait.ge [sflag:s3], $0x1400  }
0x2b: {  	s17 =	sadd.s32 $0xFFFFFFFF, s18;
	[sflag:s3] =	ssyncset.done $0x0  }
.LBB2_1:
0x2c: {  	p0 =	sne.s32 s17, $0x1;
	s17 =	sadd.s32 $0xFFFFFFFF, s17;
	[sflag:s3] =	ssyncadd.s32 $0xFFFFEC00  }
0x2d: {  	[tilespmem:s2], [sflag:$0x3] =	stream.linear.gather [hbm4b:s4+s2], $0x140, $0x38;
	[tilespmem:$0x2940] =	vst v63  }
0x2e: {  	_ =	swait.ge [sflag:s3], $0x140  }
0x2f: {  	[sflag:s3] =	ssyncset.done $0x0  }
0x30: {  	[sflag:s3] =	ssyncadd.s32 $0xFFFFFEC0  }
0x31: {  	[tilespmem:s7], [sflag:$0x1] =	stream.indirect.gather [hbm4b:s5+s6], $0x40, s2, s6, $0xb8;
	[tilespmem:$0x2940] =	vst v63  }
0x32: {  	_ = 	snop  }
0x33: {  	[tilespmem:s8], [sflag:$0x2] =	stream.indirect.gather [hbm4b:s5+s6], $0x40, s6, s6, $0xb8;
	[tilespmem:$0x2940] =	vst v63  }
0x34: {  	_ =	swait.ge [sflag:s9], $0x1400  }
0x35: {  	[sflag:s9] =	ssyncset.done $0x0  }
0x36: {  	[sflag:s9] =	ssyncadd.s32 $0xFFFFEC00  }
0x37: {  	[hbm4b:s10+s2] =	stream.linear.scatter [tilespmem:s7], [sflag:$0x3], $0x1400, $0x38;
	[tilespmem:$0x2940] =	vst v63  }
0x38: {  	_ =	swait.ge [sflag:s3], $0x1400  }
0x39: {  	[sflag:s3] =	ssyncset.done $0x0  }
0x3a: {  	[sflag:s3] =	ssyncadd.s32 $0xFFFFEC00  }
0x3b: {  	[tilespmem:s7], [sflag:$0x1] =	stream.indirect.gather [hbm4b:s5+s6], $0x40, s11, s6, $0xb8;
	[tilespmem:$0x2940] =	vst v63  }
0x3c: {  	_ =	swait.ge [sflag:s12], $0x1400  }
0x3d: {  	[sflag:s12] =	ssyncset.done $0x0  }
0x3e: {  	[sflag:s12] =	ssyncadd.s32 $0xFFFFEC00  }
0x3f: {  	[hbm4b:s13+s2] =	stream.linear.scatter [tilespmem:s8], [sflag:$0x3], $0x1400, $0x38;
	[tilespmem:$0x2940] =	vst v63  }
0x40: {  	_ =	swait.ge [sflag:s3], $0x1400  }
0x41: {  	[sflag:s3] =	ssyncset.done $0x0  }
0x42: {  	[sflag:s3] =	ssyncadd.s32 $0xFFFFEC00  }
0x43: {  	[tilespmem:s8], [sflag:$0x2] =	stream.indirect.gather [hbm4b:s5+s6], $0x40, s14, s6, $0xb8;
	[tilespmem:$0x2940] =	vst v63  }
0x44: {  	_ =	swait.ge [sflag:s9], $0x1400  }
0x45: {  	[sflag:s9] =	ssyncset.done $0x0  }
0x46: {  	[sflag:s9] =	ssyncadd.s32 $0xFFFFEC00  }
0x47: {  	[hbm4b:s15+s2] =	stream.linear.scatter [tilespmem:s7], [sflag:$0x3], $0x1400, $0x38;
	[tilespmem:$0x2940] =	vst v63  }
0x48: {  	_ =	swait.ge [sflag:s3], $0x1400  }
0x49: {  	[sflag:s3] =	ssyncset.done $0x0  }
0x4a: {  	[sflag:s3] =	ssyncadd.s32 $0xFFFFEC00  }
0x4b: {  	_ =	swait.ge [sflag:s12], $0x1400  }
.Ltmp1:
0x4c: {  	[sflag:s12] =	ssyncset.done $0x0;
	(pc) =	sbr.rel @p0 .LBB2_1-.Ltmp1, $4  }
0x4d: {  	[sflag:s12] =	ssyncadd.s32 $0xFFFFEC00  }
0x4e: {  	[hbm4b:s16+s2] =	stream.linear.scatter [tilespmem:s8], [sflag:$0x3], $0x1400, $0x38;
	[tilespmem:$0x2940] =	vst v63  }
0x4f: {  	_ =	swait.ge [sflag:s3], $0x1400  }
0x50: {  	[sflag:s3] =	ssyncset.done $0x0  }
.LBB2_2:
0x51: {  	[sflag:s3] =	ssyncadd.s32 $0xFFFFEC00  }
0x52: {  	_ =	sfence.sel $0x180000  }
0x53: {  	[bflag:$0x0] =	sbarrier.arrive $0xFFFF  }
0x54: {  	p0 =	sne.s32 s0, $0x0;
	_ =	strace $0x90000050  }
0x55: {  	s0 =	sadd.s32 @!p0 $0x100000, s1;
	[bflag:$0x2] =	sbarrier.arrive $0xFFFF  }
0x56: {  	[sflag:s0] =	ssyncadd.tile.s32 @!p0 $0x1;
	_ =	shalt  }
.Lfunc_end2:
_tile_overlayer_lowered:
.L_overlay_start_2:
0x57: {  	(tag) =	ssettag $0x2  }
0x58: {  	s0 =	rddreg [dreg:$0x0];
	s2 =	stileid.u32  }
0x59: {  	s1 =	rddreg [dreg:$0x1];
	p0 =	sne.s32 s2, $0x0  }
0x5a: {  	s3 =	rddreg [dreg:$0x2];
	[bflag:$0x3] =	sbarrier.arrive $0xFFFF;
	s2 =	simm.s32 @!p0 $0x1C03  }
0x5b: {  	[timem:s3], [sflag:s2] =	dma.local @!p0 [hbm:s0], s1  }
0x5c: {  	s0 =	simm.s32 @!p0 $0x3  }
0x5d: {  	_ =	swait.ge @!p0 [sflag:s0], s1  }
0x5e: {  	s1 =	ssub.s32 @!p0 $0x0, s1;
	[sflag:s0] =	ssyncset.done @!p0 $0x0  }
0x5f: {  	[sflag:s0] =	ssyncadd.s32 @!p0 s1  }
0x60: {  	[bflag:$0x3] =	sbarrier.arrive $0xFFFF  }
0x61: {  	_ =	shalt  }

// kernel: kernel.24.cloned.1.call-start
scs
__scs_entry_jumppad:
0x0: {  	(pc) =	sbr.rel $0x88, $3  }
0x1: {  	(tag) =	ssettag $0x0;
	lr =	simm.s32 $0x1  }
0x2: {  	[smem:$0x3F9D] =	sst lr;
	_ =	strace $0xD0000000  }
0x3: {  	_ = 	snop  }
0x4: {  	_ = 	snop  }
0x5: {  	_ = 	snop  }
0x6: {  	_ = 	snop  }
0x7: {  	_ = 	snop  }
__scs_overlays_trampoline_lowered:
0x8: {  	[smem:$0x3FAC] =	sst s0  }
0x9: {  	[smem:$0x3FAD] =	sst s1  }
0xa: {  	[smem:$0x3FAE] =	sst s2  }
0xb: {  	[smem:$0x3FAF] =	sst s3  }
0xc: {  	[smem:$0x3FB0] =	sst s4  }
0xd: {  	[smem:$0x3FB1] =	sst s5  }
0xe: {  	[smem:$0x3FB2] =	sst s6  }
0xf: {  	[smem:$0x3FB3] =	sst s7  }
0x10: {  	[smem:$0x3FB4] =	sst s8  }
0x11: {  	[smem:$0x3FB5] =	sst s9;
	s0 =	simm.s32 @!p0 $0x0  }
0x12: {  	s1 =	sld [smem:$0x3F9B];
	s0 =	simm.s32 @p0 $0x1  }
0x13: {  	[smem:$0x3FB6] =	sst s0;
	s0 =	simm.s32 @!p1 $0x0  }
0x14: {  	s2 =	sld [smem:$0x3F9A];
	s0 =	simm.s32 @p1 $0x1  }
0x15: {  	[smem:$0x3FB7] =	sst s0;
	s0 =	simm.s32 @!p2 $0x0  }
0x16: {  	s3 =	sld [smem:$0x3FDB];
	s0 =	simm.s32 @p2 $0x1  }
0x17: {  	s4 =	simm.s32 $0x1BF5;
	[smem:$0x3FB9] =	sst s0  }
0x18: {  	s0 =	sld [smem:$0x3F9C];
	_ =	swait.ge [sflag:s4], $0x0  }
0x19: {  	s7 =	sld [smem:$0x3F9D]  }
0x1a: {  	s8 =	sadd.s32 $0xFFFFE003, lr  }
0x1b: {  	s9 =	sadd.s32 $0xFFFFFEF7, lr;
	s5 =	simm.s32 $0xFFFFFFFF;
	p2 =	slt.u32 s8, $0xFFFFF086  }
0x1c: {  	p1 =	slt.u32 s9, $0xF7A;
	s5 =	simm.s32 @!p2 $0x0  }
0x1d: {  	s5 =	simm.s32 @p1 $0x1;
	p0 =	seq.s32 s7, s2  }
0x1e: {  	s7 =	smul.u32 @!p0 $0xF7A, s2;
	p2 =	seq.s32 @!p0 s5, $0x0  }
0x1f: {  	s9 =	smul.u32 $0xF7A, s1;
	s8 =	simm.s32 @!p0 $0x1BF5;
	p2 =	por !p2, p0  }
0x20: {  	[sflag:s8] =	ssyncset.s32 @!p0 $0xFFFFF086;
	s6 =	sadd.s32 @!p0 s3, s7;
	s7 =	simm.s32 @!p0 $0x108  }
0x21: {  	s3 =	sadd.s32 s3, s9;
	s6 =	sadd.s32 @!p0 $0x88, s6;
	s7 =	simm.s32 @p2 $0x1082  }
0x22: {  	[simem:s7], [sflag:s8] =	dma.local @!p0 [hbm:s6], $0xF7A  }
0x23: {  	s9 =	sor.u32 $0xD0000000, s2;
	s6 =	simm.s32 $0x108;
	_ =	swait.ge @!p0 [sflag:s8], $0x0  }
0x24: {  	s3 =	sadd.s32 $0x88, s3;
	s6 =	simm.s32 @!p1 $0x1082;
	[sflag:s4] =	ssyncset.s32 $0xFFFFF086  }
0x25: {  	[simem:s6], [sflag:s4] =	dma.local [hbm:s3], $0xF7A  }
0x26: {  	[smem:$0x3F9D] =	sst s1;
	(tag) =	ssettag s2;
	_ =	strace s9  }
0x27: {  	s1 =	sld [smem:$0x3FAD]  }
0x28: {  	s2 =	sld [smem:$0x3FAE]  }
0x29: {  	s4 =	sld [smem:$0x3FB0]  }
0x2a: {  	p0 =	seq.s32 s5, $0x0;
	s5 =	sld [smem:$0x3FB1]  }
0x2b: {  	s6 =	sld [smem:$0x3FB2]  }
0x2c: {  	s7 =	sld [smem:$0x3FB3]  }
0x2d: {  	s3 =	simm.s32 $0x108;
	s8 =	sld [smem:$0x3FB4]  }
0x2e: {  	s3 =	simm.s32 @!p0 $0x1082;
	s9 =	sld [smem:$0x3FB5]  }
0x2f: {  	lr =	sadd.s32 s0, s3;
	s0 =	sld [smem:$0x3FAC]  }
0x30: {  	s3 =	sld [smem:$0x3FAF]  }
0x31: {  	[smem:$0x3FB8] =	sst s10  }
0x32: {  	s10 =	sld [smem:$0x3FB6];
	_ =	sdelay $0x3  }
0x33: {  	p0 =	seq.s32 s10, $0x1;
	s10 =	sld [smem:$0x3FB8];
	_ =	sdelay $0x3  }
0x34: {  	[smem:$0x3FB8] =	sst s10  }
0x35: {  	s10 =	sld [smem:$0x3FB7];
	_ =	sdelay $0x3  }
0x36: {  	p1 =	seq.s32 s10, $0x1;
	s10 =	sld [smem:$0x3FB8];
	_ =	sdelay $0x3  }
0x37: {  	[smem:$0x3FB8] =	sst s10  }
0x38: {  	s10 =	sld [smem:$0x3FB9]  }
0x39: {  	_ = 	snop;
	(pc) =	sbr.ind lr, $3  }
0x3a: {  	_ = 	snop  }
0x3b: {  	_ = 	snop  }
0x3c: {  	p2 =	seq.s32 s10, $0x1;
	s10 =	sld [smem:$0x3FB8]  }
0x3d: {  	_ =	shalt  }
0x3e: {  	_ =	shalt  }
0x3f: {  	_ =	shalt  }
0x40: {  	_ =	shalt  }
0x41: {  	_ =	shalt  }
0x42: {  	_ =	shalt  }
0x43: {  	_ =	shalt  }
0x44: {  	_ =	shalt  }
0x45: {  	_ =	shalt  }
0x46: {  	_ =	shalt  }
0x47: {  	_ =	shalt  }
0x48: {  	_ =	shalt  }
0x49: {  	_ =	shalt  }
0x4a: {  	_ =	shalt  }
0x4b: {  	_ =	shalt  }
0x4c: {  	_ =	shalt  }
0x4d: {  	_ =	shalt  }
0x4e: {  	_ =	shalt  }
0x4f: {  	_ =	shalt  }
0x50: {  	_ =	shalt  }
0x51: {  	_ =	shalt  }
0x52: {  	_ =	shalt  }
0x53: {  	_ =	shalt  }
0x54: {  	_ =	shalt  }
0x55: {  	_ =	shalt  }
0x56: {  	_ =	shalt  }
0x57: {  	_ =	shalt  }
0x58: {  	_ =	shalt  }
0x59: {  	_ =	shalt  }
0x5a: {  	_ =	shalt  }
0x5b: {  	_ =	shalt  }
0x5c: {  	_ =	shalt  }
0x5d: {  	_ =	shalt  }
0x5e: {  	_ =	shalt  }
0x5f: {  	_ =	shalt  }
0x60: {  	_ =	shalt  }
0x61: {  	_ =	shalt  }
0x62: {  	_ =	shalt  }
0x63: {  	_ =	shalt  }
0x64: {  	_ =	shalt  }
0x65: {  	_ =	shalt  }
0x66: {  	_ =	shalt  }
0x67: {  	_ =	shalt  }
0x68: {  	_ =	shalt  }
0x69: {  	_ =	shalt  }
0x6a: {  	_ =	shalt  }
0x6b: {  	_ =	shalt  }
0x6c: {  	_ =	shalt  }
0x6d: {  	_ =	shalt  }
0x6e: {  	_ =	shalt  }
0x6f: {  	_ =	shalt  }
0x70: {  	_ =	shalt  }
0x71: {  	_ =	shalt  }
0x72: {  	_ =	shalt  }
0x73: {  	_ =	shalt  }
0x74: {  	_ =	shalt  }
0x75: {  	_ =	shalt  }
0x76: {  	_ =	shalt  }
0x77: {  	_ =	shalt  }
0x78: {  	_ =	shalt  }
0x79: {  	_ =	shalt  }
0x7a: {  	_ =	shalt  }
0x7b: {  	_ =	shalt  }
0x7c: {  	_ =	shalt  }
0x7d: {  	_ =	shalt  }
0x7e: {  	_ =	shalt  }
0x7f: {  	_ =	shalt  }
0x80: {  	_ =	shalt  }
0x81: {  	_ =	shalt  }
0x82: {  	_ =	shalt  }
0x83: {  	_ =	shalt  }
0x84: {  	_ =	shalt  }
0x85: {  	_ =	shalt  }
0x86: {  	_ =	shalt  }
0x87: {  	_ =	shalt  }
.Lfunc_end0:
.L_simem_size_0:
called_computation.4_lowered:
.L_overlay_start_0:
0x88: {  	s2 =	sld [smem:$0x3FD9]  }
0x89: {  	s3 =	sld [smem:$0x3FFE];
	_ =	sdelay $0x1  }
0x8a: {  	s1 =	srdreg.scid  }
0x8b: {  	s0 =	sand.u32 $0x1, s1  }
0x8c: {  	s17 =	sshll.u32 s0, $0xA;
	s2 =	sadd.s32 s3, s2  }
0x8d: {  	s2 =	sadd.s32 s2, s17  }
0x8e: {  	[smem:$0x3FC4] =	sst s2  }
0x8f: {  	_ = 	snop  }
0x90: {  	s18 =	sld [smem:$0x3FD0];
	(tm) =	ssettm $0x1  }
0x91: {  	s19 =	sld [smem:$0x3FFB];
	_ =	sdelay $0x3  }
0x92: {  	_ =	strace s19  }
0x93: {  	s2 =	sld [smem:$0x3FFC];
	_ =	sdelay $0x3  }
0x94: {  	_ =	strace s2  }
0x95: {  	s2 =	sld [smem:$0x3FFD];
	_ =	sdelay $0x3  }
0x96: {  	_ =	strace s2  }
0x97: {  	_ =	strace $0x8FFFFFFF  }
0x98: {  	s20 =	sld [smem:$0x3FDB];
	_ =	sdelay $0x1  }
0x99: {  	s4 =	simm.s32 $_scs_section_size  }
0x9a: {  	s5 =	simm.s32 $_size__tile_overlayer_lowered;
	s6 =	simm.s32 $_tile_overlayer_lowered  }
0x9b: {  	s7 =	simm.s32 $0x1BFF;
	s21 =	sshll.u32 s6, $0x1;
	s4 =	sadd.s32 s4, s20  }
0x9c: {  	s22 =	simm.s32 $0x0;
	s5 =	sshll.u32 s5, $0x1;
	s6 =	sadd.s32 s21, s4  }
0x9d: {  	[timem:s22], [sflag:s7] =	dma.local [hbm:s6], s5  }
0x9e: {  	_ =	swait.ge [sflag:s7], s5  }
0x9f: {  	s5 =	ssub.s32 $0x0, s5;
	[sflag:s7] =	ssyncset.done $0x0  }
0xa0: {  	[sflag:s7] =	ssyncadd.s32 s5;
	_ =	sdelay $0x1  }
0xa1: {  	s23 =	simm.s32 $0x1B8B  }
0xa2: {  	_ =	swait.ge [sflag:s23], $0x1  }
0xa3: {  	[sflag:s23] =	ssyncset.done $0x0  }
0xa4: {  	[sflag:s23] =	ssyncadd.s32 $0xFFFFFFFF  }
0xa5: {  	s5 =	sld [smem:$0x0]  }
0xa6: {  	s6 =	sand.u32 $0xFFFFFFFE, s1  }
0xa7: {  	p0 =	sne.s32 s1, s6  }
0xa8: {  	s6 =	sshll.u32 @p0 s6, $0xE  }
0xa9: {  	s6 =	sadd.s32 @p0 $0x11B8D, s6;
	s7 =	sshll.u32 @p0 s5, $0x11  }
0xaa: {  	s6 =	sor.u32 @p0 s7, s6  }
0xab: {  	[sflag:s6] =	ssyncadd.remote.s32 @p0 $0x1;
	_ =	sdelay $0x1  }
0xac: {  	s6 =	simm.s32 @p0 $0x1B8D  }
0xad: {  	_ =	swait.eq @p0 [sflag:s6], $0x1  }
0xae: {  	[sflag:s6] =	ssyncadd.s32 @p0 $0xFFFFFFFF  }
0xaf: {  	s7 =	sshll.u32 @!p0 s1, $0xE  }
0xb0: {  	s7 =	sor.u32 @!p0 $0x4000, s7;
	s6 =	simm.s32 @!p0 $0x1B8D  }
0xb1: {  	s5 =	sshll.u32 @!p0 s5, $0x11;
	s7 =	sadd.s32 @!p0 $0x11B8D, s7;
	_ =	swait.eq @!p0 [sflag:s6], $0x1  }
0xb2: {  	s5 =	sor.u32 @!p0 s5, s7;
	[sflag:s6] =	ssyncadd.s32 @!p0 $0xFFFFFFFF  }
0xb3: {  	s25 =	simm.s32 $0x1B8E;
	s24 =	sld [smem:$0x3FFE];
	[sflag:s5] =	ssyncadd.remote.s32 @!p0 $0x1  }
0xb4: {  	s26 =	simm.s32 $execute0_lowered;
	[smem:$0x3FD2] =	sst s25  }
0xb5: {  	s6 =	sshll.u32 s26, $0x1;
	_ =	strace $0x80000052;
	[dreg:$0x1] =	wrdreg $0xFFFFFFFF  }
0xb6: {  	s28 =	simm.s32 $_size_execute0_lowered;
	s4 =	sadd.s32 s4, s6;
	[dreg:$0x0] =	wrdreg $0x0  }
0xb7: {  	s6 =	sshll.u32 s28, $0x1;
	[dreg:$0x2] =	wrdreg s4  }
0xb8: {  	[dreg:$0x3] =	wrdreg s6  }
0xb9: {  	[dreg:$0x4] =	wrdreg $0xC0  }
0xba: {  	_ =	task [dreg:s22], $0x5FFFF  }
0xbb: {  	[dreg:$0x1] =	wrdreg $0xFFFFFFFF  }
0xbc: {  	[dreg:$0x0] =	wrdreg $0x60  }
0xbd: {  	[dreg:$0x2] =	wrdreg s24  }
0xbe: {  	[dreg:$0x3] =	wrdreg s18  }
0xbf: {  	[dreg:$0x4] =	wrdreg $0xD  }
0xc0: {  	_ =	task.clear_ibuf [dreg:s22], $0x5FFFF;
	_ =	strace $0x90000052  }
0xc1: {  	s29 =	simm.s32 $0xD;
	_ =	strace $0x80000054  }
0xc2: {  	_ =	swait.ge [sflag:s29], $0x1  }
0xc3: {  	[sflag:s29] =	ssyncadd.s32 $0xFFFFFFFF  }
0xc4: {  	_ =	strace $0x90000054  }
0xc5: {  	_ =	sfence  }
0xc6: {  	s30 =	sld [smem:$0x0];
	_ =	sdelay $0x2  }
0xc7: {  	s31 =	sshll.u32 s1, $0xD;
	s1 =	sshrl.u32 s1, $0x2  }
0xc8: {  	s4 =	sand.u32 $0x4000, s31;
	s1 =	sadd.s32 s1, s30  }
0xc9: {  	s0 =	sor.u32 s4, s0;
	s1 =	sshll.u32 s1, $0x11  }
0xca: {  	s0 =	sor.u32 s1, s0  }
0xcb: {  	s0 =	sadd.s32 $0x8F2B, s0  }
0xcc: {  	[sflag:s0] =	ssyncadd.remote.s32 $0x1  }
0xcd: {  	_ =	sfence.sel $0xFFFF  }
0xce: {  	[dreg:$0x0] =	wrdreg $0xFFFFFFFF;
	(pc) =	sbr.abs _section_cstart, $3  }
0xcf: {  	[dreg:$0x1] =	wrdreg $0xFFFFFFFF  }
0xd0: {  	_ =	task.clear_ibuf [dreg:s22], $0x2FFFF;
	_ =	strace $0x9FFFFFFF  }
0xd1: {  	(tm) =	ssettm $0x7FFFFFFF  }
tec
execute0_lowered:
.L_overlay_start_1:
0x0: {  	(tag) =	ssettag $0x1  }
0x1: {  	s1 =	srdreg.scid;
	s0 =	stileid.u32  }
0x2: {  	s16 =	sand.u32 $0x1, s1;
	s31 =	sshll.u32 s0, $0x1  }
0x3: {  	s5 =	rddreg [dreg:$0x0];
	s10 =	sor.u32 s16, s31  }
0x4: {  	s11 =	rddreg [dreg:$0x1];
	s3 =	smul.u32 $0x28, s10  }
0x5: {  	s2 =	simm.s32 $0x0;
	s1 =	rddreg [dreg:$0x2]  }
0x6: {  	[smem:$0x7FF] =	sst s2;
	s3 =	sadd.s32 s3, s5  }
0x7: {  	_ =	strace $0x80000053;
	s4 =	sadd.s32 $0x19A00, s3;
	s3 =	simm.s32 $0x3  }
0x8: {  	[tilespmem:s2], [sflag:$0x3] =	stream.linear.gather [hbm4b:s4+s2], $0x140, $0x38;
	[tilespmem:$0x2940] =	vst v63  }
0x9: {  	_ =	swait.ge [sflag:s3], $0x140  }
0xa: {  	s6 =	simm.s32 $0x50;
	[sflag:s3] =	ssyncset.done $0x0  }
0xb: {  	s7 =	simm.s32 $0x140;
	s5 =	sadd.s32 $0x2200, s5;
	[sflag:s3] =	ssyncadd.s32 $0xFFFFFEC0  }
0xc: {  	[tilespmem:s7], [sflag:$0x1] =	stream.indirect.gather [hbm4b:s5+s6], $0x40, s2, s6, $0xb8;
	[tilespmem:$0x2940] =	vst v63  }
0xd: {  	s8 =	simm.s32 $0x1540;
	s9 =	simm.s32 $0x1  }
0xe: {  	[tilespmem:s8], [sflag:$0x2] =	stream.indirect.gather [hbm4b:s5+s6], $0x40, s6, s6, $0xb8;
	[tilespmem:$0x2940] =	vst v63  }
0xf: {  	s10 =	smul.u32 $0xA00, s10;
	_ =	swait.ge [sflag:s9], $0x1400  }
0x10: {  	[sflag:s9] =	ssyncset.done $0x0  }
0x11: {  	s10 =	sadd.s32 s11, s10;
	[sflag:s9] =	ssyncadd.s32 $0xFFFFEC00  }
0x12: {  	[hbm4b:s10+s2] =	stream.linear.scatter [tilespmem:s7], [sflag:$0x3], $0x1400, $0x38;
	[tilespmem:$0x2940] =	vst v63  }
0x13: {  	_ =	swait.ge [sflag:s3], $0x1400  }
0x14: {  	[sflag:s3] =	ssyncset.done $0x0  }
0x15: {  	s12 =	simm.s32 $0x2;
	s11 =	simm.s32 $0xA0;
	[sflag:s3] =	ssyncadd.s32 $0xFFFFEC00  }
0x16: {  	[tilespmem:s7], [sflag:$0x1] =	stream.indirect.gather [hbm4b:s5+s6], $0x40, s11, s6, $0xb8;
	[tilespmem:$0x2940] =	vst v63  }
0x17: {  	_ =	swait.ge [sflag:s12], $0x1400  }
0x18: {  	[sflag:s12] =	ssyncset.done $0x0  }
0x19: {  	s13 =	sadd.s32 $0x280, s10;
	[sflag:s12] =	ssyncadd.s32 $0xFFFFEC00  }
0x1a: {  	[hbm4b:s13+s2] =	stream.linear.scatter [tilespmem:s8], [sflag:$0x3], $0x1400, $0x38;
	[tilespmem:$0x2940] =	vst v63  }
0x1b: {  	_ =	swait.ge [sflag:s3], $0x1400  }
0x1c: {  	[sflag:s3] =	ssyncset.done $0x0  }
0x1d: {  	s14 =	simm.s32 $0xF0;
	[sflag:s3] =	ssyncadd.s32 $0xFFFFEC00  }
0x1e: {  	[tilespmem:s8], [sflag:$0x2] =	stream.indirect.gather [hbm4b:s5+s6], $0x40, s14, s6, $0xb8;
	[tilespmem:$0x2940] =	vst v63  }
0x1f: {  	_ =	swait.ge [sflag:s9], $0x1400  }
0x20: {  	[sflag:s9] =	ssyncset.done $0x0  }
0x21: {  	s16 =	ssub.s32 $0x2, s16;
	s15 =	sadd.s32 $0x500, s10;
	[sflag:s9] =	ssyncadd.s32 $0xFFFFEC00  }
0x22: {  	[hbm4b:s15+s2] =	stream.linear.scatter [tilespmem:s7], [sflag:$0x3], $0x1400, $0x38;
	[tilespmem:$0x2940] =	vst v63  }
0x23: {  	s17 =	sshrl.u32 s16, $0x1;
	_ =	swait.ge [sflag:s3], $0x1400  }
0x24: {  	s16 =	ssub.s32 s16, s17;
	[sflag:s3] =	ssyncset.done $0x0  }
0x25: {  	s17 =	smax.u32 s16, $0x1;
	[sflag:s3] =	ssyncadd.s32 $0xFFFFEC00  }
0x26: {  	p0 =	sne.s32 s17, $0x1;
	_ =	swait.ge [sflag:s12], $0x1400  }
.Ltmp0:
0x27: {  	[sflag:s12] =	ssyncset.done $0x0;
	(pc) =	sbr.rel @!p0 .LBB2_2-.Ltmp0, $4  }
0x28: {  	s16 =	sadd.s32 $0x780, s10;
	[sflag:s12] =	ssyncadd.s32 $0xFFFFEC00  }
0x29: {  	[hbm4b:s16+s2] =	stream.linear.scatter [tilespmem:s8], [sflag:$0x3], $0x1400, $0x38;
	[tilespmem:$0x2940] =	vst v63  }
0x2a: {  	_ =	swait.ge [sflag:s3], $0x1400  }
0x2b: {  	s17 =	sadd.s32 $0xFFFFFFFF, s17;
	[sflag:s3] =	ssyncset.done $0x0  }
.LBB2_1:
0x2c: {  	p0 =	sne.s32 s17, $0x1;
	s17 =	sadd.s32 $0xFFFFFFFF, s17;
	[sflag:s3] =	ssyncadd.s32 $0xFFFFEC00  }
0x2d: {  	[tilespmem:s2], [sflag:$0x3] =	stream.linear.gather [hbm4b:s4+s2], $0x140, $0x38;
	[tilespmem:$0x2940] =	vst v63  }
0x2e: {  	_ =	swait.ge [sflag:s3], $0x140  }
0x2f: {  	[sflag:s3] =	ssyncset.done $0x0  }
0x30: {  	[sflag:s3] =	ssyncadd.s32 $0xFFFFFEC0  }
0x31: {  	[tilespmem:s7], [sflag:$0x1] =	stream.indirect.gather [hbm4b:s5+s6], $0x40, s2, s6, $0xb8;
	[tilespmem:$0x2940] =	vst v63  }
0x32: {  	_ = 	snop  }
0x33: {  	[tilespmem:s8], [sflag:$0x2] =	stream.indirect.gather [hbm4b:s5+s6], $0x40, s6, s6, $0xb8;
	[tilespmem:$0x2940] =	vst v63  }
0x34: {  	_ =	swait.ge [sflag:s9], $0x1400  }
0x35: {  	[sflag:s9] =	ssyncset.done $0x0  }
0x36: {  	[sflag:s9] =	ssyncadd.s32 $0xFFFFEC00  }
0x37: {  	[hbm4b:s10+s2] =	stream.linear.scatter [tilespmem:s7], [sflag:$0x3], $0x1400, $0x38;
	[tilespmem:$0x2940] =	vst v63  }
0x38: {  	_ =	swait.ge [sflag:s3], $0x1400  }
0x39: {  	[sflag:s3] =	ssyncset.done $0x0  }
0x3a: {  	[sflag:s3] =	ssyncadd.s32 $0xFFFFEC00  }
0x3b: {  	[tilespmem:s7], [sflag:$0x1] =	stream.indirect.gather [hbm4b:s5+s6], $0x40, s11, s6, $0xb8;
	[tilespmem:$0x2940] =	vst v63  }
0x3c: {  	_ =	swait.ge [sflag:s12], $0x1400  }
0x3d: {  	[sflag:s12] =	ssyncset.done $0x0  }
0x3e: {  	[sflag:s12] =	ssyncadd.s32 $0xFFFFEC00  }
0x3f: {  	[hbm4b:s13+s2] =	stream.linear.scatter [tilespmem:s8], [sflag:$0x3], $0x1400, $0x38;
	[tilespmem:$0x2940] =	vst v63  }
0x40: {  	_ =	swait.ge [sflag:s3], $0x1400  }
0x41: {  	[sflag:s3] =	ssyncset.done $0x0  }
0x42: {  	[sflag:s3] =	ssyncadd.s32 $0xFFFFEC00  }
0x43: {  	[tilespmem:s8], [sflag:$0x2] =	stream.indirect.gather [hbm4b:s5+s6], $0x40, s14, s6, $0xb8;
	[tilespmem:$0x2940] =	vst v63  }
0x44: {  	_ =	swait.ge [sflag:s9], $0x1400  }
0x45: {  	[sflag:s9] =	ssyncset.done $0x0  }
0x46: {  	[sflag:s9] =	ssyncadd.s32 $0xFFFFEC00  }
0x47: {  	[hbm4b:s15+s2] =	stream.linear.scatter [tilespmem:s7], [sflag:$0x3], $0x1400, $0x38;
	[tilespmem:$0x2940] =	vst v63  }
0x48: {  	_ =	swait.ge [sflag:s3], $0x1400  }
0x49: {  	[sflag:s3] =	ssyncset.done $0x0  }
0x4a: {  	[sflag:s3] =	ssyncadd.s32 $0xFFFFEC00  }
0x4b: {  	_ =	swait.ge [sflag:s12], $0x1400  }
.Ltmp1:
0x4c: {  	[sflag:s12] =	ssyncset.done $0x0;
	(pc) =	sbr.rel @p0 .LBB2_1-.Ltmp1, $4  }
0x4d: {  	[sflag:s12] =	ssyncadd.s32 $0xFFFFEC00  }
0x4e: {  	[hbm4b:s16+s2] =	stream.linear.scatter [tilespmem:s8], [sflag:$0x3], $0x1400, $0x38;
	[tilespmem:$0x2940] =	vst v63  }
0x4f: {  	_ =	swait.ge [sflag:s3], $0x1400  }
0x50: {  	[sflag:s3] =	ssyncset.done $0x0  }
.LBB2_2:
0x51: {  	[sflag:s3] =	ssyncadd.s32 $0xFFFFEC00  }
0x52: {  	_ =	sfence.sel $0x180000  }
0x53: {  	[bflag:$0x0] =	sbarrier.arrive $0xFFFF  }
0x54: {  	p0 =	sne.s32 s0, $0x0;
	_ =	strace $0x90000053  }
0x55: {  	s0 =	sadd.s32 @!p0 $0x100000, s1;
	[bflag:$0x2] =	sbarrier.arrive $0xFFFF  }
0x56: {  	[sflag:s0] =	ssyncadd.tile.s32 @!p0 $0x1;
	_ =	shalt  }
.Lfunc_end2:
_tile_overlayer_lowered:
.L_overlay_start_2:
0x57: {  	(tag) =	ssettag $0x2  }
0x58: {  	s0 =	rddreg [dreg:$0x0];
	s2 =	stileid.u32  }
0x59: {  	s1 =	rddreg [dreg:$0x1];
	p0 =	sne.s32 s2, $0x0  }
0x5a: {  	s3 =	rddreg [dreg:$0x2];
	[bflag:$0x3] =	sbarrier.arrive $0xFFFF;
	s2 =	simm.s32 @!p0 $0x1C03  }
0x5b: {  	[timem:s3], [sflag:s2] =	dma.local @!p0 [hbm:s0], s1  }
0x5c: {  	s0 =	simm.s32 @!p0 $0x3  }
0x5d: {  	_ =	swait.ge @!p0 [sflag:s0], s1  }
0x5e: {  	s1 =	ssub.s32 @!p0 $0x0, s1;
	[sflag:s0] =	ssyncset.done @!p0 $0x0  }
0x5f: {  	[sflag:s0] =	ssyncadd.s32 @!p0 s1  }
0x60: {  	[bflag:$0x3] =	sbarrier.arrive $0xFFFF  }
0x61: {  	_ =	shalt  }

</sc_bundles>
